<compile_context>
chip_gen: v7x
topology: tpu7x:2x2x1
jax: 0.10.2.dev20260603
libtpu: 0.0.44.dev20260713+nightly
codegen_flags: <defaults>
</compile_context>

<pallas_src>
import functools

import jax
import jax.numpy as jnp
from jax import lax
from jax.experimental import pallas as pl
from jax.experimental.pallas import tpu as pltpu
from jax.experimental.pallas import tpu_sc as plsc

_M = 4096
_N = 16384
_DELTA = 5.0
_K = 163

_BR = 32
_CW = 512
_ITERS = 9

_NW = 32
_BPW = _M // _NW


def _pos_chunk_gather(x_flat, targets):
    mesh = plsc.VectorSubcoreMesh(core_axis_name="c", subcore_axis_name="s")

    @functools.partial(
        pl.kernel, mesh=mesh,
        out_type=jax.ShapeDtypeStruct((_M, 128), jnp.float32),
        scratch_types=[
            pltpu.VMEM((_BPW,), jnp.int32),
            pltpu.VMEM((_BPW,), jnp.int32),
            pltpu.VMEM((_BPW, 128), jnp.float32),
            pltpu.SemaphoreType.DMA,
        ],
    )
    def k(x_hbm, t_hbm, o_hbm, t_v, c_v, rows_v, sem):
        wid = lax.axis_index("s") * 2 + lax.axis_index("c")
        base = wid * _BPW
        pltpu.sync_copy(t_hbm.at[pl.ds(base, _BPW)], t_v)
        iota = lax.broadcasted_iota(jnp.int32, (16,), 0)
        for j in range(_BPW // 16):
            t16 = t_v[pl.ds(16 * j, 16)]
            row = base + 16 * j + iota
            c_v[pl.ds(16 * j, 16)] = row * (_N // 128) + (t16 >> 7)
        pltpu.async_copy(x_hbm.at[c_v], rows_v, sem).wait()
        pltpu.sync_copy(rows_v, o_hbm.at[pl.ds(base, _BPW)])

    return k(x_flat, targets)


def _tree128(m, op=None):
    w = m.shape[1]
    while w > 128:
        h = w // 2
        a, b = m[:, :h], m[:, h:]
        m = (a + b) if op is None else op(a, b)
        w = h
    return m


def _select_body(x_ref, o_ref):
    nch = _N // _CW
    kf = jnp.float32(_K)

    mxa = jnp.full((_BR, 128), -jnp.inf, jnp.float32)
    mna = jnp.full((_BR, 128), jnp.inf, jnp.float32)
    for c in range(nch):
        x = x_ref[:, pl.ds(c * _CW, _CW)]
        mxa = jnp.maximum(mxa, _tree128(x, jnp.maximum))
        mna = jnp.minimum(mna, _tree128(x, jnp.minimum))
    mx = jnp.max(mxa, axis=1, keepdims=True)
    mn = jnp.min(mna, axis=1, keepdims=True)

    def bis(j, carry):
        lo, hi = carry
        mid = 0.5 * lo + 0.5 * hi
        acc = jnp.zeros((_BR, 128), jnp.float32)
        for c in range(nch):
            x = x_ref[:, pl.ds(c * _CW, _CW)]
            acc = acc + _tree128(jnp.where(x >= mid, 1.0, 0.0))
        cnt = jnp.sum(acc, axis=1, keepdims=True)
        ok = cnt >= kf
        return jnp.where(ok, mid, lo), jnp.where(ok, hi, mid)

    blo, bhi = jax.lax.fori_loop(0, _ITERS, bis, (mn, mx))
    t = 0.5 * blo + 0.5 * bhi

    tv = 1.0 + t
    tsq = tv * tv
    wacc = jnp.zeros((_BR, 128), jnp.float32)
    for c in range(nch):
        x = x_ref[:, pl.ds(c * _CW, _CW)]
        v = 1.0 + x
        wacc = wacc + _tree128(jnp.where(x >= t, v * v - tsq, 0.0))
    w = jnp.sum(wacc, axis=1, keepdims=True)

    iota = lax.broadcasted_iota(jnp.int32, (_BR, 128), 1)
    o_ref[...] = (jnp.where(iota == 0, t, 0.0)
                  + jnp.where(iota == 1, w, 0.0))


def _combine_body(st_ref, pc_ref, t_ref, o_ref):
    kf = jnp.float32(_K)
    iota = lax.broadcasted_iota(jnp.int32, (_M, 128), 1)
    lane = t_ref[...] & 127
    pos = jnp.sum(jnp.where(iota == lane, pc_ref[...], 0.0),
                  axis=1, keepdims=True)
    st = st_ref[...]
    t = jnp.sum(jnp.where(iota == 0, st, 0.0), axis=1, keepdims=True)
    w = jnp.sum(jnp.where(iota == 1, st, 0.0), axis=1, keepdims=True)
    tv = 1.0 + t
    tsq = tv * tv
    pv = 1.0 + pos
    top = (w - jnp.where(pos >= t, pv * pv - tsq, 0.0) + kf * tsq)
    per_row = _DELTA * (1.0 - pos) ** 2 + top * (1.0 / kf)
    o_ref[...] = jnp.reshape(jnp.sum(per_row) * (1.0 / _M), (1, 1))


@functools.partial(jax.jit, static_argnames=())
def kernel(inputs, targets):
    t32 = targets.astype(jnp.int32)
    pos_chunks = _pos_chunk_gather(inputs.reshape(_M * _N // 128, 128), t32)
    stats = pl.pallas_call(
        _select_body,
        grid=(_M // _BR,),
        in_specs=[pl.BlockSpec((_BR, _N), lambda i: (i, 0))],
        out_specs=pl.BlockSpec((_BR, 128), lambda i: (i, 0)),
        out_shape=jax.ShapeDtypeStruct((_M, 128), jnp.float32),
    )(inputs)
    out = pl.pallas_call(
        _combine_body,
        grid=(1,),
        in_specs=[
            pl.BlockSpec((_M, 128), lambda i: (0, 0)),
            pl.BlockSpec((_M, 128), lambda i: (0, 0)),
            pl.BlockSpec((_M, 1), lambda i: (0, 0)),
        ],
        out_specs=pl.BlockSpec((1, 1), lambda i: (0, 0)),
        out_shape=jax.ShapeDtypeStruct((1, 1), jnp.float32),
    )(stats, pos_chunks, t32.reshape(_M, 1))
    return out[0, 0]

# --- scband reference (transcript-rebuilt; emitter-appended) ---
"""Pipeline reference for scband-mmcl-26912265077051 (READ-ONLY COPY).

The authoritative reference and input builder live on the scoring server;
editing this copy changes nothing except your own understanding.
"""

import jax, jax.numpy as jnp
import numpy as np

M = 4096
N = 16384
DELTA = 5.0
R = 0.01


def setup_inputs(seed: int = 0) -> dict:
    key = jax.random.key(seed)
    k1, k2 = jax.random.split(key)
    inputs = jax.random.normal(k1, (M, N), dtype=jnp.float32)
    targets = jax.random.randint(k2, (M,), 0, N, dtype=jnp.int32)
    return {"inputs": inputs, "targets": targets}


def reference(inputs, targets):
    m, n = inputs.shape
    row = jnp.arange(m)
    # multilabel one-hot via scatter: exactly one positive per row
    pos_mask = jnp.zeros((m, n), dtype=bool).at[row, targets].set(True)
    # positive logit (single element per row) -> mean((1-pos)^2) == (1-pos)^2
    pos_logit = jnp.take_along_axis(inputs, targets[:, None], axis=1)[:, 0]
    # negatives: mask out the positive column; sort descending == top_k
    neg_vals = jnp.where(pos_mask, -jnp.inf, inputs)
    num = int(R * (n - 1))  # int(r * neg_logit.size(0))
    hard_neg, _ = jax.lax.top_k(neg_vals, num)
    per_row = DELTA * (1.0 - pos_logit) ** 2 + jnp.mean((1.0 + hard_neg) ** 2, axis=1)
    return jnp.mean(per_row)

if __name__ == "__main__":
    import jax
    _d = setup_inputs()
    print(jax.jit(kernel)(*tuple(_d.values())))

</pallas_src>

<mosaic_0001>
#map = affine_map<(d0, d1) -> (0, 0)>
#map1 = affine_map<(d0, d1) -> (0)>
module attributes {stable_mosaic.version = 14 : i64} {
  func.func @k(%arg0: i32, %arg1: i32, %arg2: memref<524288x128xf32, #tpu.memory_space<hbm>>, %arg3: memref<4096xi32, #tpu.memory_space<hbm>>, %arg4: memref<4096x128xf32, #tpu.memory_space<hbm>>, %arg5: memref<128xi32, #tpu.memory_space<vmem>>, %arg6: memref<128xi32, #tpu.memory_space<vmem>>, %arg7: memref<128x128xf32, #tpu.memory_space<vmem>>, %arg8: memref<!tpu.dma_semaphore, #tpu.memory_space<semaphore_mem>>) attributes {dimension_semantics = [#tpu.dimension_semantics<core_parallel>, #tpu.dimension_semantics<subcore_parallel>], iteration_bounds = array<i64: 2, 16>, scalar_prefetch = 0 : i64, scratch_operands = 4 : i64, tpu.core_type = #tpu.core_type<sc_vector_subcore>, window_params = [{transform_indices = #map}, {transform_indices = #map1}, {transform_indices = #map}]} {
    %mul3A = arith.constant 2 : i32
    %mul3A_0 = arith.muli %arg1, %mul3A : i32
    %add3A = arith.addi %mul3A_0, %arg0 : i32
    %mul3A_1 = arith.constant 128 : i32
    %mul3A_2 = arith.muli %add3A, %mul3A_1 : i32
    "tpu.region"() ({
      %run_scoped3A = tpu.sem_alloc : memref<!tpu.dma_semaphore, #tpu.memory_space<semaphore_mem>>
      %dma_start3A_148 = tpu.memref_slice %arg3[%mul3A_2] : memref<4096xi32, #tpu.memory_space<hbm>> -> memref<128xi32, #tpu.memory_space<hbm>>
      %dma_start3A_149 = tpu.memref_slice %arg3[%mul3A_2] : memref<4096xi32, #tpu.memory_space<hbm>> -> memref<128xi32, #tpu.memory_space<hbm>>
      tpu.enqueue_dma source(%dma_start3A_149 : memref<128xi32, #tpu.memory_space<hbm>>) target(%arg5 : memref<128xi32, #tpu.memory_space<vmem>>) target_semaphore(%run_scoped3A : memref<!tpu.dma_semaphore, #tpu.memory_space<semaphore_mem>>)
      %dma_wait3A_150 = tpu.memref_slice %arg3[%mul3A_2] : memref<4096xi32, #tpu.memory_space<hbm>> -> memref<128xi32, #tpu.memory_space<hbm>>
      %dma_wait3A_151 = tpu.memref_slice %arg3[%mul3A_2] : memref<4096xi32, #tpu.memory_space<hbm>> -> memref<128xi32, #tpu.memory_space<hbm>>
      tpu.wait_dma2 semaphore(%run_scoped3A : memref<!tpu.dma_semaphore, #tpu.memory_space<semaphore_mem>>) src(%dma_wait3A_151 : memref<128xi32, #tpu.memory_space<hbm>>) dst(%arg5 : memref<128xi32, #tpu.memory_space<vmem>>)
      tpu.yield
    }) : () -> ()
    %iota3A = tpu.iota {dimensions = array<i32: 0>} : vector<16xi32>
    %get3A = arith.constant 0 : index
    %get3A_3 = tpu.vector_load %arg5[%get3A] {strides = array<i32>} : memref<128xi32, #tpu.memory_space<vmem>>, vector<16xi32>,
    %get3A_4 = vector.shape_cast %get3A_3 : vector<16xi32> to vector<16xi32>
    %add3A_5 = arith.constant 0 : i32
    %add3A_6 = arith.addi %mul3A_2, %add3A_5 : i32
    %add3A_7 = vector.broadcast %add3A_6 : i32 to vector<16xi32>
    %add3A_8 = arith.addi %add3A_7, %iota3A : vector<16xi32>
    %mul3A_9 = arith.constant 128 : i32
    %mul3A_10 = vector.broadcast %mul3A_9 : i32 to vector<16xi32>
    %mul3A_11 = arith.muli %add3A_8, %mul3A_10 : vector<16xi32>
    %shift_right_arithmetic3A = arith.constant 7 : i32
    %shift_right_arithmetic3A_12 = vector.broadcast %shift_right_arithmetic3A : i32 to vector<16xi32>
    %shift_right_arithmetic3A_13 = arith.shrsi %get3A_4, %shift_right_arithmetic3A_12 : vector<16xi32>
    %add3A_14 = arith.addi %mul3A_11, %shift_right_arithmetic3A_13 : vector<16xi32>
    %swap3A = arith.constant 0 : index
    %swap3A_15 = tpu.vector_load %arg6[%swap3A] {strides = array<i32>} : memref<128xi32, #tpu.memory_space<vmem>>, vector<16xi32>,
    %swap3A_16 = vector.shape_cast %swap3A_15 : vector<16xi32> to vector<16xi32>
    %swap3A_17 = vector.shape_cast %add3A_14 : vector<16xi32> to vector<16xi32>
    tpu.vector_store %arg6[%swap3A], %swap3A_17 {strides = array<i32>} : memref<128xi32, #tpu.memory_space<vmem>>, vector<16xi32>,
    %get3A_18 = arith.constant 16 : index
    %get3A_19 = tpu.vector_load %arg5[%get3A_18] {strides = array<i32>} : memref<128xi32, #tpu.memory_space<vmem>>, vector<16xi32>,
    %get3A_20 = vector.shape_cast %get3A_19 : vector<16xi32> to vector<16xi32>
    %add3A_21 = arith.constant 16 : i32
    %add3A_22 = arith.addi %mul3A_2, %add3A_21 : i32
    %add3A_23 = vector.broadcast %add3A_22 : i32 to vector<16xi32>
    %add3A_24 = arith.addi %add3A_23, %iota3A : vector<16xi32>
    %mul3A_25 = arith.constant 128 : i32
    %mul3A_26 = vector.broadcast %mul3A_25 : i32 to vector<16xi32>
    %mul3A_27 = arith.muli %add3A_24, %mul3A_26 : vector<16xi32>
    %shift_right_arithmetic3A_28 = arith.constant 7 : i32
    %shift_right_arithmetic3A_29 = vector.broadcast %shift_right_arithmetic3A_28 : i32 to vector<16xi32>
    %shift_right_arithmetic3A_30 = arith.shrsi %get3A_20, %shift_right_arithmetic3A_29 : vector<16xi32>
    %add3A_31 = arith.addi %mul3A_27, %shift_right_arithmetic3A_30 : vector<16xi32>
    %swap3A_32 = arith.constant 16 : index
    %swap3A_33 = tpu.vector_load %arg6[%swap3A_32] {strides = array<i32>} : memref<128xi32, #tpu.memory_space<vmem>>, vector<16xi32>,
    %swap3A_34 = vector.shape_cast %swap3A_33 : vector<16xi32> to vector<16xi32>
    %swap3A_35 = vector.shape_cast %add3A_31 : vector<16xi32> to vector<16xi32>
    tpu.vector_store %arg6[%swap3A_32], %swap3A_35 {strides = array<i32>} : memref<128xi32, #tpu.memory_space<vmem>>, vector<16xi32>,
    %get3A_36 = arith.constant 32 : index
    %get3A_37 = tpu.vector_load %arg5[%get3A_36] {strides = array<i32>} : memref<128xi32, #tpu.memory_space<vmem>>, vector<16xi32>,
    %get3A_38 = vector.shape_cast %get3A_37 : vector<16xi32> to vector<16xi32>
    %add3A_39 = arith.constant 32 : i32
    %add3A_40 = arith.addi %mul3A_2, %add3A_39 : i32
    %add3A_41 = vector.broadcast %add3A_40 : i32 to vector<16xi32>
    %add3A_42 = arith.addi %add3A_41, %iota3A : vector<16xi32>
    %mul3A_43 = arith.constant 128 : i32
    %mul3A_44 = vector.broadcast %mul3A_43 : i32 to vector<16xi32>
    %mul3A_45 = arith.muli %add3A_42, %mul3A_44 : vector<16xi32>
    %shift_right_arithmetic3A_46 = arith.constant 7 : i32
    %shift_right_arithmetic3A_47 = vector.broadcast %shift_right_arithmetic3A_46 : i32 to vector<16xi32>
    %shift_right_arithmetic3A_48 = arith.shrsi %get3A_38, %shift_right_arithmetic3A_47 : vector<16xi32>
    %add3A_49 = arith.addi %mul3A_45, %shift_right_arithmetic3A_48 : vector<16xi32>
    %swap3A_50 = arith.constant 32 : index
    %swap3A_51 = tpu.vector_load %arg6[%swap3A_50] {strides = array<i32>} : memref<128xi32, #tpu.memory_space<vmem>>, vector<16xi32>,
    %swap3A_52 = vector.shape_cast %swap3A_51 : vector<16xi32> to vector<16xi32>
    %swap3A_53 = vector.shape_cast %add3A_49 : vector<16xi32> to vector<16xi32>
    tpu.vector_store %arg6[%swap3A_50], %swap3A_53 {strides = array<i32>} : memref<128xi32, #tpu.memory_space<vmem>>, vector<16xi32>,
    %get3A_54 = arith.constant 48 : index
    %get3A_55 = tpu.vector_load %arg5[%get3A_54] {strides = array<i32>} : memref<128xi32, #tpu.memory_space<vmem>>, vector<16xi32>,
    %get3A_56 = vector.shape_cast %get3A_55 : vector<16xi32> to vector<16xi32>
    %add3A_57 = arith.constant 48 : i32
    %add3A_58 = arith.addi %mul3A_2, %add3A_57 : i32
    %add3A_59 = vector.broadcast %add3A_58 : i32 to vector<16xi32>
    %add3A_60 = arith.addi %add3A_59, %iota3A : vector<16xi32>
    %mul3A_61 = arith.constant 128 : i32
    %mul3A_62 = vector.broadcast %mul3A_61 : i32 to vector<16xi32>
    %mul3A_63 = arith.muli %add3A_60, %mul3A_62 : vector<16xi32>
    %shift_right_arithmetic3A_64 = arith.constant 7 : i32
    %shift_right_arithmetic3A_65 = vector.broadcast %shift_right_arithmetic3A_64 : i32 to vector<16xi32>
    %shift_right_arithmetic3A_66 = arith.shrsi %get3A_56, %shift_right_arithmetic3A_65 : vector<16xi32>
    %add3A_67 = arith.addi %mul3A_63, %shift_right_arithmetic3A_66 : vector<16xi32>
    %swap3A_68 = arith.constant 48 : index
    %swap3A_69 = tpu.vector_load %arg6[%swap3A_68] {strides = array<i32>} : memref<128xi32, #tpu.memory_space<vmem>>, vector<16xi32>,
    %swap3A_70 = vector.shape_cast %swap3A_69 : vector<16xi32> to vector<16xi32>
    %swap3A_71 = vector.shape_cast %add3A_67 : vector<16xi32> to vector<16xi32>
    tpu.vector_store %arg6[%swap3A_68], %swap3A_71 {strides = array<i32>} : memref<128xi32, #tpu.memory_space<vmem>>, vector<16xi32>,
    %get3A_72 = arith.constant 64 : index
    %get3A_73 = tpu.vector_load %arg5[%get3A_72] {strides = array<i32>} : memref<128xi32, #tpu.memory_space<vmem>>, vector<16xi32>,
    %get3A_74 = vector.shape_cast %get3A_73 : vector<16xi32> to vector<16xi32>
    %add3A_75 = arith.constant 64 : i32
    %add3A_76 = arith.addi %mul3A_2, %add3A_75 : i32
    %add3A_77 = vector.broadcast %add3A_76 : i32 to vector<16xi32>
    %add3A_78 = arith.addi %add3A_77, %iota3A : vector<16xi32>
    %mul3A_79 = arith.constant 128 : i32
    %mul3A_80 = vector.broadcast %mul3A_79 : i32 to vector<16xi32>
    %mul3A_81 = arith.muli %add3A_78, %mul3A_80 : vector<16xi32>
    %shift_right_arithmetic3A_82 = arith.constant 7 : i32
    %shift_right_arithmetic3A_83 = vector.broadcast %shift_right_arithmetic3A_82 : i32 to vector<16xi32>
    %shift_right_arithmetic3A_84 = arith.shrsi %get3A_74, %shift_right_arithmetic3A_83 : vector<16xi32>
    %add3A_85 = arith.addi %mul3A_81, %shift_right_arithmetic3A_84 : vector<16xi32>
    %swap3A_86 = arith.constant 64 : index
    %swap3A_87 = tpu.vector_load %arg6[%swap3A_86] {strides = array<i32>} : memref<128xi32, #tpu.memory_space<vmem>>, vector<16xi32>,
    %swap3A_88 = vector.shape_cast %swap3A_87 : vector<16xi32> to vector<16xi32>
    %swap3A_89 = vector.shape_cast %add3A_85 : vector<16xi32> to vector<16xi32>
    tpu.vector_store %arg6[%swap3A_86], %swap3A_89 {strides = array<i32>} : memref<128xi32, #tpu.memory_space<vmem>>, vector<16xi32>,
    %get3A_90 = arith.constant 80 : index
    %get3A_91 = tpu.vector_load %arg5[%get3A_90] {strides = array<i32>} : memref<128xi32, #tpu.memory_space<vmem>>, vector<16xi32>,
    %get3A_92 = vector.shape_cast %get3A_91 : vector<16xi32> to vector<16xi32>
    %add3A_93 = arith.constant 80 : i32
    %add3A_94 = arith.addi %mul3A_2, %add3A_93 : i32
    %add3A_95 = vector.broadcast %add3A_94 : i32 to vector<16xi32>
    %add3A_96 = arith.addi %add3A_95, %iota3A : vector<16xi32>
    %mul3A_97 = arith.constant 128 : i32
    %mul3A_98 = vector.broadcast %mul3A_97 : i32 to vector<16xi32>
    %mul3A_99 = arith.muli %add3A_96, %mul3A_98 : vector<16xi32>
    %shift_right_arithmetic3A_100 = arith.constant 7 : i32
    %shift_right_arithmetic3A_101 = vector.broadcast %shift_right_arithmetic3A_100 : i32 to vector<16xi32>
    %shift_right_arithmetic3A_102 = arith.shrsi %get3A_92, %shift_right_arithmetic3A_101 : vector<16xi32>
    %add3A_103 = arith.addi %mul3A_99, %shift_right_arithmetic3A_102 : vector<16xi32>
    %swap3A_104 = arith.constant 80 : index
    %swap3A_105 = tpu.vector_load %arg6[%swap3A_104] {strides = array<i32>} : memref<128xi32, #tpu.memory_space<vmem>>, vector<16xi32>,
    %swap3A_106 = vector.shape_cast %swap3A_105 : vector<16xi32> to vector<16xi32>
    %swap3A_107 = vector.shape_cast %add3A_103 : vector<16xi32> to vector<16xi32>
    tpu.vector_store %arg6[%swap3A_104], %swap3A_107 {strides = array<i32>} : memref<128xi32, #tpu.memory_space<vmem>>, vector<16xi32>,
    %get3A_108 = arith.constant 96 : index
    %get3A_109 = tpu.vector_load %arg5[%get3A_108] {strides = array<i32>} : memref<128xi32, #tpu.memory_space<vmem>>, vector<16xi32>,
    %get3A_110 = vector.shape_cast %get3A_109 : vector<16xi32> to vector<16xi32>
    %add3A_111 = arith.constant 96 : i32
    %add3A_112 = arith.addi %mul3A_2, %add3A_111 : i32
    %add3A_113 = vector.broadcast %add3A_112 : i32 to vector<16xi32>
    %add3A_114 = arith.addi %add3A_113, %iota3A : vector<16xi32>
    %mul3A_115 = arith.constant 128 : i32
    %mul3A_116 = vector.broadcast %mul3A_115 : i32 to vector<16xi32>
    %mul3A_117 = arith.muli %add3A_114, %mul3A_116 : vector<16xi32>
    %shift_right_arithmetic3A_118 = arith.constant 7 : i32
    %shift_right_arithmetic3A_119 = vector.broadcast %shift_right_arithmetic3A_118 : i32 to vector<16xi32>
    %shift_right_arithmetic3A_120 = arith.shrsi %get3A_110, %shift_right_arithmetic3A_119 : vector<16xi32>
    %add3A_121 = arith.addi %mul3A_117, %shift_right_arithmetic3A_120 : vector<16xi32>
    %swap3A_122 = arith.constant 96 : index
    %swap3A_123 = tpu.vector_load %arg6[%swap3A_122] {strides = array<i32>} : memref<128xi32, #tpu.memory_space<vmem>>, vector<16xi32>,
    %swap3A_124 = vector.shape_cast %swap3A_123 : vector<16xi32> to vector<16xi32>
    %swap3A_125 = vector.shape_cast %add3A_121 : vector<16xi32> to vector<16xi32>
    tpu.vector_store %arg6[%swap3A_122], %swap3A_125 {strides = array<i32>} : memref<128xi32, #tpu.memory_space<vmem>>, vector<16xi32>,
    %get3A_126 = arith.constant 112 : index
    %get3A_127 = tpu.vector_load %arg5[%get3A_126] {strides = array<i32>} : memref<128xi32, #tpu.memory_space<vmem>>, vector<16xi32>,
    %get3A_128 = vector.shape_cast %get3A_127 : vector<16xi32> to vector<16xi32>
    %add3A_129 = arith.constant 112 : i32
    %add3A_130 = arith.addi %mul3A_2, %add3A_129 : i32
    %add3A_131 = vector.broadcast %add3A_130 : i32 to vector<16xi32>
    %add3A_132 = arith.addi %add3A_131, %iota3A : vector<16xi32>
    %mul3A_133 = arith.constant 128 : i32
    %mul3A_134 = vector.broadcast %mul3A_133 : i32 to vector<16xi32>
    %mul3A_135 = arith.muli %add3A_132, %mul3A_134 : vector<16xi32>
    %shift_right_arithmetic3A_136 = arith.constant 7 : i32
    %shift_right_arithmetic3A_137 = vector.broadcast %shift_right_arithmetic3A_136 : i32 to vector<16xi32>
    %shift_right_arithmetic3A_138 = arith.shrsi %get3A_128, %shift_right_arithmetic3A_137 : vector<16xi32>
    %add3A_139 = arith.addi %mul3A_135, %shift_right_arithmetic3A_138 : vector<16xi32>
    %swap3A_140 = arith.constant 112 : index
    %swap3A_141 = tpu.vector_load %arg6[%swap3A_140] {strides = array<i32>} : memref<128xi32, #tpu.memory_space<vmem>>, vector<16xi32>,
    %swap3A_142 = vector.shape_cast %swap3A_141 : vector<16xi32> to vector<16xi32>
    %swap3A_143 = vector.shape_cast %add3A_139 : vector<16xi32> to vector<16xi32>
    tpu.vector_store %arg6[%swap3A_140], %swap3A_143 {strides = array<i32>} : memref<128xi32, #tpu.memory_space<vmem>>, vector<16xi32>,
    %dma_start3A = arith.constant 0 : i32
    %dma_start3A_144 = arith.constant 0 : i32
    %dma_start3A_145 = tpu.memref_slice %arg2[%dma_start3A, %dma_start3A_144] : memref<524288x128xf32, #tpu.memory_space<hbm>> -> memref<524288x128xf32, #tpu.memory_space<hbm>>
    tpu.enqueue_indirect_dma source(%dma_start3A_145 : memref<524288x128xf32, #tpu.memory_space<hbm>>) target(%arg7 : memref<128x128xf32, #tpu.memory_space<vmem>>) offsets(%arg6 : memref<128xi32, #tpu.memory_space<vmem>>) semaphore(%arg8 : memref<!tpu.dma_semaphore, #tpu.memory_space<semaphore_mem>>)
    %dma_wait3A = arith.constant 0 : i32
    %dma_wait3A_146 = arith.constant 0 : i32
    %dma_wait3A_147 = tpu.memref_slice %arg2[%dma_wait3A, %dma_wait3A_146] : memref<524288x128xf32, #tpu.memory_space<hbm>> -> memref<524288x128xf32, #tpu.memory_space<hbm>>
    tpu.wait_indirect_dma semaphore(%arg8 : memref<!tpu.dma_semaphore, #tpu.memory_space<semaphore_mem>>) src(%dma_wait3A_147 : memref<524288x128xf32, #tpu.memory_space<hbm>>) dst(%arg7 : memref<128x128xf32, #tpu.memory_space<vmem>>)
    "tpu.region"() ({
      %run_scoped3A = tpu.sem_alloc : memref<!tpu.dma_semaphore, #tpu.memory_space<semaphore_mem>>
      %dma_start3A_148 = arith.constant 0 : i32
      %dma_start3A_149 = tpu.memref_slice %arg4[%mul3A_2, %dma_start3A_148] : memref<4096x128xf32, #tpu.memory_space<hbm>> -> memref<128x128xf32, #tpu.memory_space<hbm>>
      %dma_start3A_150 = arith.constant 0 : i32
      %dma_start3A_151 = tpu.memref_slice %arg4[%mul3A_2, %dma_start3A_150] : memref<4096x128xf32, #tpu.memory_space<hbm>> -> memref<128x128xf32, #tpu.memory_space<hbm>>
      tpu.enqueue_dma source(%arg7 : memref<128x128xf32, #tpu.memory_space<vmem>>) target(%dma_start3A_151 : memref<128x128xf32, #tpu.memory_space<hbm>>) target_semaphore(%run_scoped3A : memref<!tpu.dma_semaphore, #tpu.memory_space<semaphore_mem>>)
      %dma_wait3A_152 = arith.constant 0 : i32
      %dma_wait3A_153 = tpu.memref_slice %arg4[%mul3A_2, %dma_wait3A_152] : memref<4096x128xf32, #tpu.memory_space<hbm>> -> memref<128x128xf32, #tpu.memory_space<hbm>>
      %dma_wait3A_154 = arith.constant 0 : i32
      %dma_wait3A_155 = tpu.memref_slice %arg4[%mul3A_2, %dma_wait3A_154] : memref<4096x128xf32, #tpu.memory_space<hbm>> -> memref<128x128xf32, #tpu.memory_space<hbm>>
      tpu.wait_dma2 semaphore(%run_scoped3A : memref<!tpu.dma_semaphore, #tpu.memory_space<semaphore_mem>>) src(%arg7 : memref<128x128xf32, #tpu.memory_space<vmem>>) dst(%dma_wait3A_155 : memref<128x128xf32, #tpu.memory_space<hbm>>)
      tpu.yield
    }) : () -> ()
    return
  }
}

module attributes {stable_mosaic.version = 14 : i64} {
  func.func @_combine_body(%arg0: i32, %arg1: memref<4096x128xf32, #tpu.memory_space<vmem>>, %arg2: memref<4096x128xf32, #tpu.memory_space<vmem>>, %arg3: memref<4096x1xi32, #tpu.memory_space<vmem>>, %arg4: memref<1x1xf32, #tpu.memory_space<vmem>>) attributes {dimension_semantics = [#tpu.dimension_semantics<arbitrary>], iteration_bounds = array<i64: 1>, scalar_prefetch = 0 : i64, scratch_operands = 0 : i64, tpu.core_type = #tpu.core_type<tc>, window_params = [{pipeline_mode = #tpu.pipeline_mode<synchronous>, transform_indices = @transform_0, window_bounds = array<i64: 4096, 128>}, {pipeline_mode = #tpu.pipeline_mode<synchronous>, transform_indices = @transform_1, window_bounds = array<i64: 4096, 128>}, {pipeline_mode = #tpu.pipeline_mode<synchronous>, transform_indices = @transform_2, window_bounds = array<i64: 4096, 1>}, {pipeline_mode = #tpu.pipeline_mode<synchronous>, transform_indices = @transform_3, window_bounds = array<i64: 1, 1>}]} {
    %iota3A = tpu.iota {dimensions = array<i32: 1>} : vector<4096x128xi32>
    %get3A = arith.constant 0 : index
    %get3A_0 = arith.constant 0 : index
    %get3A_1 = vector.load %arg3[%get3A, %get3A_0] : memref<4096x1xi32, #tpu.memory_space<vmem>>, vector<4096x1xi32>
    %and3A = arith.constant 127 : i32
    %and3A_2 = vector.broadcast %and3A : i32 to vector<4096x1xi32>
    %and3A_3 = arith.andi %get3A_1, %and3A_2 : vector<4096x1xi32>
    %eq3A = vector.broadcast %and3A_3 : vector<4096x1xi32> to vector<4096x128xi32>
    %eq3A_4 = arith.cmpi eq, %iota3A, %eq3A : vector<4096x128xi32>
    %get3A_5 = arith.constant 0 : index
    %get3A_6 = arith.constant 0 : index
    %get3A_7 = vector.load %arg2[%get3A_5, %get3A_6] : memref<4096x128xf32, #tpu.memory_space<vmem>>, vector<4096x128xf32>
    %jit3A = arith.constant 0.000000e+00 : f32
    %broadcast_in_dim3A = vector.broadcast %jit3A : f32 to vector<4096x128xf32>
    %select_n3A = arith.select %eq3A_4, %get3A_7, %broadcast_in_dim3A : vector<4096x128xi1>, vector<4096x128xf32>
    %reduce_sum3A = arith.constant dense<0.000000e+00> : vector<4096xf32>
    %reduce_sum3A_8 = vector.multi_reduction <add>, %select_n3A, %reduce_sum3A [1] : vector<4096x128xf32> to vector<4096xf32>
    %broadcast_in_dim3A_9 = vector.shape_cast %reduce_sum3A_8 : vector<4096xf32> to vector<4096x1xf32>
    %get3A_10 = arith.constant 0 : index
    %get3A_11 = arith.constant 0 : index
    %get3A_12 = vector.load %arg1[%get3A_10, %get3A_11] : memref<4096x128xf32, #tpu.memory_space<vmem>>, vector<4096x128xf32>
    %eq3A_13 = arith.constant 0 : i32
    %eq3A_14 = vector.broadcast %eq3A_13 : i32 to vector<4096x128xi32>
    %eq3A_15 = arith.cmpi eq, %iota3A, %eq3A_14 : vector<4096x128xi32>
    %jit3A_16 = arith.constant 0.000000e+00 : f32
    %broadcast_in_dim3A_17 = vector.broadcast %jit3A_16 : f32 to vector<4096x128xf32>
    %select_n3A_18 = arith.select %eq3A_15, %get3A_12, %broadcast_in_dim3A_17 : vector<4096x128xi1>, vector<4096x128xf32>
    %reduce_sum3A_19 = arith.constant dense<0.000000e+00> : vector<4096xf32>
    %reduce_sum3A_20 = vector.multi_reduction <add>, %select_n3A_18, %reduce_sum3A_19 [1] : vector<4096x128xf32> to vector<4096xf32>
    %broadcast_in_dim3A_21 = vector.shape_cast %reduce_sum3A_20 : vector<4096xf32> to vector<4096x1xf32>
    %eq3A_22 = arith.constant 1 : i32
    %eq3A_23 = vector.broadcast %eq3A_22 : i32 to vector<4096x128xi32>
    %eq3A_24 = arith.cmpi eq, %iota3A, %eq3A_23 : vector<4096x128xi32>
    %jit3A_25 = arith.constant 0.000000e+00 : f32
    %broadcast_in_dim3A_26 = vector.broadcast %jit3A_25 : f32 to vector<4096x128xf32>
    %select_n3A_27 = arith.select %eq3A_24, %get3A_12, %broadcast_in_dim3A_26 : vector<4096x128xi1>, vector<4096x128xf32>
    %reduce_sum3A_28 = arith.constant dense<0.000000e+00> : vector<4096xf32>
    %reduce_sum3A_29 = vector.multi_reduction <add>, %select_n3A_27, %reduce_sum3A_28 [1] : vector<4096x128xf32> to vector<4096xf32>
    %broadcast_in_dim3A_30 = vector.shape_cast %reduce_sum3A_29 : vector<4096xf32> to vector<4096x1xf32>
    %add3A = arith.constant 1.000000e+00 : f32
    %add3A_31 = vector.broadcast %add3A : f32 to vector<4096x1xf32>
    %add3A_32 = arith.addf %add3A_31, %broadcast_in_dim3A_21 : vector<4096x1xf32>
    %mul3A = arith.mulf %add3A_32, %add3A_32 : vector<4096x1xf32>
    %add3A_33 = arith.constant 1.000000e+00 : f32
    %add3A_34 = vector.broadcast %add3A_33 : f32 to vector<4096x1xf32>
    %add3A_35 = arith.addf %add3A_34, %broadcast_in_dim3A_9 : vector<4096x1xf32>
    %ge3A = arith.cmpf oge, %broadcast_in_dim3A_9, %broadcast_in_dim3A_21 : vector<4096x1xf32>
    %mul3A_36 = arith.mulf %add3A_35, %add3A_35 : vector<4096x1xf32>
    %sub3A = arith.subf %mul3A_36, %mul3A : vector<4096x1xf32>
    %jit3A_37 = arith.constant 0.000000e+00 : f32
    %broadcast_in_dim3A_38 = vector.broadcast %jit3A_37 : f32 to vector<4096x1xf32>
    %select_n3A_39 = arith.select %ge3A, %sub3A, %broadcast_in_dim3A_38 : vector<4096x1xi1>, vector<4096x1xf32>
    %sub3A_40 = arith.subf %broadcast_in_dim3A_30, %select_n3A_39 : vector<4096x1xf32>
    %mul3A_41 = arith.constant 1.630000e+02 : f32
    %mul3A_42 = vector.broadcast %mul3A_41 : f32 to vector<4096x1xf32>
    %mul3A_43 = arith.mulf %mul3A_42, %mul3A : vector<4096x1xf32>
    %add3A_44 = arith.addf %sub3A_40, %mul3A_43 : vector<4096x1xf32>
    %sub3A_45 = arith.constant 1.000000e+00 : f32
    %sub3A_46 = vector.broadcast %sub3A_45 : f32 to vector<4096x1xf32>
    %sub3A_47 = arith.subf %sub3A_46, %broadcast_in_dim3A_9 : vector<4096x1xf32>
    %integer_pow3A = arith.mulf %sub3A_47, %sub3A_47 : vector<4096x1xf32>
    %mul3A_48 = arith.constant 5.000000e+00 : f32
    %mul3A_49 = vector.broadcast %mul3A_48 : f32 to vector<4096x1xf32>
    %mul3A_50 = arith.mulf %mul3A_49, %integer_pow3A : vector<4096x1xf32>
    %div3A = arith.constant 1.000000e+00 : f32
    %div3A_51 = arith.constant 1.630000e+02 : f32
    %div3A_52 = arith.divf %div3A, %div3A_51 : f32
    %mul3A_53 = vector.broadcast %div3A_52 : f32 to vector<4096x1xf32>
    %mul3A_54 = arith.mulf %add3A_44, %mul3A_53 : vector<4096x1xf32>
    %add3A_55 = arith.addf %mul3A_50, %mul3A_54 : vector<4096x1xf32>
    %reduce_sum3A_56 = vector.shape_cast %add3A_55 : vector<4096x1xf32> to vector<1x4096x1xf32>
    %reduce_sum3A_57 = arith.constant dense<0.000000e+00> : vector<1xf32>
    %reduce_sum3A_58 = vector.multi_reduction <add>, %reduce_sum3A_56, %reduce_sum3A_57 [1, 2] : vector<1x4096x1xf32> to vector<1xf32>
    %reduce_sum3A_59 = vector.shape_cast %reduce_sum3A_58 : vector<1xf32> to vector<1x1x1xf32>
    %reduce_sum3A_60 = vector.extract %reduce_sum3A_59[0, 0, 0] : f32 from vector<1x1x1xf32>
    %mul3A_61 = arith.constant 2.44140625E-4 : f32
    %mul3A_62 = arith.mulf %reduce_sum3A_60, %mul3A_61 : f32
    %reshape3A = vector.broadcast %mul3A_62 : f32 to vector<1x1xf32>
    %swap3A = arith.constant 0 : index
    %swap3A_63 = arith.constant 0 : index
    %swap3A_64 = vector.load %arg4[%swap3A, %swap3A_63] : memref<1x1xf32, #tpu.memory_space<vmem>>, vector<1x1xf32>
    tpu.vector_store %arg4[%swap3A, %swap3A_63], %reshape3A {strides = array<i32>} : memref<1x1xf32, #tpu.memory_space<vmem>>, vector<1x1xf32>,
    return
  }
  func.func @transform_0(%arg0: i32) -> (i32, i32) {
    %c0_i32 = arith.constant 0 : i32
    %c0_i32_0 = arith.constant 0 : i32
    %c0_i32_1 = arith.constant 0 : i32
    return %c0_i32, %c0_i32_0 : i32, i32
  }
  func.func @transform_1(%arg0: i32) -> (i32, i32) {
    %c0_i32 = arith.constant 0 : i32
    %c0_i32_0 = arith.constant 0 : i32
    %c0_i32_1 = arith.constant 0 : i32
    return %c0_i32, %c0_i32_0 : i32, i32
  }
  func.func @transform_2(%arg0: i32) -> (i32, i32) {
    %c0_i32 = arith.constant 0 : i32
    %c0_i32_0 = arith.constant 0 : i32
    %c0_i32_1 = arith.constant 0 : i32
    return %c0_i32, %c0_i32_0 : i32, i32
  }
  func.func @transform_3(%arg0: i32) -> (i32, i32) {
    %c0_i32 = arith.constant 0 : i32
    %c0_i32_0 = arith.constant 0 : i32
    %c0_i32_1 = arith.constant 0 : i32
    return %c0_i32, %c0_i32_0 : i32, i32
  }
}

module attributes {stable_mosaic.version = 14 : i64} {
  func.func @_select_body(%arg0: i32, %arg1: memref<32x16384xf32, #tpu.memory_space<vmem>>, %arg2: memref<32x128xf32, #tpu.memory_space<vmem>>) attributes {dimension_semantics = [#tpu.dimension_semantics<arbitrary>], iteration_bounds = array<i64: 128>, scalar_prefetch = 0 : i64, scratch_operands = 0 : i64, tpu.core_type = #tpu.core_type<tc>, window_params = [{transform_indices = @transform_0, window_bounds = array<i64: 32, 16384>}, {transform_indices = @transform_1, window_bounds = array<i64: 32, 128>}]} {
    %broadcast_in_dim3A = arith.constant 0xFF800000 : f32
    %broadcast_in_dim3A_0 = vector.broadcast %broadcast_in_dim3A : f32 to vector<32x128xf32>
    %broadcast_in_dim3A_1 = arith.constant 0x7F800000 : f32
    %broadcast_in_dim3A_2 = vector.broadcast %broadcast_in_dim3A_1 : f32 to vector<32x128xf32>
    %get3A = arith.constant 0 : index
    %get3A_3 = arith.constant 0 : index
    %get3A_4 = vector.load %arg1[%get3A, %get3A_3] : memref<32x16384xf32, #tpu.memory_space<vmem>>, vector<32x512xf32>
    %slice3A = vector.extract_strided_slice %get3A_4 {offsets = [0, 0], sizes = [32, 256], strides = [1, 1]} : vector<32x512xf32> to vector<32x256xf32>
    %slice3A_5 = vector.extract_strided_slice %get3A_4 {offsets = [0, 256], sizes = [32, 256], strides = [1, 1]} : vector<32x512xf32> to vector<32x256xf32>
    %max3A = arith.maximumf %slice3A, %slice3A_5 : vector<32x256xf32>
    %slice3A_6 = vector.extract_strided_slice %max3A {offsets = [0, 0], sizes = [32, 128], strides = [1, 1]} : vector<32x256xf32> to vector<32x128xf32>
    %slice3A_7 = vector.extract_strided_slice %max3A {offsets = [0, 128], sizes = [32, 128], strides = [1, 1]} : vector<32x256xf32> to vector<32x128xf32>
    %max3A_8 = arith.maximumf %slice3A_6, %slice3A_7 : vector<32x128xf32>
    %max3A_9 = arith.maximumf %broadcast_in_dim3A_0, %max3A_8 : vector<32x128xf32>
    %slice3A_10 = vector.extract_strided_slice %get3A_4 {offsets = [0, 0], sizes = [32, 256], strides = [1, 1]} : vector<32x512xf32> to vector<32x256xf32>
    %slice3A_11 = vector.extract_strided_slice %get3A_4 {offsets = [0, 256], sizes = [32, 256], strides = [1, 1]} : vector<32x512xf32> to vector<32x256xf32>
    %min3A = arith.minimumf %slice3A_10, %slice3A_11 : vector<32x256xf32>
    %slice3A_12 = vector.extract_strided_slice %min3A {offsets = [0, 0], sizes = [32, 128], strides = [1, 1]} : vector<32x256xf32> to vector<32x128xf32>
    %slice3A_13 = vector.extract_strided_slice %min3A {offsets = [0, 128], sizes = [32, 128], strides = [1, 1]} : vector<32x256xf32> to vector<32x128xf32>
    %min3A_14 = arith.minimumf %slice3A_12, %slice3A_13 : vector<32x128xf32>
    %min3A_15 = arith.minimumf %broadcast_in_dim3A_2, %min3A_14 : vector<32x128xf32>
    %get3A_16 = arith.constant 0 : index
    %get3A_17 = arith.constant 512 : index
    %get3A_18 = vector.load %arg1[%get3A_16, %get3A_17] : memref<32x16384xf32, #tpu.memory_space<vmem>>, vector<32x512xf32>
    %slice3A_19 = vector.extract_strided_slice %get3A_18 {offsets = [0, 0], sizes = [32, 256], strides = [1, 1]} : vector<32x512xf32> to vector<32x256xf32>
    %slice3A_20 = vector.extract_strided_slice %get3A_18 {offsets = [0, 256], sizes = [32, 256], strides = [1, 1]} : vector<32x512xf32> to vector<32x256xf32>
    %max3A_21 = arith.maximumf %slice3A_19, %slice3A_20 : vector<32x256xf32>
    %slice3A_22 = vector.extract_strided_slice %max3A_21 {offsets = [0, 0], sizes = [32, 128], strides = [1, 1]} : vector<32x256xf32> to vector<32x128xf32>
    %slice3A_23 = vector.extract_strided_slice %max3A_21 {offsets = [0, 128], sizes = [32, 128], strides = [1, 1]} : vector<32x256xf32> to vector<32x128xf32>
    %max3A_24 = arith.maximumf %slice3A_22, %slice3A_23 : vector<32x128xf32>
    %max3A_25 = arith.maximumf %max3A_9, %max3A_24 : vector<32x128xf32>
    %slice3A_26 = vector.extract_strided_slice %get3A_18 {offsets = [0, 0], sizes = [32, 256], strides = [1, 1]} : vector<32x512xf32> to vector<32x256xf32>
    %slice3A_27 = vector.extract_strided_slice %get3A_18 {offsets = [0, 256], sizes = [32, 256], strides = [1, 1]} : vector<32x512xf32> to vector<32x256xf32>
    %min3A_28 = arith.minimumf %slice3A_26, %slice3A_27 : vector<32x256xf32>
    %slice3A_29 = vector.extract_strided_slice %min3A_28 {offsets = [0, 0], sizes = [32, 128], strides = [1, 1]} : vector<32x256xf32> to vector<32x128xf32>
    %slice3A_30 = vector.extract_strided_slice %min3A_28 {offsets = [0, 128], sizes = [32, 128], strides = [1, 1]} : vector<32x256xf32> to vector<32x128xf32>
    %min3A_31 = arith.minimumf %slice3A_29, %slice3A_30 : vector<32x128xf32>
    %min3A_32 = arith.minimumf %min3A_15, %min3A_31 : vector<32x128xf32>
    %get3A_33 = arith.constant 0 : index
    %get3A_34 = arith.constant 1024 : index
    %get3A_35 = vector.load %arg1[%get3A_33, %get3A_34] : memref<32x16384xf32, #tpu.memory_space<vmem>>, vector<32x512xf32>
    %slice3A_36 = vector.extract_strided_slice %get3A_35 {offsets = [0, 0], sizes = [32, 256], strides = [1, 1]} : vector<32x512xf32> to vector<32x256xf32>
    %slice3A_37 = vector.extract_strided_slice %get3A_35 {offsets = [0, 256], sizes = [32, 256], strides = [1, 1]} : vector<32x512xf32> to vector<32x256xf32>
    %max3A_38 = arith.maximumf %slice3A_36, %slice3A_37 : vector<32x256xf32>
    %slice3A_39 = vector.extract_strided_slice %max3A_38 {offsets = [0, 0], sizes = [32, 128], strides = [1, 1]} : vector<32x256xf32> to vector<32x128xf32>
    %slice3A_40 = vector.extract_strided_slice %max3A_38 {offsets = [0, 128], sizes = [32, 128], strides = [1, 1]} : vector<32x256xf32> to vector<32x128xf32>
    %max3A_41 = arith.maximumf %slice3A_39, %slice3A_40 : vector<32x128xf32>
    %max3A_42 = arith.maximumf %max3A_25, %max3A_41 : vector<32x128xf32>
    %slice3A_43 = vector.extract_strided_slice %get3A_35 {offsets = [0, 0], sizes = [32, 256], strides = [1, 1]} : vector<32x512xf32> to vector<32x256xf32>
    %slice3A_44 = vector.extract_strided_slice %get3A_35 {offsets = [0, 256], sizes = [32, 256], strides = [1, 1]} : vector<32x512xf32> to vector<32x256xf32>
    %min3A_45 = arith.minimumf %slice3A_43, %slice3A_44 : vector<32x256xf32>
    %slice3A_46 = vector.extract_strided_slice %min3A_45 {offsets = [0, 0], sizes = [32, 128], strides = [1, 1]} : vector<32x256xf32> to vector<32x128xf32>
    %slice3A_47 = vector.extract_strided_slice %min3A_45 {offsets = [0, 128], sizes = [32, 128], strides = [1, 1]} : vector<32x256xf32> to vector<32x128xf32>
    %min3A_48 = arith.minimumf %slice3A_46, %slice3A_47 : vector<32x128xf32>
    %min3A_49 = arith.minimumf %min3A_32, %min3A_48 : vector<32x128xf32>
    %get3A_50 = arith.constant 0 : index
    %get3A_51 = arith.constant 1536 : index
    %get3A_52 = vector.load %arg1[%get3A_50, %get3A_51] : memref<32x16384xf32, #tpu.memory_space<vmem>>, vector<32x512xf32>
    %slice3A_53 = vector.extract_strided_slice %get3A_52 {offsets = [0, 0], sizes = [32, 256], strides = [1, 1]} : vector<32x512xf32> to vector<32x256xf32>
    %slice3A_54 = vector.extract_strided_slice %get3A_52 {offsets = [0, 256], sizes = [32, 256], strides = [1, 1]} : vector<32x512xf32> to vector<32x256xf32>
    %max3A_55 = arith.maximumf %slice3A_53, %slice3A_54 : vector<32x256xf32>
    %slice3A_56 = vector.extract_strided_slice %max3A_55 {offsets = [0, 0], sizes = [32, 128], strides = [1, 1]} : vector<32x256xf32> to vector<32x128xf32>
    %slice3A_57 = vector.extract_strided_slice %max3A_55 {offsets = [0, 128], sizes = [32, 128], strides = [1, 1]} : vector<32x256xf32> to vector<32x128xf32>
    %max3A_58 = arith.maximumf %slice3A_56, %slice3A_57 : vector<32x128xf32>
    %max3A_59 = arith.maximumf %max3A_42, %max3A_58 : vector<32x128xf32>
    %slice3A_60 = vector.extract_strided_slice %get3A_52 {offsets = [0, 0], sizes = [32, 256], strides = [1, 1]} : vector<32x512xf32> to vector<32x256xf32>
    %slice3A_61 = vector.extract_strided_slice %get3A_52 {offsets = [0, 256], sizes = [32, 256], strides = [1, 1]} : vector<32x512xf32> to vector<32x256xf32>
    %min3A_62 = arith.minimumf %slice3A_60, %slice3A_61 : vector<32x256xf32>
    %slice3A_63 = vector.extract_strided_slice %min3A_62 {offsets = [0, 0], sizes = [32, 128], strides = [1, 1]} : vector<32x256xf32> to vector<32x128xf32>
    %slice3A_64 = vector.extract_strided_slice %min3A_62 {offsets = [0, 128], sizes = [32, 128], strides = [1, 1]} : vector<32x256xf32> to vector<32x128xf32>
    %min3A_65 = arith.minimumf %slice3A_63, %slice3A_64 : vector<32x128xf32>
    %min3A_66 = arith.minimumf %min3A_49, %min3A_65 : vector<32x128xf32>
    %get3A_67 = arith.constant 0 : index
    %get3A_68 = arith.constant 2048 : index
    %get3A_69 = vector.load %arg1[%get3A_67, %get3A_68] : memref<32x16384xf32, #tpu.memory_space<vmem>>, vector<32x512xf32>
    %slice3A_70 = vector.extract_strided_slice %get3A_69 {offsets = [0, 0], sizes = [32, 256], strides = [1, 1]} : vector<32x512xf32> to vector<32x256xf32>
    %slice3A_71 = vector.extract_strided_slice %get3A_69 {offsets = [0, 256], sizes = [32, 256], strides = [1, 1]} : vector<32x512xf32> to vector<32x256xf32>
    %max3A_72 = arith.maximumf %slice3A_70, %slice3A_71 : vector<32x256xf32>
    %slice3A_73 = vector.extract_strided_slice %max3A_72 {offsets = [0, 0], sizes = [32, 128], strides = [1, 1]} : vector<32x256xf32> to vector<32x128xf32>
    %slice3A_74 = vector.extract_strided_slice %max3A_72 {offsets = [0, 128], sizes = [32, 128], strides = [1, 1]} : vector<32x256xf32> to vector<32x128xf32>
    %max3A_75 = arith.maximumf %slice3A_73, %slice3A_74 : vector<32x128xf32>
    %max3A_76 = arith.maximumf %max3A_59, %max3A_75 : vector<32x128xf32>
    %slice3A_77 = vector.extract_strided_slice %get3A_69 {offsets = [0, 0], sizes = [32, 256], strides = [1, 1]} : vector<32x512xf32> to vector<32x256xf32>
    %slice3A_78 = vector.extract_strided_slice %get3A_69 {offsets = [0, 256], sizes = [32, 256], strides = [1, 1]} : vector<32x512xf32> to vector<32x256xf32>
    %min3A_79 = arith.minimumf %slice3A_77, %slice3A_78 : vector<32x256xf32>
    %slice3A_80 = vector.extract_strided_slice %min3A_79 {offsets = [0, 0], sizes = [32, 128], strides = [1, 1]} : vector<32x256xf32> to vector<32x128xf32>
    %slice3A_81 = vector.extract_strided_slice %min3A_79 {offsets = [0, 128], sizes = [32, 128], strides = [1, 1]} : vector<32x256xf32> to vector<32x128xf32>
    %min3A_82 = arith.minimumf %slice3A_80, %slice3A_81 : vector<32x128xf32>
    %min3A_83 = arith.minimumf %min3A_66, %min3A_82 : vector<32x128xf32>
    %get3A_84 = arith.constant 0 : index
    %get3A_85 = arith.constant 2560 : index
    %get3A_86 = vector.load %arg1[%get3A_84, %get3A_85] : memref<32x16384xf32, #tpu.memory_space<vmem>>, vector<32x512xf32>
    %slice3A_87 = vector.extract_strided_slice %get3A_86 {offsets = [0, 0], sizes = [32, 256], strides = [1, 1]} : vector<32x512xf32> to vector<32x256xf32>
    %slice3A_88 = vector.extract_strided_slice %get3A_86 {offsets = [0, 256], sizes = [32, 256], strides = [1, 1]} : vector<32x512xf32> to vector<32x256xf32>
    %max3A_89 = arith.maximumf %slice3A_87, %slice3A_88 : vector<32x256xf32>
    %slice3A_90 = vector.extract_strided_slice %max3A_89 {offsets = [0, 0], sizes = [32, 128], strides = [1, 1]} : vector<32x256xf32> to vector<32x128xf32>
    %slice3A_91 = vector.extract_strided_slice %max3A_89 {offsets = [0, 128], sizes = [32, 128], strides = [1, 1]} : vector<32x256xf32> to vector<32x128xf32>
    %max3A_92 = arith.maximumf %slice3A_90, %slice3A_91 : vector<32x128xf32>
    %max3A_93 = arith.maximumf %max3A_76, %max3A_92 : vector<32x128xf32>
    %slice3A_94 = vector.extract_strided_slice %get3A_86 {offsets = [0, 0], sizes = [32, 256], strides = [1, 1]} : vector<32x512xf32> to vector<32x256xf32>
    %slice3A_95 = vector.extract_strided_slice %get3A_86 {offsets = [0, 256], sizes = [32, 256], strides = [1, 1]} : vector<32x512xf32> to vector<32x256xf32>
    %min3A_96 = arith.minimumf %slice3A_94, %slice3A_95 : vector<32x256xf32>
    %slice3A_97 = vector.extract_strided_slice %min3A_96 {offsets = [0, 0], sizes = [32, 128], strides = [1, 1]} : vector<32x256xf32> to vector<32x128xf32>
    %slice3A_98 = vector.extract_strided_slice %min3A_96 {offsets = [0, 128], sizes = [32, 128], strides = [1, 1]} : vector<32x256xf32> to vector<32x128xf32>
    %min3A_99 = arith.minimumf %slice3A_97, %slice3A_98 : vector<32x128xf32>
    %min3A_100 = arith.minimumf %min3A_83, %min3A_99 : vector<32x128xf32>
    %get3A_101 = arith.constant 0 : index
    %get3A_102 = arith.constant 3072 : index
    %get3A_103 = vector.load %arg1[%get3A_101, %get3A_102] : memref<32x16384xf32, #tpu.memory_space<vmem>>, vector<32x512xf32>
    %slice3A_104 = vector.extract_strided_slice %get3A_103 {offsets = [0, 0], sizes = [32, 256], strides = [1, 1]} : vector<32x512xf32> to vector<32x256xf32>
    %slice3A_105 = vector.extract_strided_slice %get3A_103 {offsets = [0, 256], sizes = [32, 256], strides = [1, 1]} : vector<32x512xf32> to vector<32x256xf32>
    %max3A_106 = arith.maximumf %slice3A_104, %slice3A_105 : vector<32x256xf32>
    %slice3A_107 = vector.extract_strided_slice %max3A_106 {offsets = [0, 0], sizes = [32, 128], strides = [1, 1]} : vector<32x256xf32> to vector<32x128xf32>
    %slice3A_108 = vector.extract_strided_slice %max3A_106 {offsets = [0, 128], sizes = [32, 128], strides = [1, 1]} : vector<32x256xf32> to vector<32x128xf32>
    %max3A_109 = arith.maximumf %slice3A_107, %slice3A_108 : vector<32x128xf32>
    %max3A_110 = arith.maximumf %max3A_93, %max3A_109 : vector<32x128xf32>
    %slice3A_111 = vector.extract_strided_slice %get3A_103 {offsets = [0, 0], sizes = [32, 256], strides = [1, 1]} : vector<32x512xf32> to vector<32x256xf32>
    %slice3A_112 = vector.extract_strided_slice %get3A_103 {offsets = [0, 256], sizes = [32, 256], strides = [1, 1]} : vector<32x512xf32> to vector<32x256xf32>
    %min3A_113 = arith.minimumf %slice3A_111, %slice3A_112 : vector<32x256xf32>
    %slice3A_114 = vector.extract_strided_slice %min3A_113 {offsets = [0, 0], sizes = [32, 128], strides = [1, 1]} : vector<32x256xf32> to vector<32x128xf32>
    %slice3A_115 = vector.extract_strided_slice %min3A_113 {offsets = [0, 128], sizes = [32, 128], strides = [1, 1]} : vector<32x256xf32> to vector<32x128xf32>
    %min3A_116 = arith.minimumf %slice3A_114, %slice3A_115 : vector<32x128xf32>
    %min3A_117 = arith.minimumf %min3A_100, %min3A_116 : vector<32x128xf32>
    %get3A_118 = arith.constant 0 : index
    %get3A_119 = arith.constant 3584 : index
    %get3A_120 = vector.load %arg1[%get3A_118, %get3A_119] : memref<32x16384xf32, #tpu.memory_space<vmem>>, vector<32x512xf32>
    %slice3A_121 = vector.extract_strided_slice %get3A_120 {offsets = [0, 0], sizes = [32, 256], strides = [1, 1]} : vector<32x512xf32> to vector<32x256xf32>
    %slice3A_122 = vector.extract_strided_slice %get3A_120 {offsets = [0, 256], sizes = [32, 256], strides = [1, 1]} : vector<32x512xf32> to vector<32x256xf32>
    %max3A_123 = arith.maximumf %slice3A_121, %slice3A_122 : vector<32x256xf32>
    %slice3A_124 = vector.extract_strided_slice %max3A_123 {offsets = [0, 0], sizes = [32, 128], strides = [1, 1]} : vector<32x256xf32> to vector<32x128xf32>
    %slice3A_125 = vector.extract_strided_slice %max3A_123 {offsets = [0, 128], sizes = [32, 128], strides = [1, 1]} : vector<32x256xf32> to vector<32x128xf32>
    %max3A_126 = arith.maximumf %slice3A_124, %slice3A_125 : vector<32x128xf32>
    %max3A_127 = arith.maximumf %max3A_110, %max3A_126 : vector<32x128xf32>
    %slice3A_128 = vector.extract_strided_slice %get3A_120 {offsets = [0, 0], sizes = [32, 256], strides = [1, 1]} : vector<32x512xf32> to vector<32x256xf32>
    %slice3A_129 = vector.extract_strided_slice %get3A_120 {offsets = [0, 256], sizes = [32, 256], strides = [1, 1]} : vector<32x512xf32> to vector<32x256xf32>
    %min3A_130 = arith.minimumf %slice3A_128, %slice3A_129 : vector<32x256xf32>
    %slice3A_131 = vector.extract_strided_slice %min3A_130 {offsets = [0, 0], sizes = [32, 128], strides = [1, 1]} : vector<32x256xf32> to vector<32x128xf32>
    %slice3A_132 = vector.extract_strided_slice %min3A_130 {offsets = [0, 128], sizes = [32, 128], strides = [1, 1]} : vector<32x256xf32> to vector<32x128xf32>
    %min3A_133 = arith.minimumf %slice3A_131, %slice3A_132 : vector<32x128xf32>
    %min3A_134 = arith.minimumf %min3A_117, %min3A_133 : vector<32x128xf32>
    %get3A_135 = arith.constant 0 : index
    %get3A_136 = arith.constant 4096 : index
    %get3A_137 = vector.load %arg1[%get3A_135, %get3A_136] : memref<32x16384xf32, #tpu.memory_space<vmem>>, vector<32x512xf32>
    %slice3A_138 = vector.extract_strided_slice %get3A_137 {offsets = [0, 0], sizes = [32, 256], strides = [1, 1]} : vector<32x512xf32> to vector<32x256xf32>
    %slice3A_139 = vector.extract_strided_slice %get3A_137 {offsets = [0, 256], sizes = [32, 256], strides = [1, 1]} : vector<32x512xf32> to vector<32x256xf32>
    %max3A_140 = arith.maximumf %slice3A_138, %slice3A_139 : vector<32x256xf32>
    %slice3A_141 = vector.extract_strided_slice %max3A_140 {offsets = [0, 0], sizes = [32, 128], strides = [1, 1]} : vector<32x256xf32> to vector<32x128xf32>
    %slice3A_142 = vector.extract_strided_slice %max3A_140 {offsets = [0, 128], sizes = [32, 128], strides = [1, 1]} : vector<32x256xf32> to vector<32x128xf32>
    %max3A_143 = arith.maximumf %slice3A_141, %slice3A_142 : vector<32x128xf32>
    %max3A_144 = arith.maximumf %max3A_127, %max3A_143 : vector<32x128xf32>
    %slice3A_145 = vector.extract_strided_slice %get3A_137 {offsets = [0, 0], sizes = [32, 256], strides = [1, 1]} : vector<32x512xf32> to vector<32x256xf32>
    %slice3A_146 = vector.extract_strided_slice %get3A_137 {offsets = [0, 256], sizes = [32, 256], strides = [1, 1]} : vector<32x512xf32> to vector<32x256xf32>
    %min3A_147 = arith.minimumf %slice3A_145, %slice3A_146 : vector<32x256xf32>
    %slice3A_148 = vector.extract_strided_slice %min3A_147 {offsets = [0, 0], sizes = [32, 128], strides = [1, 1]} : vector<32x256xf32> to vector<32x128xf32>
    %slice3A_149 = vector.extract_strided_slice %min3A_147 {offsets = [0, 128], sizes = [32, 128], strides = [1, 1]} : vector<32x256xf32> to vector<32x128xf32>
    %min3A_150 = arith.minimumf %slice3A_148, %slice3A_149 : vector<32x128xf32>
    %min3A_151 = arith.minimumf %min3A_134, %min3A_150 : vector<32x128xf32>
    %get3A_152 = arith.constant 0 : index
    %get3A_153 = arith.constant 4608 : index
    %get3A_154 = vector.load %arg1[%get3A_152, %get3A_153] : memref<32x16384xf32, #tpu.memory_space<vmem>>, vector<32x512xf32>
    %slice3A_155 = vector.extract_strided_slice %get3A_154 {offsets = [0, 0], sizes = [32, 256], strides = [1, 1]} : vector<32x512xf32> to vector<32x256xf32>
    %slice3A_156 = vector.extract_strided_slice %get3A_154 {offsets = [0, 256], sizes = [32, 256], strides = [1, 1]} : vector<32x512xf32> to vector<32x256xf32>
    %max3A_157 = arith.maximumf %slice3A_155, %slice3A_156 : vector<32x256xf32>
    %slice3A_158 = vector.extract_strided_slice %max3A_157 {offsets = [0, 0], sizes = [32, 128], strides = [1, 1]} : vector<32x256xf32> to vector<32x128xf32>
    %slice3A_159 = vector.extract_strided_slice %max3A_157 {offsets = [0, 128], sizes = [32, 128], strides = [1, 1]} : vector<32x256xf32> to vector<32x128xf32>
    %max3A_160 = arith.maximumf %slice3A_158, %slice3A_159 : vector<32x128xf32>
    %max3A_161 = arith.maximumf %max3A_144, %max3A_160 : vector<32x128xf32>
    %slice3A_162 = vector.extract_strided_slice %get3A_154 {offsets = [0, 0], sizes = [32, 256], strides = [1, 1]} : vector<32x512xf32> to vector<32x256xf32>
    %slice3A_163 = vector.extract_strided_slice %get3A_154 {offsets = [0, 256], sizes = [32, 256], strides = [1, 1]} : vector<32x512xf32> to vector<32x256xf32>
    %min3A_164 = arith.minimumf %slice3A_162, %slice3A_163 : vector<32x256xf32>
    %slice3A_165 = vector.extract_strided_slice %min3A_164 {offsets = [0, 0], sizes = [32, 128], strides = [1, 1]} : vector<32x256xf32> to vector<32x128xf32>
    %slice3A_166 = vector.extract_strided_slice %min3A_164 {offsets = [0, 128], sizes = [32, 128], strides = [1, 1]} : vector<32x256xf32> to vector<32x128xf32>
    %min3A_167 = arith.minimumf %slice3A_165, %slice3A_166 : vector<32x128xf32>
    %min3A_168 = arith.minimumf %min3A_151, %min3A_167 : vector<32x128xf32>
    %get3A_169 = arith.constant 0 : index
    %get3A_170 = arith.constant 5120 : index
    %get3A_171 = vector.load %arg1[%get3A_169, %get3A_170] : memref<32x16384xf32, #tpu.memory_space<vmem>>, vector<32x512xf32>
    %slice3A_172 = vector.extract_strided_slice %get3A_171 {offsets = [0, 0], sizes = [32, 256], strides = [1, 1]} : vector<32x512xf32> to vector<32x256xf32>
    %slice3A_173 = vector.extract_strided_slice %get3A_171 {offsets = [0, 256], sizes = [32, 256], strides = [1, 1]} : vector<32x512xf32> to vector<32x256xf32>
    %max3A_174 = arith.maximumf %slice3A_172, %slice3A_173 : vector<32x256xf32>
    %slice3A_175 = vector.extract_strided_slice %max3A_174 {offsets = [0, 0], sizes = [32, 128], strides = [1, 1]} : vector<32x256xf32> to vector<32x128xf32>
    %slice3A_176 = vector.extract_strided_slice %max3A_174 {offsets = [0, 128], sizes = [32, 128], strides = [1, 1]} : vector<32x256xf32> to vector<32x128xf32>
    %max3A_177 = arith.maximumf %slice3A_175, %slice3A_176 : vector<32x128xf32>
    %max3A_178 = arith.maximumf %max3A_161, %max3A_177 : vector<32x128xf32>
    %slice3A_179 = vector.extract_strided_slice %get3A_171 {offsets = [0, 0], sizes = [32, 256], strides = [1, 1]} : vector<32x512xf32> to vector<32x256xf32>
    %slice3A_180 = vector.extract_strided_slice %get3A_171 {offsets = [0, 256], sizes = [32, 256], strides = [1, 1]} : vector<32x512xf32> to vector<32x256xf32>
    %min3A_181 = arith.minimumf %slice3A_179, %slice3A_180 : vector<32x256xf32>
    %slice3A_182 = vector.extract_strided_slice %min3A_181 {offsets = [0, 0], sizes = [32, 128], strides = [1, 1]} : vector<32x256xf32> to vector<32x128xf32>
    %slice3A_183 = vector.extract_strided_slice %min3A_181 {offsets = [0, 128], sizes = [32, 128], strides = [1, 1]} : vector<32x256xf32> to vector<32x128xf32>
    %min3A_184 = arith.minimumf %slice3A_182, %slice3A_183 : vector<32x128xf32>
    %min3A_185 = arith.minimumf %min3A_168, %min3A_184 : vector<32x128xf32>
    %get3A_186 = arith.constant 0 : index
    %get3A_187 = arith.constant 5632 : index
    %get3A_188 = vector.load %arg1[%get3A_186, %get3A_187] : memref<32x16384xf32, #tpu.memory_space<vmem>>, vector<32x512xf32>
    %slice3A_189 = vector.extract_strided_slice %get3A_188 {offsets = [0, 0], sizes = [32, 256], strides = [1, 1]} : vector<32x512xf32> to vector<32x256xf32>
    %slice3A_190 = vector.extract_strided_slice %get3A_188 {offsets = [0, 256], sizes = [32, 256], strides = [1, 1]} : vector<32x512xf32> to vector<32x256xf32>
    %max3A_191 = arith.maximumf %slice3A_189, %slice3A_190 : vector<32x256xf32>
    %slice3A_192 = vector.extract_strided_slice %max3A_191 {offsets = [0, 0], sizes = [32, 128], strides = [1, 1]} : vector<32x256xf32> to vector<32x128xf32>
    %slice3A_193 = vector.extract_strided_slice %max3A_191 {offsets = [0, 128], sizes = [32, 128], strides = [1, 1]} : vector<32x256xf32> to vector<32x128xf32>
    %max3A_194 = arith.maximumf %slice3A_192, %slice3A_193 : vector<32x128xf32>
    %max3A_195 = arith.maximumf %max3A_178, %max3A_194 : vector<32x128xf32>
    %slice3A_196 = vector.extract_strided_slice %get3A_188 {offsets = [0, 0], sizes = [32, 256], strides = [1, 1]} : vector<32x512xf32> to vector<32x256xf32>
    %slice3A_197 = vector.extract_strided_slice %get3A_188 {offsets = [0, 256], sizes = [32, 256], strides = [1, 1]} : vector<32x512xf32> to vector<32x256xf32>
    %min3A_198 = arith.minimumf %slice3A_196, %slice3A_197 : vector<32x256xf32>
    %slice3A_199 = vector.extract_strided_slice %min3A_198 {offsets = [0, 0], sizes = [32, 128], strides = [1, 1]} : vector<32x256xf32> to vector<32x128xf32>
    %slice3A_200 = vector.extract_strided_slice %min3A_198 {offsets = [0, 128], sizes = [32, 128], strides = [1, 1]} : vector<32x256xf32> to vector<32x128xf32>
    %min3A_201 = arith.minimumf %slice3A_199, %slice3A_200 : vector<32x128xf32>
    %min3A_202 = arith.minimumf %min3A_185, %min3A_201 : vector<32x128xf32>
    %get3A_203 = arith.constant 0 : index
    %get3A_204 = arith.constant 6144 : index
    %get3A_205 = vector.load %arg1[%get3A_203, %get3A_204] : memref<32x16384xf32, #tpu.memory_space<vmem>>, vector<32x512xf32>
    %slice3A_206 = vector.extract_strided_slice %get3A_205 {offsets = [0, 0], sizes = [32, 256], strides = [1, 1]} : vector<32x512xf32> to vector<32x256xf32>
    %slice3A_207 = vector.extract_strided_slice %get3A_205 {offsets = [0, 256], sizes = [32, 256], strides = [1, 1]} : vector<32x512xf32> to vector<32x256xf32>
    %max3A_208 = arith.maximumf %slice3A_206, %slice3A_207 : vector<32x256xf32>
    %slice3A_209 = vector.extract_strided_slice %max3A_208 {offsets = [0, 0], sizes = [32, 128], strides = [1, 1]} : vector<32x256xf32> to vector<32x128xf32>
    %slice3A_210 = vector.extract_strided_slice %max3A_208 {offsets = [0, 128], sizes = [32, 128], strides = [1, 1]} : vector<32x256xf32> to vector<32x128xf32>
    %max3A_211 = arith.maximumf %slice3A_209, %slice3A_210 : vector<32x128xf32>
    %max3A_212 = arith.maximumf %max3A_195, %max3A_211 : vector<32x128xf32>
    %slice3A_213 = vector.extract_strided_slice %get3A_205 {offsets = [0, 0], sizes = [32, 256], strides = [1, 1]} : vector<32x512xf32> to vector<32x256xf32>
    %slice3A_214 = vector.extract_strided_slice %get3A_205 {offsets = [0, 256], sizes = [32, 256], strides = [1, 1]} : vector<32x512xf32> to vector<32x256xf32>
    %min3A_215 = arith.minimumf %slice3A_213, %slice3A_214 : vector<32x256xf32>
    %slice3A_216 = vector.extract_strided_slice %min3A_215 {offsets = [0, 0], sizes = [32, 128], strides = [1, 1]} : vector<32x256xf32> to vector<32x128xf32>
    %slice3A_217 = vector.extract_strided_slice %min3A_215 {offsets = [0, 128], sizes = [32, 128], strides = [1, 1]} : vector<32x256xf32> to vector<32x128xf32>
    %min3A_218 = arith.minimumf %slice3A_216, %slice3A_217 : vector<32x128xf32>
    %min3A_219 = arith.minimumf %min3A_202, %min3A_218 : vector<32x128xf32>
    %get3A_220 = arith.constant 0 : index
    %get3A_221 = arith.constant 6656 : index
    %get3A_222 = vector.load %arg1[%get3A_220, %get3A_221] : memref<32x16384xf32, #tpu.memory_space<vmem>>, vector<32x512xf32>
    %slice3A_223 = vector.extract_strided_slice %get3A_222 {offsets = [0, 0], sizes = [32, 256], strides = [1, 1]} : vector<32x512xf32> to vector<32x256xf32>
    %slice3A_224 = vector.extract_strided_slice %get3A_222 {offsets = [0, 256], sizes = [32, 256], strides = [1, 1]} : vector<32x512xf32> to vector<32x256xf32>
    %max3A_225 = arith.maximumf %slice3A_223, %slice3A_224 : vector<32x256xf32>
    %slice3A_226 = vector.extract_strided_slice %max3A_225 {offsets = [0, 0], sizes = [32, 128], strides = [1, 1]} : vector<32x256xf32> to vector<32x128xf32>
    %slice3A_227 = vector.extract_strided_slice %max3A_225 {offsets = [0, 128], sizes = [32, 128], strides = [1, 1]} : vector<32x256xf32> to vector<32x128xf32>
    %max3A_228 = arith.maximumf %slice3A_226, %slice3A_227 : vector<32x128xf32>
    %max3A_229 = arith.maximumf %max3A_212, %max3A_228 : vector<32x128xf32>
    %slice3A_230 = vector.extract_strided_slice %get3A_222 {offsets = [0, 0], sizes = [32, 256], strides = [1, 1]} : vector<32x512xf32> to vector<32x256xf32>
    %slice3A_231 = vector.extract_strided_slice %get3A_222 {offsets = [0, 256], sizes = [32, 256], strides = [1, 1]} : vector<32x512xf32> to vector<32x256xf32>
    %min3A_232 = arith.minimumf %slice3A_230, %slice3A_231 : vector<32x256xf32>
    %slice3A_233 = vector.extract_strided_slice %min3A_232 {offsets = [0, 0], sizes = [32, 128], strides = [1, 1]} : vector<32x256xf32> to vector<32x128xf32>
    %slice3A_234 = vector.extract_strided_slice %min3A_232 {offsets = [0, 128], sizes = [32, 128], strides = [1, 1]} : vector<32x256xf32> to vector<32x128xf32>
    %min3A_235 = arith.minimumf %slice3A_233, %slice3A_234 : vector<32x128xf32>
    %min3A_236 = arith.minimumf %min3A_219, %min3A_235 : vector<32x128xf32>
    %get3A_237 = arith.constant 0 : index
    %get3A_238 = arith.constant 7168 : index
    %get3A_239 = vector.load %arg1[%get3A_237, %get3A_238] : memref<32x16384xf32, #tpu.memory_space<vmem>>, vector<32x512xf32>
    %slice3A_240 = vector.extract_strided_slice %get3A_239 {offsets = [0, 0], sizes = [32, 256], strides = [1, 1]} : vector<32x512xf32> to vector<32x256xf32>
    %slice3A_241 = vector.extract_strided_slice %get3A_239 {offsets = [0, 256], sizes = [32, 256], strides = [1, 1]} : vector<32x512xf32> to vector<32x256xf32>
    %max3A_242 = arith.maximumf %slice3A_240, %slice3A_241 : vector<32x256xf32>
    %slice3A_243 = vector.extract_strided_slice %max3A_242 {offsets = [0, 0], sizes = [32, 128], strides = [1, 1]} : vector<32x256xf32> to vector<32x128xf32>
    %slice3A_244 = vector.extract_strided_slice %max3A_242 {offsets = [0, 128], sizes = [32, 128], strides = [1, 1]} : vector<32x256xf32> to vector<32x128xf32>
    %max3A_245 = arith.maximumf %slice3A_243, %slice3A_244 : vector<32x128xf32>
    %max3A_246 = arith.maximumf %max3A_229, %max3A_245 : vector<32x128xf32>
    %slice3A_247 = vector.extract_strided_slice %get3A_239 {offsets = [0, 0], sizes = [32, 256], strides = [1, 1]} : vector<32x512xf32> to vector<32x256xf32>
    %slice3A_248 = vector.extract_strided_slice %get3A_239 {offsets = [0, 256], sizes = [32, 256], strides = [1, 1]} : vector<32x512xf32> to vector<32x256xf32>
    %min3A_249 = arith.minimumf %slice3A_247, %slice3A_248 : vector<32x256xf32>
    %slice3A_250 = vector.extract_strided_slice %min3A_249 {offsets = [0, 0], sizes = [32, 128], strides = [1, 1]} : vector<32x256xf32> to vector<32x128xf32>
    %slice3A_251 = vector.extract_strided_slice %min3A_249 {offsets = [0, 128], sizes = [32, 128], strides = [1, 1]} : vector<32x256xf32> to vector<32x128xf32>
    %min3A_252 = arith.minimumf %slice3A_250, %slice3A_251 : vector<32x128xf32>
    %min3A_253 = arith.minimumf %min3A_236, %min3A_252 : vector<32x128xf32>
    %get3A_254 = arith.constant 0 : index
    %get3A_255 = arith.constant 7680 : index
    %get3A_256 = vector.load %arg1[%get3A_254, %get3A_255] : memref<32x16384xf32, #tpu.memory_space<vmem>>, vector<32x512xf32>
    %slice3A_257 = vector.extract_strided_slice %get3A_256 {offsets = [0, 0], sizes = [32, 256], strides = [1, 1]} : vector<32x512xf32> to vector<32x256xf32>
    %slice3A_258 = vector.extract_strided_slice %get3A_256 {offsets = [0, 256], sizes = [32, 256], strides = [1, 1]} : vector<32x512xf32> to vector<32x256xf32>
    %max3A_259 = arith.maximumf %slice3A_257, %slice3A_258 : vector<32x256xf32>
    %slice3A_260 = vector.extract_strided_slice %max3A_259 {offsets = [0, 0], sizes = [32, 128], strides = [1, 1]} : vector<32x256xf32> to vector<32x128xf32>
    %slice3A_261 = vector.extract_strided_slice %max3A_259 {offsets = [0, 128], sizes = [32, 128], strides = [1, 1]} : vector<32x256xf32> to vector<32x128xf32>
    %max3A_262 = arith.maximumf %slice3A_260, %slice3A_261 : vector<32x128xf32>
    %max3A_263 = arith.maximumf %max3A_246, %max3A_262 : vector<32x128xf32>
    %slice3A_264 = vector.extract_strided_slice %get3A_256 {offsets = [0, 0], sizes = [32, 256], strides = [1, 1]} : vector<32x512xf32> to vector<32x256xf32>
    %slice3A_265 = vector.extract_strided_slice %get3A_256 {offsets = [0, 256], sizes = [32, 256], strides = [1, 1]} : vector<32x512xf32> to vector<32x256xf32>
    %min3A_266 = arith.minimumf %slice3A_264, %slice3A_265 : vector<32x256xf32>
    %slice3A_267 = vector.extract_strided_slice %min3A_266 {offsets = [0, 0], sizes = [32, 128], strides = [1, 1]} : vector<32x256xf32> to vector<32x128xf32>
    %slice3A_268 = vector.extract_strided_slice %min3A_266 {offsets = [0, 128], sizes = [32, 128], strides = [1, 1]} : vector<32x256xf32> to vector<32x128xf32>
    %min3A_269 = arith.minimumf %slice3A_267, %slice3A_268 : vector<32x128xf32>
    %min3A_270 = arith.minimumf %min3A_253, %min3A_269 : vector<32x128xf32>
    %get3A_271 = arith.constant 0 : index
    %get3A_272 = arith.constant 8192 : index
    %get3A_273 = vector.load %arg1[%get3A_271, %get3A_272] : memref<32x16384xf32, #tpu.memory_space<vmem>>, vector<32x512xf32>
    %slice3A_274 = vector.extract_strided_slice %get3A_273 {offsets = [0, 0], sizes = [32, 256], strides = [1, 1]} : vector<32x512xf32> to vector<32x256xf32>
    %slice3A_275 = vector.extract_strided_slice %get3A_273 {offsets = [0, 256], sizes = [32, 256], strides = [1, 1]} : vector<32x512xf32> to vector<32x256xf32>
    %max3A_276 = arith.maximumf %slice3A_274, %slice3A_275 : vector<32x256xf32>
    %slice3A_277 = vector.extract_strided_slice %max3A_276 {offsets = [0, 0], sizes = [32, 128], strides = [1, 1]} : vector<32x256xf32> to vector<32x128xf32>
    %slice3A_278 = vector.extract_strided_slice %max3A_276 {offsets = [0, 128], sizes = [32, 128], strides = [1, 1]} : vector<32x256xf32> to vector<32x128xf32>
    %max3A_279 = arith.maximumf %slice3A_277, %slice3A_278 : vector<32x128xf32>
    %max3A_280 = arith.maximumf %max3A_263, %max3A_279 : vector<32x128xf32>
    %slice3A_281 = vector.extract_strided_slice %get3A_273 {offsets = [0, 0], sizes = [32, 256], strides = [1, 1]} : vector<32x512xf32> to vector<32x256xf32>
    %slice3A_282 = vector.extract_strided_slice %get3A_273 {offsets = [0, 256], sizes = [32, 256], strides = [1, 1]} : vector<32x512xf32> to vector<32x256xf32>
    %min3A_283 = arith.minimumf %slice3A_281, %slice3A_282 : vector<32x256xf32>
    %slice3A_284 = vector.extract_strided_slice %min3A_283 {offsets = [0, 0], sizes = [32, 128], strides = [1, 1]} : vector<32x256xf32> to vector<32x128xf32>
    %slice3A_285 = vector.extract_strided_slice %min3A_283 {offsets = [0, 128], sizes = [32, 128], strides = [1, 1]} : vector<32x256xf32> to vector<32x128xf32>
    %min3A_286 = arith.minimumf %slice3A_284, %slice3A_285 : vector<32x128xf32>
    %min3A_287 = arith.minimumf %min3A_270, %min3A_286 : vector<32x128xf32>
    %get3A_288 = arith.constant 0 : index
    %get3A_289 = arith.constant 8704 : index
    %get3A_290 = vector.load %arg1[%get3A_288, %get3A_289] : memref<32x16384xf32, #tpu.memory_space<vmem>>, vector<32x512xf32>
    %slice3A_291 = vector.extract_strided_slice %get3A_290 {offsets = [0, 0], sizes = [32, 256], strides = [1, 1]} : vector<32x512xf32> to vector<32x256xf32>
    %slice3A_292 = vector.extract_strided_slice %get3A_290 {offsets = [0, 256], sizes = [32, 256], strides = [1, 1]} : vector<32x512xf32> to vector<32x256xf32>
    %max3A_293 = arith.maximumf %slice3A_291, %slice3A_292 : vector<32x256xf32>
    %slice3A_294 = vector.extract_strided_slice %max3A_293 {offsets = [0, 0], sizes = [32, 128], strides = [1, 1]} : vector<32x256xf32> to vector<32x128xf32>
    %slice3A_295 = vector.extract_strided_slice %max3A_293 {offsets = [0, 128], sizes = [32, 128], strides = [1, 1]} : vector<32x256xf32> to vector<32x128xf32>
    %max3A_296 = arith.maximumf %slice3A_294, %slice3A_295 : vector<32x128xf32>
    %max3A_297 = arith.maximumf %max3A_280, %max3A_296 : vector<32x128xf32>
    %slice3A_298 = vector.extract_strided_slice %get3A_290 {offsets = [0, 0], sizes = [32, 256], strides = [1, 1]} : vector<32x512xf32> to vector<32x256xf32>
    %slice3A_299 = vector.extract_strided_slice %get3A_290 {offsets = [0, 256], sizes = [32, 256], strides = [1, 1]} : vector<32x512xf32> to vector<32x256xf32>
    %min3A_300 = arith.minimumf %slice3A_298, %slice3A_299 : vector<32x256xf32>
    %slice3A_301 = vector.extract_strided_slice %min3A_300 {offsets = [0, 0], sizes = [32, 128], strides = [1, 1]} : vector<32x256xf32> to vector<32x128xf32>
    %slice3A_302 = vector.extract_strided_slice %min3A_300 {offsets = [0, 128], sizes = [32, 128], strides = [1, 1]} : vector<32x256xf32> to vector<32x128xf32>
    %min3A_303 = arith.minimumf %slice3A_301, %slice3A_302 : vector<32x128xf32>
    %min3A_304 = arith.minimumf %min3A_287, %min3A_303 : vector<32x128xf32>
    %get3A_305 = arith.constant 0 : index
    %get3A_306 = arith.constant 9216 : index
    %get3A_307 = vector.load %arg1[%get3A_305, %get3A_306] : memref<32x16384xf32, #tpu.memory_space<vmem>>, vector<32x512xf32>
    %slice3A_308 = vector.extract_strided_slice %get3A_307 {offsets = [0, 0], sizes = [32, 256], strides = [1, 1]} : vector<32x512xf32> to vector<32x256xf32>
    %slice3A_309 = vector.extract_strided_slice %get3A_307 {offsets = [0, 256], sizes = [32, 256], strides = [1, 1]} : vector<32x512xf32> to vector<32x256xf32>
    %max3A_310 = arith.maximumf %slice3A_308, %slice3A_309 : vector<32x256xf32>
    %slice3A_311 = vector.extract_strided_slice %max3A_310 {offsets = [0, 0], sizes = [32, 128], strides = [1, 1]} : vector<32x256xf32> to vector<32x128xf32>
    %slice3A_312 = vector.extract_strided_slice %max3A_310 {offsets = [0, 128], sizes = [32, 128], strides = [1, 1]} : vector<32x256xf32> to vector<32x128xf32>
    %max3A_313 = arith.maximumf %slice3A_311, %slice3A_312 : vector<32x128xf32>
    %max3A_314 = arith.maximumf %max3A_297, %max3A_313 : vector<32x128xf32>
    %slice3A_315 = vector.extract_strided_slice %get3A_307 {offsets = [0, 0], sizes = [32, 256], strides = [1, 1]} : vector<32x512xf32> to vector<32x256xf32>
    %slice3A_316 = vector.extract_strided_slice %get3A_307 {offsets = [0, 256], sizes = [32, 256], strides = [1, 1]} : vector<32x512xf32> to vector<32x256xf32>
    %min3A_317 = arith.minimumf %slice3A_315, %slice3A_316 : vector<32x256xf32>
    %slice3A_318 = vector.extract_strided_slice %min3A_317 {offsets = [0, 0], sizes = [32, 128], strides = [1, 1]} : vector<32x256xf32> to vector<32x128xf32>
    %slice3A_319 = vector.extract_strided_slice %min3A_317 {offsets = [0, 128], sizes = [32, 128], strides = [1, 1]} : vector<32x256xf32> to vector<32x128xf32>
    %min3A_320 = arith.minimumf %slice3A_318, %slice3A_319 : vector<32x128xf32>
    %min3A_321 = arith.minimumf %min3A_304, %min3A_320 : vector<32x128xf32>
    %get3A_322 = arith.constant 0 : index
    %get3A_323 = arith.constant 9728 : index
    %get3A_324 = vector.load %arg1[%get3A_322, %get3A_323] : memref<32x16384xf32, #tpu.memory_space<vmem>>, vector<32x512xf32>
    %slice3A_325 = vector.extract_strided_slice %get3A_324 {offsets = [0, 0], sizes = [32, 256], strides = [1, 1]} : vector<32x512xf32> to vector<32x256xf32>
    %slice3A_326 = vector.extract_strided_slice %get3A_324 {offsets = [0, 256], sizes = [32, 256], strides = [1, 1]} : vector<32x512xf32> to vector<32x256xf32>
    %max3A_327 = arith.maximumf %slice3A_325, %slice3A_326 : vector<32x256xf32>
    %slice3A_328 = vector.extract_strided_slice %max3A_327 {offsets = [0, 0], sizes = [32, 128], strides = [1, 1]} : vector<32x256xf32> to vector<32x128xf32>
    %slice3A_329 = vector.extract_strided_slice %max3A_327 {offsets = [0, 128], sizes = [32, 128], strides = [1, 1]} : vector<32x256xf32> to vector<32x128xf32>
    %max3A_330 = arith.maximumf %slice3A_328, %slice3A_329 : vector<32x128xf32>
    %max3A_331 = arith.maximumf %max3A_314, %max3A_330 : vector<32x128xf32>
    %slice3A_332 = vector.extract_strided_slice %get3A_324 {offsets = [0, 0], sizes = [32, 256], strides = [1, 1]} : vector<32x512xf32> to vector<32x256xf32>
    %slice3A_333 = vector.extract_strided_slice %get3A_324 {offsets = [0, 256], sizes = [32, 256], strides = [1, 1]} : vector<32x512xf32> to vector<32x256xf32>
    %min3A_334 = arith.minimumf %slice3A_332, %slice3A_333 : vector<32x256xf32>
    %slice3A_335 = vector.extract_strided_slice %min3A_334 {offsets = [0, 0], sizes = [32, 128], strides = [1, 1]} : vector<32x256xf32> to vector<32x128xf32>
    %slice3A_336 = vector.extract_strided_slice %min3A_334 {offsets = [0, 128], sizes = [32, 128], strides = [1, 1]} : vector<32x256xf32> to vector<32x128xf32>
    %min3A_337 = arith.minimumf %slice3A_335, %slice3A_336 : vector<32x128xf32>
    %min3A_338 = arith.minimumf %min3A_321, %min3A_337 : vector<32x128xf32>
    %get3A_339 = arith.constant 0 : index
    %get3A_340 = arith.constant 10240 : index
    %get3A_341 = vector.load %arg1[%get3A_339, %get3A_340] : memref<32x16384xf32, #tpu.memory_space<vmem>>, vector<32x512xf32>
    %slice3A_342 = vector.extract_strided_slice %get3A_341 {offsets = [0, 0], sizes = [32, 256], strides = [1, 1]} : vector<32x512xf32> to vector<32x256xf32>
    %slice3A_343 = vector.extract_strided_slice %get3A_341 {offsets = [0, 256], sizes = [32, 256], strides = [1, 1]} : vector<32x512xf32> to vector<32x256xf32>
    %max3A_344 = arith.maximumf %slice3A_342, %slice3A_343 : vector<32x256xf32>
    %slice3A_345 = vector.extract_strided_slice %max3A_344 {offsets = [0, 0], sizes = [32, 128], strides = [1, 1]} : vector<32x256xf32> to vector<32x128xf32>
    %slice3A_346 = vector.extract_strided_slice %max3A_344 {offsets = [0, 128], sizes = [32, 128], strides = [1, 1]} : vector<32x256xf32> to vector<32x128xf32>
    %max3A_347 = arith.maximumf %slice3A_345, %slice3A_346 : vector<32x128xf32>
    %max3A_348 = arith.maximumf %max3A_331, %max3A_347 : vector<32x128xf32>
    %slice3A_349 = vector.extract_strided_slice %get3A_341 {offsets = [0, 0], sizes = [32, 256], strides = [1, 1]} : vector<32x512xf32> to vector<32x256xf32>
    %slice3A_350 = vector.extract_strided_slice %get3A_341 {offsets = [0, 256], sizes = [32, 256], strides = [1, 1]} : vector<32x512xf32> to vector<32x256xf32>
    %min3A_351 = arith.minimumf %slice3A_349, %slice3A_350 : vector<32x256xf32>
    %slice3A_352 = vector.extract_strided_slice %min3A_351 {offsets = [0, 0], sizes = [32, 128], strides = [1, 1]} : vector<32x256xf32> to vector<32x128xf32>
    %slice3A_353 = vector.extract_strided_slice %min3A_351 {offsets = [0, 128], sizes = [32, 128], strides = [1, 1]} : vector<32x256xf32> to vector<32x128xf32>
    %min3A_354 = arith.minimumf %slice3A_352, %slice3A_353 : vector<32x128xf32>
    %min3A_355 = arith.minimumf %min3A_338, %min3A_354 : vector<32x128xf32>
    %get3A_356 = arith.constant 0 : index
    %get3A_357 = arith.constant 10752 : index
    %get3A_358 = vector.load %arg1[%get3A_356, %get3A_357] : memref<32x16384xf32, #tpu.memory_space<vmem>>, vector<32x512xf32>
    %slice3A_359 = vector.extract_strided_slice %get3A_358 {offsets = [0, 0], sizes = [32, 256], strides = [1, 1]} : vector<32x512xf32> to vector<32x256xf32>
    %slice3A_360 = vector.extract_strided_slice %get3A_358 {offsets = [0, 256], sizes = [32, 256], strides = [1, 1]} : vector<32x512xf32> to vector<32x256xf32>
    %max3A_361 = arith.maximumf %slice3A_359, %slice3A_360 : vector<32x256xf32>
    %slice3A_362 = vector.extract_strided_slice %max3A_361 {offsets = [0, 0], sizes = [32, 128], strides = [1, 1]} : vector<32x256xf32> to vector<32x128xf32>
    %slice3A_363 = vector.extract_strided_slice %max3A_361 {offsets = [0, 128], sizes = [32, 128], strides = [1, 1]} : vector<32x256xf32> to vector<32x128xf32>
    %max3A_364 = arith.maximumf %slice3A_362, %slice3A_363 : vector<32x128xf32>
    %max3A_365 = arith.maximumf %max3A_348, %max3A_364 : vector<32x128xf32>
    %slice3A_366 = vector.extract_strided_slice %get3A_358 {offsets = [0, 0], sizes = [32, 256], strides = [1, 1]} : vector<32x512xf32> to vector<32x256xf32>
    %slice3A_367 = vector.extract_strided_slice %get3A_358 {offsets = [0, 256], sizes = [32, 256], strides = [1, 1]} : vector<32x512xf32> to vector<32x256xf32>
    %min3A_368 = arith.minimumf %slice3A_366, %slice3A_367 : vector<32x256xf32>
    %slice3A_369 = vector.extract_strided_slice %min3A_368 {offsets = [0, 0], sizes = [32, 128], strides = [1, 1]} : vector<32x256xf32> to vector<32x128xf32>
    %slice3A_370 = vector.extract_strided_slice %min3A_368 {offsets = [0, 128], sizes = [32, 128], strides = [1, 1]} : vector<32x256xf32> to vector<32x128xf32>
    %min3A_371 = arith.minimumf %slice3A_369, %slice3A_370 : vector<32x128xf32>
    %min3A_372 = arith.minimumf %min3A_355, %min3A_371 : vector<32x128xf32>
    %get3A_373 = arith.constant 0 : index
    %get3A_374 = arith.constant 11264 : index
    %get3A_375 = vector.load %arg1[%get3A_373, %get3A_374] : memref<32x16384xf32, #tpu.memory_space<vmem>>, vector<32x512xf32>
    %slice3A_376 = vector.extract_strided_slice %get3A_375 {offsets = [0, 0], sizes = [32, 256], strides = [1, 1]} : vector<32x512xf32> to vector<32x256xf32>
    %slice3A_377 = vector.extract_strided_slice %get3A_375 {offsets = [0, 256], sizes = [32, 256], strides = [1, 1]} : vector<32x512xf32> to vector<32x256xf32>
    %max3A_378 = arith.maximumf %slice3A_376, %slice3A_377 : vector<32x256xf32>
    %slice3A_379 = vector.extract_strided_slice %max3A_378 {offsets = [0, 0], sizes = [32, 128], strides = [1, 1]} : vector<32x256xf32> to vector<32x128xf32>
    %slice3A_380 = vector.extract_strided_slice %max3A_378 {offsets = [0, 128], sizes = [32, 128], strides = [1, 1]} : vector<32x256xf32> to vector<32x128xf32>
    %max3A_381 = arith.maximumf %slice3A_379, %slice3A_380 : vector<32x128xf32>
    %max3A_382 = arith.maximumf %max3A_365, %max3A_381 : vector<32x128xf32>
    %slice3A_383 = vector.extract_strided_slice %get3A_375 {offsets = [0, 0], sizes = [32, 256], strides = [1, 1]} : vector<32x512xf32> to vector<32x256xf32>
    %slice3A_384 = vector.extract_strided_slice %get3A_375 {offsets = [0, 256], sizes = [32, 256], strides = [1, 1]} : vector<32x512xf32> to vector<32x256xf32>
    %min3A_385 = arith.minimumf %slice3A_383, %slice3A_384 : vector<32x256xf32>
    %slice3A_386 = vector.extract_strided_slice %min3A_385 {offsets = [0, 0], sizes = [32, 128], strides = [1, 1]} : vector<32x256xf32> to vector<32x128xf32>
    %slice3A_387 = vector.extract_strided_slice %min3A_385 {offsets = [0, 128], sizes = [32, 128], strides = [1, 1]} : vector<32x256xf32> to vector<32x128xf32>
    %min3A_388 = arith.minimumf %slice3A_386, %slice3A_387 : vector<32x128xf32>
    %min3A_389 = arith.minimumf %min3A_372, %min3A_388 : vector<32x128xf32>
    %get3A_390 = arith.constant 0 : index
    %get3A_391 = arith.constant 11776 : index
    %get3A_392 = vector.load %arg1[%get3A_390, %get3A_391] : memref<32x16384xf32, #tpu.memory_space<vmem>>, vector<32x512xf32>
    %slice3A_393 = vector.extract_strided_slice %get3A_392 {offsets = [0, 0], sizes = [32, 256], strides = [1, 1]} : vector<32x512xf32> to vector<32x256xf32>
    %slice3A_394 = vector.extract_strided_slice %get3A_392 {offsets = [0, 256], sizes = [32, 256], strides = [1, 1]} : vector<32x512xf32> to vector<32x256xf32>
    %max3A_395 = arith.maximumf %slice3A_393, %slice3A_394 : vector<32x256xf32>
    %slice3A_396 = vector.extract_strided_slice %max3A_395 {offsets = [0, 0], sizes = [32, 128], strides = [1, 1]} : vector<32x256xf32> to vector<32x128xf32>
    %slice3A_397 = vector.extract_strided_slice %max3A_395 {offsets = [0, 128], sizes = [32, 128], strides = [1, 1]} : vector<32x256xf32> to vector<32x128xf32>
    %max3A_398 = arith.maximumf %slice3A_396, %slice3A_397 : vector<32x128xf32>
    %max3A_399 = arith.maximumf %max3A_382, %max3A_398 : vector<32x128xf32>
    %slice3A_400 = vector.extract_strided_slice %get3A_392 {offsets = [0, 0], sizes = [32, 256], strides = [1, 1]} : vector<32x512xf32> to vector<32x256xf32>
    %slice3A_401 = vector.extract_strided_slice %get3A_392 {offsets = [0, 256], sizes = [32, 256], strides = [1, 1]} : vector<32x512xf32> to vector<32x256xf32>
    %min3A_402 = arith.minimumf %slice3A_400, %slice3A_401 : vector<32x256xf32>
    %slice3A_403 = vector.extract_strided_slice %min3A_402 {offsets = [0, 0], sizes = [32, 128], strides = [1, 1]} : vector<32x256xf32> to vector<32x128xf32>
    %slice3A_404 = vector.extract_strided_slice %min3A_402 {offsets = [0, 128], sizes = [32, 128], strides = [1, 1]} : vector<32x256xf32> to vector<32x128xf32>
    %min3A_405 = arith.minimumf %slice3A_403, %slice3A_404 : vector<32x128xf32>
    %min3A_406 = arith.minimumf %min3A_389, %min3A_405 : vector<32x128xf32>
    %get3A_407 = arith.constant 0 : index
    %get3A_408 = arith.constant 12288 : index
    %get3A_409 = vector.load %arg1[%get3A_407, %get3A_408] : memref<32x16384xf32, #tpu.memory_space<vmem>>, vector<32x512xf32>
    %slice3A_410 = vector.extract_strided_slice %get3A_409 {offsets = [0, 0], sizes = [32, 256], strides = [1, 1]} : vector<32x512xf32> to vector<32x256xf32>
    %slice3A_411 = vector.extract_strided_slice %get3A_409 {offsets = [0, 256], sizes = [32, 256], strides = [1, 1]} : vector<32x512xf32> to vector<32x256xf32>
    %max3A_412 = arith.maximumf %slice3A_410, %slice3A_411 : vector<32x256xf32>
    %slice3A_413 = vector.extract_strided_slice %max3A_412 {offsets = [0, 0], sizes = [32, 128], strides = [1, 1]} : vector<32x256xf32> to vector<32x128xf32>
    %slice3A_414 = vector.extract_strided_slice %max3A_412 {offsets = [0, 128], sizes = [32, 128], strides = [1, 1]} : vector<32x256xf32> to vector<32x128xf32>
    %max3A_415 = arith.maximumf %slice3A_413, %slice3A_414 : vector<32x128xf32>
    %max3A_416 = arith.maximumf %max3A_399, %max3A_415 : vector<32x128xf32>
    %slice3A_417 = vector.extract_strided_slice %get3A_409 {offsets = [0, 0], sizes = [32, 256], strides = [1, 1]} : vector<32x512xf32> to vector<32x256xf32>
    %slice3A_418 = vector.extract_strided_slice %get3A_409 {offsets = [0, 256], sizes = [32, 256], strides = [1, 1]} : vector<32x512xf32> to vector<32x256xf32>
    %min3A_419 = arith.minimumf %slice3A_417, %slice3A_418 : vector<32x256xf32>
    %slice3A_420 = vector.extract_strided_slice %min3A_419 {offsets = [0, 0], sizes = [32, 128], strides = [1, 1]} : vector<32x256xf32> to vector<32x128xf32>
    %slice3A_421 = vector.extract_strided_slice %min3A_419 {offsets = [0, 128], sizes = [32, 128], strides = [1, 1]} : vector<32x256xf32> to vector<32x128xf32>
    %min3A_422 = arith.minimumf %slice3A_420, %slice3A_421 : vector<32x128xf32>
    %min3A_423 = arith.minimumf %min3A_406, %min3A_422 : vector<32x128xf32>
    %get3A_424 = arith.constant 0 : index
    %get3A_425 = arith.constant 12800 : index
    %get3A_426 = vector.load %arg1[%get3A_424, %get3A_425] : memref<32x16384xf32, #tpu.memory_space<vmem>>, vector<32x512xf32>
    %slice3A_427 = vector.extract_strided_slice %get3A_426 {offsets = [0, 0], sizes = [32, 256], strides = [1, 1]} : vector<32x512xf32> to vector<32x256xf32>
    %slice3A_428 = vector.extract_strided_slice %get3A_426 {offsets = [0, 256], sizes = [32, 256], strides = [1, 1]} : vector<32x512xf32> to vector<32x256xf32>
    %max3A_429 = arith.maximumf %slice3A_427, %slice3A_428 : vector<32x256xf32>
    %slice3A_430 = vector.extract_strided_slice %max3A_429 {offsets = [0, 0], sizes = [32, 128], strides = [1, 1]} : vector<32x256xf32> to vector<32x128xf32>
    %slice3A_431 = vector.extract_strided_slice %max3A_429 {offsets = [0, 128], sizes = [32, 128], strides = [1, 1]} : vector<32x256xf32> to vector<32x128xf32>
    %max3A_432 = arith.maximumf %slice3A_430, %slice3A_431 : vector<32x128xf32>
    %max3A_433 = arith.maximumf %max3A_416, %max3A_432 : vector<32x128xf32>
    %slice3A_434 = vector.extract_strided_slice %get3A_426 {offsets = [0, 0], sizes = [32, 256], strides = [1, 1]} : vector<32x512xf32> to vector<32x256xf32>
    %slice3A_435 = vector.extract_strided_slice %get3A_426 {offsets = [0, 256], sizes = [32, 256], strides = [1, 1]} : vector<32x512xf32> to vector<32x256xf32>
    %min3A_436 = arith.minimumf %slice3A_434, %slice3A_435 : vector<32x256xf32>
    %slice3A_437 = vector.extract_strided_slice %min3A_436 {offsets = [0, 0], sizes = [32, 128], strides = [1, 1]} : vector<32x256xf32> to vector<32x128xf32>
    %slice3A_438 = vector.extract_strided_slice %min3A_436 {offsets = [0, 128], sizes = [32, 128], strides = [1, 1]} : vector<32x256xf32> to vector<32x128xf32>
    %min3A_439 = arith.minimumf %slice3A_437, %slice3A_438 : vector<32x128xf32>
    %min3A_440 = arith.minimumf %min3A_423, %min3A_439 : vector<32x128xf32>
    %get3A_441 = arith.constant 0 : index
    %get3A_442 = arith.constant 13312 : index
    %get3A_443 = vector.load %arg1[%get3A_441, %get3A_442] : memref<32x16384xf32, #tpu.memory_space<vmem>>, vector<32x512xf32>
    %slice3A_444 = vector.extract_strided_slice %get3A_443 {offsets = [0, 0], sizes = [32, 256], strides = [1, 1]} : vector<32x512xf32> to vector<32x256xf32>
    %slice3A_445 = vector.extract_strided_slice %get3A_443 {offsets = [0, 256], sizes = [32, 256], strides = [1, 1]} : vector<32x512xf32> to vector<32x256xf32>
    %max3A_446 = arith.maximumf %slice3A_444, %slice3A_445 : vector<32x256xf32>
    %slice3A_447 = vector.extract_strided_slice %max3A_446 {offsets = [0, 0], sizes = [32, 128], strides = [1, 1]} : vector<32x256xf32> to vector<32x128xf32>
    %slice3A_448 = vector.extract_strided_slice %max3A_446 {offsets = [0, 128], sizes = [32, 128], strides = [1, 1]} : vector<32x256xf32> to vector<32x128xf32>
    %max3A_449 = arith.maximumf %slice3A_447, %slice3A_448 : vector<32x128xf32>
    %max3A_450 = arith.maximumf %max3A_433, %max3A_449 : vector<32x128xf32>
    %slice3A_451 = vector.extract_strided_slice %get3A_443 {offsets = [0, 0], sizes = [32, 256], strides = [1, 1]} : vector<32x512xf32> to vector<32x256xf32>
    %slice3A_452 = vector.extract_strided_slice %get3A_443 {offsets = [0, 256], sizes = [32, 256], strides = [1, 1]} : vector<32x512xf32> to vector<32x256xf32>
    %min3A_453 = arith.minimumf %slice3A_451, %slice3A_452 : vector<32x256xf32>
    %slice3A_454 = vector.extract_strided_slice %min3A_453 {offsets = [0, 0], sizes = [32, 128], strides = [1, 1]} : vector<32x256xf32> to vector<32x128xf32>
    %slice3A_455 = vector.extract_strided_slice %min3A_453 {offsets = [0, 128], sizes = [32, 128], strides = [1, 1]} : vector<32x256xf32> to vector<32x128xf32>
    %min3A_456 = arith.minimumf %slice3A_454, %slice3A_455 : vector<32x128xf32>
    %min3A_457 = arith.minimumf %min3A_440, %min3A_456 : vector<32x128xf32>
    %get3A_458 = arith.constant 0 : index
    %get3A_459 = arith.constant 13824 : index
    %get3A_460 = vector.load %arg1[%get3A_458, %get3A_459] : memref<32x16384xf32, #tpu.memory_space<vmem>>, vector<32x512xf32>
    %slice3A_461 = vector.extract_strided_slice %get3A_460 {offsets = [0, 0], sizes = [32, 256], strides = [1, 1]} : vector<32x512xf32> to vector<32x256xf32>
    %slice3A_462 = vector.extract_strided_slice %get3A_460 {offsets = [0, 256], sizes = [32, 256], strides = [1, 1]} : vector<32x512xf32> to vector<32x256xf32>
    %max3A_463 = arith.maximumf %slice3A_461, %slice3A_462 : vector<32x256xf32>
    %slice3A_464 = vector.extract_strided_slice %max3A_463 {offsets = [0, 0], sizes = [32, 128], strides = [1, 1]} : vector<32x256xf32> to vector<32x128xf32>
    %slice3A_465 = vector.extract_strided_slice %max3A_463 {offsets = [0, 128], sizes = [32, 128], strides = [1, 1]} : vector<32x256xf32> to vector<32x128xf32>
    %max3A_466 = arith.maximumf %slice3A_464, %slice3A_465 : vector<32x128xf32>
    %max3A_467 = arith.maximumf %max3A_450, %max3A_466 : vector<32x128xf32>
    %slice3A_468 = vector.extract_strided_slice %get3A_460 {offsets = [0, 0], sizes = [32, 256], strides = [1, 1]} : vector<32x512xf32> to vector<32x256xf32>
    %slice3A_469 = vector.extract_strided_slice %get3A_460 {offsets = [0, 256], sizes = [32, 256], strides = [1, 1]} : vector<32x512xf32> to vector<32x256xf32>
    %min3A_470 = arith.minimumf %slice3A_468, %slice3A_469 : vector<32x256xf32>
    %slice3A_471 = vector.extract_strided_slice %min3A_470 {offsets = [0, 0], sizes = [32, 128], strides = [1, 1]} : vector<32x256xf32> to vector<32x128xf32>
    %slice3A_472 = vector.extract_strided_slice %min3A_470 {offsets = [0, 128], sizes = [32, 128], strides = [1, 1]} : vector<32x256xf32> to vector<32x128xf32>
    %min3A_473 = arith.minimumf %slice3A_471, %slice3A_472 : vector<32x128xf32>
    %min3A_474 = arith.minimumf %min3A_457, %min3A_473 : vector<32x128xf32>
    %get3A_475 = arith.constant 0 : index
    %get3A_476 = arith.constant 14336 : index
    %get3A_477 = vector.load %arg1[%get3A_475, %get3A_476] : memref<32x16384xf32, #tpu.memory_space<vmem>>, vector<32x512xf32>
    %slice3A_478 = vector.extract_strided_slice %get3A_477 {offsets = [0, 0], sizes = [32, 256], strides = [1, 1]} : vector<32x512xf32> to vector<32x256xf32>
    %slice3A_479 = vector.extract_strided_slice %get3A_477 {offsets = [0, 256], sizes = [32, 256], strides = [1, 1]} : vector<32x512xf32> to vector<32x256xf32>
    %max3A_480 = arith.maximumf %slice3A_478, %slice3A_479 : vector<32x256xf32>
    %slice3A_481 = vector.extract_strided_slice %max3A_480 {offsets = [0, 0], sizes = [32, 128], strides = [1, 1]} : vector<32x256xf32> to vector<32x128xf32>
    %slice3A_482 = vector.extract_strided_slice %max3A_480 {offsets = [0, 128], sizes = [32, 128], strides = [1, 1]} : vector<32x256xf32> to vector<32x128xf32>
    %max3A_483 = arith.maximumf %slice3A_481, %slice3A_482 : vector<32x128xf32>
    %max3A_484 = arith.maximumf %max3A_467, %max3A_483 : vector<32x128xf32>
    %slice3A_485 = vector.extract_strided_slice %get3A_477 {offsets = [0, 0], sizes = [32, 256], strides = [1, 1]} : vector<32x512xf32> to vector<32x256xf32>
    %slice3A_486 = vector.extract_strided_slice %get3A_477 {offsets = [0, 256], sizes = [32, 256], strides = [1, 1]} : vector<32x512xf32> to vector<32x256xf32>
    %min3A_487 = arith.minimumf %slice3A_485, %slice3A_486 : vector<32x256xf32>
    %slice3A_488 = vector.extract_strided_slice %min3A_487 {offsets = [0, 0], sizes = [32, 128], strides = [1, 1]} : vector<32x256xf32> to vector<32x128xf32>
    %slice3A_489 = vector.extract_strided_slice %min3A_487 {offsets = [0, 128], sizes = [32, 128], strides = [1, 1]} : vector<32x256xf32> to vector<32x128xf32>
    %min3A_490 = arith.minimumf %slice3A_488, %slice3A_489 : vector<32x128xf32>
    %min3A_491 = arith.minimumf %min3A_474, %min3A_490 : vector<32x128xf32>
    %get3A_492 = arith.constant 0 : index
    %get3A_493 = arith.constant 14848 : index
    %get3A_494 = vector.load %arg1[%get3A_492, %get3A_493] : memref<32x16384xf32, #tpu.memory_space<vmem>>, vector<32x512xf32>
    %slice3A_495 = vector.extract_strided_slice %get3A_494 {offsets = [0, 0], sizes = [32, 256], strides = [1, 1]} : vector<32x512xf32> to vector<32x256xf32>
    %slice3A_496 = vector.extract_strided_slice %get3A_494 {offsets = [0, 256], sizes = [32, 256], strides = [1, 1]} : vector<32x512xf32> to vector<32x256xf32>
    %max3A_497 = arith.maximumf %slice3A_495, %slice3A_496 : vector<32x256xf32>
    %slice3A_498 = vector.extract_strided_slice %max3A_497 {offsets = [0, 0], sizes = [32, 128], strides = [1, 1]} : vector<32x256xf32> to vector<32x128xf32>
    %slice3A_499 = vector.extract_strided_slice %max3A_497 {offsets = [0, 128], sizes = [32, 128], strides = [1, 1]} : vector<32x256xf32> to vector<32x128xf32>
    %max3A_500 = arith.maximumf %slice3A_498, %slice3A_499 : vector<32x128xf32>
    %max3A_501 = arith.maximumf %max3A_484, %max3A_500 : vector<32x128xf32>
    %slice3A_502 = vector.extract_strided_slice %get3A_494 {offsets = [0, 0], sizes = [32, 256], strides = [1, 1]} : vector<32x512xf32> to vector<32x256xf32>
    %slice3A_503 = vector.extract_strided_slice %get3A_494 {offsets = [0, 256], sizes = [32, 256], strides = [1, 1]} : vector<32x512xf32> to vector<32x256xf32>
    %min3A_504 = arith.minimumf %slice3A_502, %slice3A_503 : vector<32x256xf32>
    %slice3A_505 = vector.extract_strided_slice %min3A_504 {offsets = [0, 0], sizes = [32, 128], strides = [1, 1]} : vector<32x256xf32> to vector<32x128xf32>
    %slice3A_506 = vector.extract_strided_slice %min3A_504 {offsets = [0, 128], sizes = [32, 128], strides = [1, 1]} : vector<32x256xf32> to vector<32x128xf32>
    %min3A_507 = arith.minimumf %slice3A_505, %slice3A_506 : vector<32x128xf32>
    %min3A_508 = arith.minimumf %min3A_491, %min3A_507 : vector<32x128xf32>
    %get3A_509 = arith.constant 0 : index
    %get3A_510 = arith.constant 15360 : index
    %get3A_511 = vector.load %arg1[%get3A_509, %get3A_510] : memref<32x16384xf32, #tpu.memory_space<vmem>>, vector<32x512xf32>
    %slice3A_512 = vector.extract_strided_slice %get3A_511 {offsets = [0, 0], sizes = [32, 256], strides = [1, 1]} : vector<32x512xf32> to vector<32x256xf32>
    %slice3A_513 = vector.extract_strided_slice %get3A_511 {offsets = [0, 256], sizes = [32, 256], strides = [1, 1]} : vector<32x512xf32> to vector<32x256xf32>
    %max3A_514 = arith.maximumf %slice3A_512, %slice3A_513 : vector<32x256xf32>
    %slice3A_515 = vector.extract_strided_slice %max3A_514 {offsets = [0, 0], sizes = [32, 128], strides = [1, 1]} : vector<32x256xf32> to vector<32x128xf32>
    %slice3A_516 = vector.extract_strided_slice %max3A_514 {offsets = [0, 128], sizes = [32, 128], strides = [1, 1]} : vector<32x256xf32> to vector<32x128xf32>
    %max3A_517 = arith.maximumf %slice3A_515, %slice3A_516 : vector<32x128xf32>
    %max3A_518 = arith.maximumf %max3A_501, %max3A_517 : vector<32x128xf32>
    %slice3A_519 = vector.extract_strided_slice %get3A_511 {offsets = [0, 0], sizes = [32, 256], strides = [1, 1]} : vector<32x512xf32> to vector<32x256xf32>
    %slice3A_520 = vector.extract_strided_slice %get3A_511 {offsets = [0, 256], sizes = [32, 256], strides = [1, 1]} : vector<32x512xf32> to vector<32x256xf32>
    %min3A_521 = arith.minimumf %slice3A_519, %slice3A_520 : vector<32x256xf32>
    %slice3A_522 = vector.extract_strided_slice %min3A_521 {offsets = [0, 0], sizes = [32, 128], strides = [1, 1]} : vector<32x256xf32> to vector<32x128xf32>
    %slice3A_523 = vector.extract_strided_slice %min3A_521 {offsets = [0, 128], sizes = [32, 128], strides = [1, 1]} : vector<32x256xf32> to vector<32x128xf32>
    %min3A_524 = arith.minimumf %slice3A_522, %slice3A_523 : vector<32x128xf32>
    %min3A_525 = arith.minimumf %min3A_508, %min3A_524 : vector<32x128xf32>
    %get3A_526 = arith.constant 0 : index
    %get3A_527 = arith.constant 15872 : index
    %get3A_528 = vector.load %arg1[%get3A_526, %get3A_527] : memref<32x16384xf32, #tpu.memory_space<vmem>>, vector<32x512xf32>
    %slice3A_529 = vector.extract_strided_slice %get3A_528 {offsets = [0, 0], sizes = [32, 256], strides = [1, 1]} : vector<32x512xf32> to vector<32x256xf32>
    %slice3A_530 = vector.extract_strided_slice %get3A_528 {offsets = [0, 256], sizes = [32, 256], strides = [1, 1]} : vector<32x512xf32> to vector<32x256xf32>
    %max3A_531 = arith.maximumf %slice3A_529, %slice3A_530 : vector<32x256xf32>
    %slice3A_532 = vector.extract_strided_slice %max3A_531 {offsets = [0, 0], sizes = [32, 128], strides = [1, 1]} : vector<32x256xf32> to vector<32x128xf32>
    %slice3A_533 = vector.extract_strided_slice %max3A_531 {offsets = [0, 128], sizes = [32, 128], strides = [1, 1]} : vector<32x256xf32> to vector<32x128xf32>
    %max3A_534 = arith.maximumf %slice3A_532, %slice3A_533 : vector<32x128xf32>
    %max3A_535 = arith.maximumf %max3A_518, %max3A_534 : vector<32x128xf32>
    %slice3A_536 = vector.extract_strided_slice %get3A_528 {offsets = [0, 0], sizes = [32, 256], strides = [1, 1]} : vector<32x512xf32> to vector<32x256xf32>
    %slice3A_537 = vector.extract_strided_slice %get3A_528 {offsets = [0, 256], sizes = [32, 256], strides = [1, 1]} : vector<32x512xf32> to vector<32x256xf32>
    %min3A_538 = arith.minimumf %slice3A_536, %slice3A_537 : vector<32x256xf32>
    %slice3A_539 = vector.extract_strided_slice %min3A_538 {offsets = [0, 0], sizes = [32, 128], strides = [1, 1]} : vector<32x256xf32> to vector<32x128xf32>
    %slice3A_540 = vector.extract_strided_slice %min3A_538 {offsets = [0, 128], sizes = [32, 128], strides = [1, 1]} : vector<32x256xf32> to vector<32x128xf32>
    %min3A_541 = arith.minimumf %slice3A_539, %slice3A_540 : vector<32x128xf32>
    %min3A_542 = arith.minimumf %min3A_525, %min3A_541 : vector<32x128xf32>
    %reduce_max3A = arith.constant dense<0xFF800000> : vector<32xf32>
    %reduce_max3A_543 = vector.multi_reduction <maximumf>, %max3A_535, %reduce_max3A [1] : vector<32x128xf32> to vector<32xf32>
    %broadcast_in_dim3A_544 = vector.shape_cast %reduce_max3A_543 : vector<32xf32> to vector<32x1xf32>
    %reduce_min3A = arith.constant dense<0x7F800000> : vector<32xf32>
    %reduce_min3A_545 = vector.multi_reduction <minimumf>, %min3A_542, %reduce_min3A [1] : vector<32x128xf32> to vector<32xf32>
    %broadcast_in_dim3A_546 = vector.shape_cast %reduce_min3A_545 : vector<32xf32> to vector<32x1xf32>
    %scan3A = arith.constant 1.630000e+02 : f32
    %scan3A_547 = arith.constant 0 : i32
    %scan3A_548 = arith.constant 9 : i32
    %scan3A_549 = arith.addi %scan3A_547, %scan3A_548 : i32
    %scan3A_550 = arith.constant 1 : i32
    %scan3A_551:2 = scf.for %scan3A_1251 = %scan3A_547 to %scan3A_549 step %scan3A_550 iter_args(%scan3A_1252 = %broadcast_in_dim3A_546, %scan3A_1253 = %broadcast_in_dim3A_544) -> (vector<32x1xf32>, vector<32x1xf32>)  : i32 {
      %mul3A_1254 = arith.constant 5.000000e-01 : f32
      %mul3A_1255 = vector.broadcast %mul3A_1254 : f32 to vector<32x1xf32>
      %mul3A_1256 = arith.mulf %mul3A_1255, %scan3A_1252 : vector<32x1xf32>
      %mul3A_1257 = arith.constant 5.000000e-01 : f32
      %mul3A_1258 = vector.broadcast %mul3A_1257 : f32 to vector<32x1xf32>
      %mul3A_1259 = arith.mulf %mul3A_1258, %scan3A_1253 : vector<32x1xf32>
      %add3A_1260 = arith.addf %mul3A_1256, %mul3A_1259 : vector<32x1xf32>
      %broadcast_in_dim3A_1261 = arith.constant 0.000000e+00 : f32
      %broadcast_in_dim3A_1262 = vector.broadcast %broadcast_in_dim3A_1261 : f32 to vector<32x128xf32>
      %get3A_1263 = arith.constant 0 : index
      %get3A_1264 = arith.constant 0 : index
      %get3A_1265 = vector.load %arg1[%get3A_1263, %get3A_1264] : memref<32x16384xf32, #tpu.memory_space<vmem>>, vector<32x512xf32>
      %ge3A_1266 = vector.broadcast %add3A_1260 : vector<32x1xf32> to vector<32x512xf32>
      %ge3A_1267 = arith.cmpf oge, %get3A_1265, %ge3A_1266 : vector<32x512xf32>
      %jit3A_1268 = arith.constant 1.000000e+00 : f32
      %jit3A_1269 = arith.constant 0.000000e+00 : f32
      %broadcast_in_dim3A_1270 = vector.broadcast %jit3A_1268 : f32 to vector<32x512xf32>
      %broadcast_in_dim3A_1271 = vector.broadcast %jit3A_1269 : f32 to vector<32x512xf32>
      %select_n3A_1272 = arith.select %ge3A_1267, %broadcast_in_dim3A_1270, %broadcast_in_dim3A_1271 : vector<32x512xi1>, vector<32x512xf32>
      %slice3A_1273 = vector.extract_strided_slice %select_n3A_1272 {offsets = [0, 0], sizes = [32, 256], strides = [1, 1]} : vector<32x512xf32> to vector<32x256xf32>
      %slice3A_1274 = vector.extract_strided_slice %select_n3A_1272 {offsets = [0, 256], sizes = [32, 256], strides = [1, 1]} : vector<32x512xf32> to vector<32x256xf32>
      %add3A_1275 = arith.addf %slice3A_1273, %slice3A_1274 : vector<32x256xf32>
      %slice3A_1276 = vector.extract_strided_slice %add3A_1275 {offsets = [0, 0], sizes = [32, 128], strides = [1, 1]} : vector<32x256xf32> to vector<32x128xf32>
      %slice3A_1277 = vector.extract_strided_slice %add3A_1275 {offsets = [0, 128], sizes = [32, 128], strides = [1, 1]} : vector<32x256xf32> to vector<32x128xf32>
      %add3A_1278 = arith.addf %slice3A_1276, %slice3A_1277 : vector<32x128xf32>
      %add3A_1279 = arith.addf %broadcast_in_dim3A_1262, %add3A_1278 : vector<32x128xf32>
      %get3A_1280 = arith.constant 0 : index
      %get3A_1281 = arith.constant 512 : index
      %get3A_1282 = vector.load %arg1[%get3A_1280, %get3A_1281] : memref<32x16384xf32, #tpu.memory_space<vmem>>, vector<32x512xf32>
      %ge3A_1283 = vector.broadcast %add3A_1260 : vector<32x1xf32> to vector<32x512xf32>
      %ge3A_1284 = arith.cmpf oge, %get3A_1282, %ge3A_1283 : vector<32x512xf32>
      %jit3A_1285 = arith.constant 1.000000e+00 : f32
      %jit3A_1286 = arith.constant 0.000000e+00 : f32
      %broadcast_in_dim3A_1287 = vector.broadcast %jit3A_1285 : f32 to vector<32x512xf32>
      %broadcast_in_dim3A_1288 = vector.broadcast %jit3A_1286 : f32 to vector<32x512xf32>
      %select_n3A_1289 = arith.select %ge3A_1284, %broadcast_in_dim3A_1287, %broadcast_in_dim3A_1288 : vector<32x512xi1>, vector<32x512xf32>
      %slice3A_1290 = vector.extract_strided_slice %select_n3A_1289 {offsets = [0, 0], sizes = [32, 256], strides = [1, 1]} : vector<32x512xf32> to vector<32x256xf32>
      %slice3A_1291 = vector.extract_strided_slice %select_n3A_1289 {offsets = [0, 256], sizes = [32, 256], strides = [1, 1]} : vector<32x512xf32> to vector<32x256xf32>
      %add3A_1292 = arith.addf %slice3A_1290, %slice3A_1291 : vector<32x256xf32>
      %slice3A_1293 = vector.extract_strided_slice %add3A_1292 {offsets = [0, 0], sizes = [32, 128], strides = [1, 1]} : vector<32x256xf32> to vector<32x128xf32>
      %slice3A_1294 = vector.extract_strided_slice %add3A_1292 {offsets = [0, 128], sizes = [32, 128], strides = [1, 1]} : vector<32x256xf32> to vector<32x128xf32>
      %add3A_1295 = arith.addf %slice3A_1293, %slice3A_1294 : vector<32x128xf32>
      %add3A_1296 = arith.addf %add3A_1279, %add3A_1295 : vector<32x128xf32>
      %get3A_1297 = arith.constant 0 : index
      %get3A_1298 = arith.constant 1024 : index
      %get3A_1299 = vector.load %arg1[%get3A_1297, %get3A_1298] : memref<32x16384xf32, #tpu.memory_space<vmem>>, vector<32x512xf32>
      %ge3A_1300 = vector.broadcast %add3A_1260 : vector<32x1xf32> to vector<32x512xf32>
      %ge3A_1301 = arith.cmpf oge, %get3A_1299, %ge3A_1300 : vector<32x512xf32>
      %jit3A_1302 = arith.constant 1.000000e+00 : f32
      %jit3A_1303 = arith.constant 0.000000e+00 : f32
      %broadcast_in_dim3A_1304 = vector.broadcast %jit3A_1302 : f32 to vector<32x512xf32>
      %broadcast_in_dim3A_1305 = vector.broadcast %jit3A_1303 : f32 to vector<32x512xf32>
      %select_n3A_1306 = arith.select %ge3A_1301, %broadcast_in_dim3A_1304, %broadcast_in_dim3A_1305 : vector<32x512xi1>, vector<32x512xf32>
      %slice3A_1307 = vector.extract_strided_slice %select_n3A_1306 {offsets = [0, 0], sizes = [32, 256], strides = [1, 1]} : vector<32x512xf32> to vector<32x256xf32>
      %slice3A_1308 = vector.extract_strided_slice %select_n3A_1306 {offsets = [0, 256], sizes = [32, 256], strides = [1, 1]} : vector<32x512xf32> to vector<32x256xf32>
      %add3A_1309 = arith.addf %slice3A_1307, %slice3A_1308 : vector<32x256xf32>
      %slice3A_1310 = vector.extract_strided_slice %add3A_1309 {offsets = [0, 0], sizes = [32, 128], strides = [1, 1]} : vector<32x256xf32> to vector<32x128xf32>
      %slice3A_1311 = vector.extract_strided_slice %add3A_1309 {offsets = [0, 128], sizes = [32, 128], strides = [1, 1]} : vector<32x256xf32> to vector<32x128xf32>
      %add3A_1312 = arith.addf %slice3A_1310, %slice3A_1311 : vector<32x128xf32>
      %add3A_1313 = arith.addf %add3A_1296, %add3A_1312 : vector<32x128xf32>
      %get3A_1314 = arith.constant 0 : index
      %get3A_1315 = arith.constant 1536 : index
      %get3A_1316 = vector.load %arg1[%get3A_1314, %get3A_1315] : memref<32x16384xf32, #tpu.memory_space<vmem>>, vector<32x512xf32>
      %ge3A_1317 = vector.broadcast %add3A_1260 : vector<32x1xf32> to vector<32x512xf32>
      %ge3A_1318 = arith.cmpf oge, %get3A_1316, %ge3A_1317 : vector<32x512xf32>
      %jit3A_1319 = arith.constant 1.000000e+00 : f32
      %jit3A_1320 = arith.constant 0.000000e+00 : f32
      %broadcast_in_dim3A_1321 = vector.broadcast %jit3A_1319 : f32 to vector<32x512xf32>
      %broadcast_in_dim3A_1322 = vector.broadcast %jit3A_1320 : f32 to vector<32x512xf32>
      %select_n3A_1323 = arith.select %ge3A_1318, %broadcast_in_dim3A_1321, %broadcast_in_dim3A_1322 : vector<32x512xi1>, vector<32x512xf32>
      %slice3A_1324 = vector.extract_strided_slice %select_n3A_1323 {offsets = [0, 0], sizes = [32, 256], strides = [1, 1]} : vector<32x512xf32> to vector<32x256xf32>
      %slice3A_1325 = vector.extract_strided_slice %select_n3A_1323 {offsets = [0, 256], sizes = [32, 256], strides = [1, 1]} : vector<32x512xf32> to vector<32x256xf32>
      %add3A_1326 = arith.addf %slice3A_1324, %slice3A_1325 : vector<32x256xf32>
      %slice3A_1327 = vector.extract_strided_slice %add3A_1326 {offsets = [0, 0], sizes = [32, 128], strides = [1, 1]} : vector<32x256xf32> to vector<32x128xf32>
      %slice3A_1328 = vector.extract_strided_slice %add3A_1326 {offsets = [0, 128], sizes = [32, 128], strides = [1, 1]} : vector<32x256xf32> to vector<32x128xf32>
      %add3A_1329 = arith.addf %slice3A_1327, %slice3A_1328 : vector<32x128xf32>
      %add3A_1330 = arith.addf %add3A_1313, %add3A_1329 : vector<32x128xf32>
      %get3A_1331 = arith.constant 0 : index
      %get3A_1332 = arith.constant 2048 : index
      %get3A_1333 = vector.load %arg1[%get3A_1331, %get3A_1332] : memref<32x16384xf32, #tpu.memory_space<vmem>>, vector<32x512xf32>
      %ge3A_1334 = vector.broadcast %add3A_1260 : vector<32x1xf32> to vector<32x512xf32>
      %ge3A_1335 = arith.cmpf oge, %get3A_1333, %ge3A_1334 : vector<32x512xf32>
      %jit3A_1336 = arith.constant 1.000000e+00 : f32
      %jit3A_1337 = arith.constant 0.000000e+00 : f32
      %broadcast_in_dim3A_1338 = vector.broadcast %jit3A_1336 : f32 to vector<32x512xf32>
      %broadcast_in_dim3A_1339 = vector.broadcast %jit3A_1337 : f32 to vector<32x512xf32>
      %select_n3A_1340 = arith.select %ge3A_1335, %broadcast_in_dim3A_1338, %broadcast_in_dim3A_1339 : vector<32x512xi1>, vector<32x512xf32>
      %slice3A_1341 = vector.extract_strided_slice %select_n3A_1340 {offsets = [0, 0], sizes = [32, 256], strides = [1, 1]} : vector<32x512xf32> to vector<32x256xf32>
      %slice3A_1342 = vector.extract_strided_slice %select_n3A_1340 {offsets = [0, 256], sizes = [32, 256], strides = [1, 1]} : vector<32x512xf32> to vector<32x256xf32>
      %add3A_1343 = arith.addf %slice3A_1341, %slice3A_1342 : vector<32x256xf32>
      %slice3A_1344 = vector.extract_strided_slice %add3A_1343 {offsets = [0, 0], sizes = [32, 128], strides = [1, 1]} : vector<32x256xf32> to vector<32x128xf32>
      %slice3A_1345 = vector.extract_strided_slice %add3A_1343 {offsets = [0, 128], sizes = [32, 128], strides = [1, 1]} : vector<32x256xf32> to vector<32x128xf32>
      %add3A_1346 = arith.addf %slice3A_1344, %slice3A_1345 : vector<32x128xf32>
      %add3A_1347 = arith.addf %add3A_1330, %add3A_1346 : vector<32x128xf32>
      %get3A_1348 = arith.constant 0 : index
      %get3A_1349 = arith.constant 2560 : index
      %get3A_1350 = vector.load %arg1[%get3A_1348, %get3A_1349] : memref<32x16384xf32, #tpu.memory_space<vmem>>, vector<32x512xf32>
      %ge3A_1351 = vector.broadcast %add3A_1260 : vector<32x1xf32> to vector<32x512xf32>
      %ge3A_1352 = arith.cmpf oge, %get3A_1350, %ge3A_1351 : vector<32x512xf32>
      %jit3A_1353 = arith.constant 1.000000e+00 : f32
      %jit3A_1354 = arith.constant 0.000000e+00 : f32
      %broadcast_in_dim3A_1355 = vector.broadcast %jit3A_1353 : f32 to vector<32x512xf32>
      %broadcast_in_dim3A_1356 = vector.broadcast %jit3A_1354 : f32 to vector<32x512xf32>
      %select_n3A_1357 = arith.select %ge3A_1352, %broadcast_in_dim3A_1355, %broadcast_in_dim3A_1356 : vector<32x512xi1>, vector<32x512xf32>
      %slice3A_1358 = vector.extract_strided_slice %select_n3A_1357 {offsets = [0, 0], sizes = [32, 256], strides = [1, 1]} : vector<32x512xf32> to vector<32x256xf32>
      %slice3A_1359 = vector.extract_strided_slice %select_n3A_1357 {offsets = [0, 256], sizes = [32, 256], strides = [1, 1]} : vector<32x512xf32> to vector<32x256xf32>
      %add3A_1360 = arith.addf %slice3A_1358, %slice3A_1359 : vector<32x256xf32>
      %slice3A_1361 = vector.extract_strided_slice %add3A_1360 {offsets = [0, 0], sizes = [32, 128], strides = [1, 1]} : vector<32x256xf32> to vector<32x128xf32>
      %slice3A_1362 = vector.extract_strided_slice %add3A_1360 {offsets = [0, 128], sizes = [32, 128], strides = [1, 1]} : vector<32x256xf32> to vector<32x128xf32>
      %add3A_1363 = arith.addf %slice3A_1361, %slice3A_1362 : vector<32x128xf32>
      %add3A_1364 = arith.addf %add3A_1347, %add3A_1363 : vector<32x128xf32>
      %get3A_1365 = arith.constant 0 : index
      %get3A_1366 = arith.constant 3072 : index
      %get3A_1367 = vector.load %arg1[%get3A_1365, %get3A_1366] : memref<32x16384xf32, #tpu.memory_space<vmem>>, vector<32x512xf32>
      %ge3A_1368 = vector.broadcast %add3A_1260 : vector<32x1xf32> to vector<32x512xf32>
      %ge3A_1369 = arith.cmpf oge, %get3A_1367, %ge3A_1368 : vector<32x512xf32>
      %jit3A_1370 = arith.constant 1.000000e+00 : f32
      %jit3A_1371 = arith.constant 0.000000e+00 : f32
      %broadcast_in_dim3A_1372 = vector.broadcast %jit3A_1370 : f32 to vector<32x512xf32>
      %broadcast_in_dim3A_1373 = vector.broadcast %jit3A_1371 : f32 to vector<32x512xf32>
      %select_n3A_1374 = arith.select %ge3A_1369, %broadcast_in_dim3A_1372, %broadcast_in_dim3A_1373 : vector<32x512xi1>, vector<32x512xf32>
      %slice3A_1375 = vector.extract_strided_slice %select_n3A_1374 {offsets = [0, 0], sizes = [32, 256], strides = [1, 1]} : vector<32x512xf32> to vector<32x256xf32>
      %slice3A_1376 = vector.extract_strided_slice %select_n3A_1374 {offsets = [0, 256], sizes = [32, 256], strides = [1, 1]} : vector<32x512xf32> to vector<32x256xf32>
      %add3A_1377 = arith.addf %slice3A_1375, %slice3A_1376 : vector<32x256xf32>
      %slice3A_1378 = vector.extract_strided_slice %add3A_1377 {offsets = [0, 0], sizes = [32, 128], strides = [1, 1]} : vector<32x256xf32> to vector<32x128xf32>
      %slice3A_1379 = vector.extract_strided_slice %add3A_1377 {offsets = [0, 128], sizes = [32, 128], strides = [1, 1]} : vector<32x256xf32> to vector<32x128xf32>
      %add3A_1380 = arith.addf %slice3A_1378, %slice3A_1379 : vector<32x128xf32>
      %add3A_1381 = arith.addf %add3A_1364, %add3A_1380 : vector<32x128xf32>
      %get3A_1382 = arith.constant 0 : index
      %get3A_1383 = arith.constant 3584 : index
      %get3A_1384 = vector.load %arg1[%get3A_1382, %get3A_1383] : memref<32x16384xf32, #tpu.memory_space<vmem>>, vector<32x512xf32>
      %ge3A_1385 = vector.broadcast %add3A_1260 : vector<32x1xf32> to vector<32x512xf32>
      %ge3A_1386 = arith.cmpf oge, %get3A_1384, %ge3A_1385 : vector<32x512xf32>
      %jit3A_1387 = arith.constant 1.000000e+00 : f32
      %jit3A_1388 = arith.constant 0.000000e+00 : f32
      %broadcast_in_dim3A_1389 = vector.broadcast %jit3A_1387 : f32 to vector<32x512xf32>
      %broadcast_in_dim3A_1390 = vector.broadcast %jit3A_1388 : f32 to vector<32x512xf32>
      %select_n3A_1391 = arith.select %ge3A_1386, %broadcast_in_dim3A_1389, %broadcast_in_dim3A_1390 : vector<32x512xi1>, vector<32x512xf32>
      %slice3A_1392 = vector.extract_strided_slice %select_n3A_1391 {offsets = [0, 0], sizes = [32, 256], strides = [1, 1]} : vector<32x512xf32> to vector<32x256xf32>
      %slice3A_1393 = vector.extract_strided_slice %select_n3A_1391 {offsets = [0, 256], sizes = [32, 256], strides = [1, 1]} : vector<32x512xf32> to vector<32x256xf32>
      %add3A_1394 = arith.addf %slice3A_1392, %slice3A_1393 : vector<32x256xf32>
      %slice3A_1395 = vector.extract_strided_slice %add3A_1394 {offsets = [0, 0], sizes = [32, 128], strides = [1, 1]} : vector<32x256xf32> to vector<32x128xf32>
      %slice3A_1396 = vector.extract_strided_slice %add3A_1394 {offsets = [0, 128], sizes = [32, 128], strides = [1, 1]} : vector<32x256xf32> to vector<32x128xf32>
      %add3A_1397 = arith.addf %slice3A_1395, %slice3A_1396 : vector<32x128xf32>
      %add3A_1398 = arith.addf %add3A_1381, %add3A_1397 : vector<32x128xf32>
      %get3A_1399 = arith.constant 0 : index
      %get3A_1400 = arith.constant 4096 : index
      %get3A_1401 = vector.load %arg1[%get3A_1399, %get3A_1400] : memref<32x16384xf32, #tpu.memory_space<vmem>>, vector<32x512xf32>
      %ge3A_1402 = vector.broadcast %add3A_1260 : vector<32x1xf32> to vector<32x512xf32>
      %ge3A_1403 = arith.cmpf oge, %get3A_1401, %ge3A_1402 : vector<32x512xf32>
      %jit3A_1404 = arith.constant 1.000000e+00 : f32
      %jit3A_1405 = arith.constant 0.000000e+00 : f32
      %broadcast_in_dim3A_1406 = vector.broadcast %jit3A_1404 : f32 to vector<32x512xf32>
      %broadcast_in_dim3A_1407 = vector.broadcast %jit3A_1405 : f32 to vector<32x512xf32>
      %select_n3A_1408 = arith.select %ge3A_1403, %broadcast_in_dim3A_1406, %broadcast_in_dim3A_1407 : vector<32x512xi1>, vector<32x512xf32>
      %slice3A_1409 = vector.extract_strided_slice %select_n3A_1408 {offsets = [0, 0], sizes = [32, 256], strides = [1, 1]} : vector<32x512xf32> to vector<32x256xf32>
      %slice3A_1410 = vector.extract_strided_slice %select_n3A_1408 {offsets = [0, 256], sizes = [32, 256], strides = [1, 1]} : vector<32x512xf32> to vector<32x256xf32>
      %add3A_1411 = arith.addf %slice3A_1409, %slice3A_1410 : vector<32x256xf32>
      %slice3A_1412 = vector.extract_strided_slice %add3A_1411 {offsets = [0, 0], sizes = [32, 128], strides = [1, 1]} : vector<32x256xf32> to vector<32x128xf32>
      %slice3A_1413 = vector.extract_strided_slice %add3A_1411 {offsets = [0, 128], sizes = [32, 128], strides = [1, 1]} : vector<32x256xf32> to vector<32x128xf32>
      %add3A_1414 = arith.addf %slice3A_1412, %slice3A_1413 : vector<32x128xf32>
      %add3A_1415 = arith.addf %add3A_1398, %add3A_1414 : vector<32x128xf32>
      %get3A_1416 = arith.constant 0 : index
      %get3A_1417 = arith.constant 4608 : index
      %get3A_1418 = vector.load %arg1[%get3A_1416, %get3A_1417] : memref<32x16384xf32, #tpu.memory_space<vmem>>, vector<32x512xf32>
      %ge3A_1419 = vector.broadcast %add3A_1260 : vector<32x1xf32> to vector<32x512xf32>
      %ge3A_1420 = arith.cmpf oge, %get3A_1418, %ge3A_1419 : vector<32x512xf32>
      %jit3A_1421 = arith.constant 1.000000e+00 : f32
      %jit3A_1422 = arith.constant 0.000000e+00 : f32
      %broadcast_in_dim3A_1423 = vector.broadcast %jit3A_1421 : f32 to vector<32x512xf32>
      %broadcast_in_dim3A_1424 = vector.broadcast %jit3A_1422 : f32 to vector<32x512xf32>
      %select_n3A_1425 = arith.select %ge3A_1420, %broadcast_in_dim3A_1423, %broadcast_in_dim3A_1424 : vector<32x512xi1>, vector<32x512xf32>
      %slice3A_1426 = vector.extract_strided_slice %select_n3A_1425 {offsets = [0, 0], sizes = [32, 256], strides = [1, 1]} : vector<32x512xf32> to vector<32x256xf32>
      %slice3A_1427 = vector.extract_strided_slice %select_n3A_1425 {offsets = [0, 256], sizes = [32, 256], strides = [1, 1]} : vector<32x512xf32> to vector<32x256xf32>
      %add3A_1428 = arith.addf %slice3A_1426, %slice3A_1427 : vector<32x256xf32>
      %slice3A_1429 = vector.extract_strided_slice %add3A_1428 {offsets = [0, 0], sizes = [32, 128], strides = [1, 1]} : vector<32x256xf32> to vector<32x128xf32>
      %slice3A_1430 = vector.extract_strided_slice %add3A_1428 {offsets = [0, 128], sizes = [32, 128], strides = [1, 1]} : vector<32x256xf32> to vector<32x128xf32>
      %add3A_1431 = arith.addf %slice3A_1429, %slice3A_1430 : vector<32x128xf32>
      %add3A_1432 = arith.addf %add3A_1415, %add3A_1431 : vector<32x128xf32>
      %get3A_1433 = arith.constant 0 : index
      %get3A_1434 = arith.constant 5120 : index
      %get3A_1435 = vector.load %arg1[%get3A_1433, %get3A_1434] : memref<32x16384xf32, #tpu.memory_space<vmem>>, vector<32x512xf32>
      %ge3A_1436 = vector.broadcast %add3A_1260 : vector<32x1xf32> to vector<32x512xf32>
      %ge3A_1437 = arith.cmpf oge, %get3A_1435, %ge3A_1436 : vector<32x512xf32>
      %jit3A_1438 = arith.constant 1.000000e+00 : f32
      %jit3A_1439 = arith.constant 0.000000e+00 : f32
      %broadcast_in_dim3A_1440 = vector.broadcast %jit3A_1438 : f32 to vector<32x512xf32>
      %broadcast_in_dim3A_1441 = vector.broadcast %jit3A_1439 : f32 to vector<32x512xf32>
      %select_n3A_1442 = arith.select %ge3A_1437, %broadcast_in_dim3A_1440, %broadcast_in_dim3A_1441 : vector<32x512xi1>, vector<32x512xf32>
      %slice3A_1443 = vector.extract_strided_slice %select_n3A_1442 {offsets = [0, 0], sizes = [32, 256], strides = [1, 1]} : vector<32x512xf32> to vector<32x256xf32>
      %slice3A_1444 = vector.extract_strided_slice %select_n3A_1442 {offsets = [0, 256], sizes = [32, 256], strides = [1, 1]} : vector<32x512xf32> to vector<32x256xf32>
      %add3A_1445 = arith.addf %slice3A_1443, %slice3A_1444 : vector<32x256xf32>
      %slice3A_1446 = vector.extract_strided_slice %add3A_1445 {offsets = [0, 0], sizes = [32, 128], strides = [1, 1]} : vector<32x256xf32> to vector<32x128xf32>
      %slice3A_1447 = vector.extract_strided_slice %add3A_1445 {offsets = [0, 128], sizes = [32, 128], strides = [1, 1]} : vector<32x256xf32> to vector<32x128xf32>
      %add3A_1448 = arith.addf %slice3A_1446, %slice3A_1447 : vector<32x128xf32>
      %add3A_1449 = arith.addf %add3A_1432, %add3A_1448 : vector<32x128xf32>
      %get3A_1450 = arith.constant 0 : index
      %get3A_1451 = arith.constant 5632 : index
      %get3A_1452 = vector.load %arg1[%get3A_1450, %get3A_1451] : memref<32x16384xf32, #tpu.memory_space<vmem>>, vector<32x512xf32>
      %ge3A_1453 = vector.broadcast %add3A_1260 : vector<32x1xf32> to vector<32x512xf32>
      %ge3A_1454 = arith.cmpf oge, %get3A_1452, %ge3A_1453 : vector<32x512xf32>
      %jit3A_1455 = arith.constant 1.000000e+00 : f32
      %jit3A_1456 = arith.constant 0.000000e+00 : f32
      %broadcast_in_dim3A_1457 = vector.broadcast %jit3A_1455 : f32 to vector<32x512xf32>
      %broadcast_in_dim3A_1458 = vector.broadcast %jit3A_1456 : f32 to vector<32x512xf32>
      %select_n3A_1459 = arith.select %ge3A_1454, %broadcast_in_dim3A_1457, %broadcast_in_dim3A_1458 : vector<32x512xi1>, vector<32x512xf32>
      %slice3A_1460 = vector.extract_strided_slice %select_n3A_1459 {offsets = [0, 0], sizes = [32, 256], strides = [1, 1]} : vector<32x512xf32> to vector<32x256xf32>
      %slice3A_1461 = vector.extract_strided_slice %select_n3A_1459 {offsets = [0, 256], sizes = [32, 256], strides = [1, 1]} : vector<32x512xf32> to vector<32x256xf32>
      %add3A_1462 = arith.addf %slice3A_1460, %slice3A_1461 : vector<32x256xf32>
      %slice3A_1463 = vector.extract_strided_slice %add3A_1462 {offsets = [0, 0], sizes = [32, 128], strides = [1, 1]} : vector<32x256xf32> to vector<32x128xf32>
      %slice3A_1464 = vector.extract_strided_slice %add3A_1462 {offsets = [0, 128], sizes = [32, 128], strides = [1, 1]} : vector<32x256xf32> to vector<32x128xf32>
      %add3A_1465 = arith.addf %slice3A_1463, %slice3A_1464 : vector<32x128xf32>
      %add3A_1466 = arith.addf %add3A_1449, %add3A_1465 : vector<32x128xf32>
      %get3A_1467 = arith.constant 0 : index
      %get3A_1468 = arith.constant 6144 : index
      %get3A_1469 = vector.load %arg1[%get3A_1467, %get3A_1468] : memref<32x16384xf32, #tpu.memory_space<vmem>>, vector<32x512xf32>
      %ge3A_1470 = vector.broadcast %add3A_1260 : vector<32x1xf32> to vector<32x512xf32>
      %ge3A_1471 = arith.cmpf oge, %get3A_1469, %ge3A_1470 : vector<32x512xf32>
      %jit3A_1472 = arith.constant 1.000000e+00 : f32
      %jit3A_1473 = arith.constant 0.000000e+00 : f32
      %broadcast_in_dim3A_1474 = vector.broadcast %jit3A_1472 : f32 to vector<32x512xf32>
      %broadcast_in_dim3A_1475 = vector.broadcast %jit3A_1473 : f32 to vector<32x512xf32>
      %select_n3A_1476 = arith.select %ge3A_1471, %broadcast_in_dim3A_1474, %broadcast_in_dim3A_1475 : vector<32x512xi1>, vector<32x512xf32>
      %slice3A_1477 = vector.extract_strided_slice %select_n3A_1476 {offsets = [0, 0], sizes = [32, 256], strides = [1, 1]} : vector<32x512xf32> to vector<32x256xf32>
      %slice3A_1478 = vector.extract_strided_slice %select_n3A_1476 {offsets = [0, 256], sizes = [32, 256], strides = [1, 1]} : vector<32x512xf32> to vector<32x256xf32>
      %add3A_1479 = arith.addf %slice3A_1477, %slice3A_1478 : vector<32x256xf32>
      %slice3A_1480 = vector.extract_strided_slice %add3A_1479 {offsets = [0, 0], sizes = [32, 128], strides = [1, 1]} : vector<32x256xf32> to vector<32x128xf32>
      %slice3A_1481 = vector.extract_strided_slice %add3A_1479 {offsets = [0, 128], sizes = [32, 128], strides = [1, 1]} : vector<32x256xf32> to vector<32x128xf32>
      %add3A_1482 = arith.addf %slice3A_1480, %slice3A_1481 : vector<32x128xf32>
      %add3A_1483 = arith.addf %add3A_1466, %add3A_1482 : vector<32x128xf32>
      %get3A_1484 = arith.constant 0 : index
      %get3A_1485 = arith.constant 6656 : index
      %get3A_1486 = vector.load %arg1[%get3A_1484, %get3A_1485] : memref<32x16384xf32, #tpu.memory_space<vmem>>, vector<32x512xf32>
      %ge3A_1487 = vector.broadcast %add3A_1260 : vector<32x1xf32> to vector<32x512xf32>
      %ge3A_1488 = arith.cmpf oge, %get3A_1486, %ge3A_1487 : vector<32x512xf32>
      %jit3A_1489 = arith.constant 1.000000e+00 : f32
      %jit3A_1490 = arith.constant 0.000000e+00 : f32
      %broadcast_in_dim3A_1491 = vector.broadcast %jit3A_1489 : f32 to vector<32x512xf32>
      %broadcast_in_dim3A_1492 = vector.broadcast %jit3A_1490 : f32 to vector<32x512xf32>
      %select_n3A_1493 = arith.select %ge3A_1488, %broadcast_in_dim3A_1491, %broadcast_in_dim3A_1492 : vector<32x512xi1>, vector<32x512xf32>
      %slice3A_1494 = vector.extract_strided_slice %select_n3A_1493 {offsets = [0, 0], sizes = [32, 256], strides = [1, 1]} : vector<32x512xf32> to vector<32x256xf32>
      %slice3A_1495 = vector.extract_strided_slice %select_n3A_1493 {offsets = [0, 256], sizes = [32, 256], strides = [1, 1]} : vector<32x512xf32> to vector<32x256xf32>
      %add3A_1496 = arith.addf %slice3A_1494, %slice3A_1495 : vector<32x256xf32>
      %slice3A_1497 = vector.extract_strided_slice %add3A_1496 {offsets = [0, 0], sizes = [32, 128], strides = [1, 1]} : vector<32x256xf32> to vector<32x128xf32>
      %slice3A_1498 = vector.extract_strided_slice %add3A_1496 {offsets = [0, 128], sizes = [32, 128], strides = [1, 1]} : vector<32x256xf32> to vector<32x128xf32>
      %add3A_1499 = arith.addf %slice3A_1497, %slice3A_1498 : vector<32x128xf32>
      %add3A_1500 = arith.addf %add3A_1483, %add3A_1499 : vector<32x128xf32>
      %get3A_1501 = arith.constant 0 : index
      %get3A_1502 = arith.constant 7168 : index
      %get3A_1503 = vector.load %arg1[%get3A_1501, %get3A_1502] : memref<32x16384xf32, #tpu.memory_space<vmem>>, vector<32x512xf32>
      %ge3A_1504 = vector.broadcast %add3A_1260 : vector<32x1xf32> to vector<32x512xf32>
      %ge3A_1505 = arith.cmpf oge, %get3A_1503, %ge3A_1504 : vector<32x512xf32>
      %jit3A_1506 = arith.constant 1.000000e+00 : f32
      %jit3A_1507 = arith.constant 0.000000e+00 : f32
      %broadcast_in_dim3A_1508 = vector.broadcast %jit3A_1506 : f32 to vector<32x512xf32>
      %broadcast_in_dim3A_1509 = vector.broadcast %jit3A_1507 : f32 to vector<32x512xf32>
      %select_n3A_1510 = arith.select %ge3A_1505, %broadcast_in_dim3A_1508, %broadcast_in_dim3A_1509 : vector<32x512xi1>, vector<32x512xf32>
      %slice3A_1511 = vector.extract_strided_slice %select_n3A_1510 {offsets = [0, 0], sizes = [32, 256], strides = [1, 1]} : vector<32x512xf32> to vector<32x256xf32>
      %slice3A_1512 = vector.extract_strided_slice %select_n3A_1510 {offsets = [0, 256], sizes = [32, 256], strides = [1, 1]} : vector<32x512xf32> to vector<32x256xf32>
      %add3A_1513 = arith.addf %slice3A_1511, %slice3A_1512 : vector<32x256xf32>
      %slice3A_1514 = vector.extract_strided_slice %add3A_1513 {offsets = [0, 0], sizes = [32, 128], strides = [1, 1]} : vector<32x256xf32> to vector<32x128xf32>
      %slice3A_1515 = vector.extract_strided_slice %add3A_1513 {offsets = [0, 128], sizes = [32, 128], strides = [1, 1]} : vector<32x256xf32> to vector<32x128xf32>
      %add3A_1516 = arith.addf %slice3A_1514, %slice3A_1515 : vector<32x128xf32>
      %add3A_1517 = arith.addf %add3A_1500, %add3A_1516 : vector<32x128xf32>
      %get3A_1518 = arith.constant 0 : index
      %get3A_1519 = arith.constant 7680 : index
      %get3A_1520 = vector.load %arg1[%get3A_1518, %get3A_1519] : memref<32x16384xf32, #tpu.memory_space<vmem>>, vector<32x512xf32>
      %ge3A_1521 = vector.broadcast %add3A_1260 : vector<32x1xf32> to vector<32x512xf32>
      %ge3A_1522 = arith.cmpf oge, %get3A_1520, %ge3A_1521 : vector<32x512xf32>
      %jit3A_1523 = arith.constant 1.000000e+00 : f32
      %jit3A_1524 = arith.constant 0.000000e+00 : f32
      %broadcast_in_dim3A_1525 = vector.broadcast %jit3A_1523 : f32 to vector<32x512xf32>
      %broadcast_in_dim3A_1526 = vector.broadcast %jit3A_1524 : f32 to vector<32x512xf32>
      %select_n3A_1527 = arith.select %ge3A_1522, %broadcast_in_dim3A_1525, %broadcast_in_dim3A_1526 : vector<32x512xi1>, vector<32x512xf32>
      %slice3A_1528 = vector.extract_strided_slice %select_n3A_1527 {offsets = [0, 0], sizes = [32, 256], strides = [1, 1]} : vector<32x512xf32> to vector<32x256xf32>
      %slice3A_1529 = vector.extract_strided_slice %select_n3A_1527 {offsets = [0, 256], sizes = [32, 256], strides = [1, 1]} : vector<32x512xf32> to vector<32x256xf32>
      %add3A_1530 = arith.addf %slice3A_1528, %slice3A_1529 : vector<32x256xf32>
      %slice3A_1531 = vector.extract_strided_slice %add3A_1530 {offsets = [0, 0], sizes = [32, 128], strides = [1, 1]} : vector<32x256xf32> to vector<32x128xf32>
      %slice3A_1532 = vector.extract_strided_slice %add3A_1530 {offsets = [0, 128], sizes = [32, 128], strides = [1, 1]} : vector<32x256xf32> to vector<32x128xf32>
      %add3A_1533 = arith.addf %slice3A_1531, %slice3A_1532 : vector<32x128xf32>
      %add3A_1534 = arith.addf %add3A_1517, %add3A_1533 : vector<32x128xf32>
      %get3A_1535 = arith.constant 0 : index
      %get3A_1536 = arith.constant 8192 : index
      %get3A_1537 = vector.load %arg1[%get3A_1535, %get3A_1536] : memref<32x16384xf32, #tpu.memory_space<vmem>>, vector<32x512xf32>
      %ge3A_1538 = vector.broadcast %add3A_1260 : vector<32x1xf32> to vector<32x512xf32>
      %ge3A_1539 = arith.cmpf oge, %get3A_1537, %ge3A_1538 : vector<32x512xf32>
      %jit3A_1540 = arith.constant 1.000000e+00 : f32
      %jit3A_1541 = arith.constant 0.000000e+00 : f32
      %broadcast_in_dim3A_1542 = vector.broadcast %jit3A_1540 : f32 to vector<32x512xf32>
      %broadcast_in_dim3A_1543 = vector.broadcast %jit3A_1541 : f32 to vector<32x512xf32>
      %select_n3A_1544 = arith.select %ge3A_1539, %broadcast_in_dim3A_1542, %broadcast_in_dim3A_1543 : vector<32x512xi1>, vector<32x512xf32>
      %slice3A_1545 = vector.extract_strided_slice %select_n3A_1544 {offsets = [0, 0], sizes = [32, 256], strides = [1, 1]} : vector<32x512xf32> to vector<32x256xf32>
      %slice3A_1546 = vector.extract_strided_slice %select_n3A_1544 {offsets = [0, 256], sizes = [32, 256], strides = [1, 1]} : vector<32x512xf32> to vector<32x256xf32>
      %add3A_1547 = arith.addf %slice3A_1545, %slice3A_1546 : vector<32x256xf32>
      %slice3A_1548 = vector.extract_strided_slice %add3A_1547 {offsets = [0, 0], sizes = [32, 128], strides = [1, 1]} : vector<32x256xf32> to vector<32x128xf32>
      %slice3A_1549 = vector.extract_strided_slice %add3A_1547 {offsets = [0, 128], sizes = [32, 128], strides = [1, 1]} : vector<32x256xf32> to vector<32x128xf32>
      %add3A_1550 = arith.addf %slice3A_1548, %slice3A_1549 : vector<32x128xf32>
      %add3A_1551 = arith.addf %add3A_1534, %add3A_1550 : vector<32x128xf32>
      %get3A_1552 = arith.constant 0 : index
      %get3A_1553 = arith.constant 8704 : index
      %get3A_1554 = vector.load %arg1[%get3A_1552, %get3A_1553] : memref<32x16384xf32, #tpu.memory_space<vmem>>, vector<32x512xf32>
      %ge3A_1555 = vector.broadcast %add3A_1260 : vector<32x1xf32> to vector<32x512xf32>
      %ge3A_1556 = arith.cmpf oge, %get3A_1554, %ge3A_1555 : vector<32x512xf32>
      %jit3A_1557 = arith.constant 1.000000e+00 : f32
      %jit3A_1558 = arith.constant 0.000000e+00 : f32
      %broadcast_in_dim3A_1559 = vector.broadcast %jit3A_1557 : f32 to vector<32x512xf32>
      %broadcast_in_dim3A_1560 = vector.broadcast %jit3A_1558 : f32 to vector<32x512xf32>
      %select_n3A_1561 = arith.select %ge3A_1556, %broadcast_in_dim3A_1559, %broadcast_in_dim3A_1560 : vector<32x512xi1>, vector<32x512xf32>
      %slice3A_1562 = vector.extract_strided_slice %select_n3A_1561 {offsets = [0, 0], sizes = [32, 256], strides = [1, 1]} : vector<32x512xf32> to vector<32x256xf32>
      %slice3A_1563 = vector.extract_strided_slice %select_n3A_1561 {offsets = [0, 256], sizes = [32, 256], strides = [1, 1]} : vector<32x512xf32> to vector<32x256xf32>
      %add3A_1564 = arith.addf %slice3A_1562, %slice3A_1563 : vector<32x256xf32>
      %slice3A_1565 = vector.extract_strided_slice %add3A_1564 {offsets = [0, 0], sizes = [32, 128], strides = [1, 1]} : vector<32x256xf32> to vector<32x128xf32>
      %slice3A_1566 = vector.extract_strided_slice %add3A_1564 {offsets = [0, 128], sizes = [32, 128], strides = [1, 1]} : vector<32x256xf32> to vector<32x128xf32>
      %add3A_1567 = arith.addf %slice3A_1565, %slice3A_1566 : vector<32x128xf32>
      %add3A_1568 = arith.addf %add3A_1551, %add3A_1567 : vector<32x128xf32>
      %get3A_1569 = arith.constant 0 : index
      %get3A_1570 = arith.constant 9216 : index
      %get3A_1571 = vector.load %arg1[%get3A_1569, %get3A_1570] : memref<32x16384xf32, #tpu.memory_space<vmem>>, vector<32x512xf32>
      %ge3A_1572 = vector.broadcast %add3A_1260 : vector<32x1xf32> to vector<32x512xf32>
      %ge3A_1573 = arith.cmpf oge, %get3A_1571, %ge3A_1572 : vector<32x512xf32>
      %jit3A_1574 = arith.constant 1.000000e+00 : f32
      %jit3A_1575 = arith.constant 0.000000e+00 : f32
      %broadcast_in_dim3A_1576 = vector.broadcast %jit3A_1574 : f32 to vector<32x512xf32>
      %broadcast_in_dim3A_1577 = vector.broadcast %jit3A_1575 : f32 to vector<32x512xf32>
      %select_n3A_1578 = arith.select %ge3A_1573, %broadcast_in_dim3A_1576, %broadcast_in_dim3A_1577 : vector<32x512xi1>, vector<32x512xf32>
      %slice3A_1579 = vector.extract_strided_slice %select_n3A_1578 {offsets = [0, 0], sizes = [32, 256], strides = [1, 1]} : vector<32x512xf32> to vector<32x256xf32>
      %slice3A_1580 = vector.extract_strided_slice %select_n3A_1578 {offsets = [0, 256], sizes = [32, 256], strides = [1, 1]} : vector<32x512xf32> to vector<32x256xf32>
      %add3A_1581 = arith.addf %slice3A_1579, %slice3A_1580 : vector<32x256xf32>
      %slice3A_1582 = vector.extract_strided_slice %add3A_1581 {offsets = [0, 0], sizes = [32, 128], strides = [1, 1]} : vector<32x256xf32> to vector<32x128xf32>
      %slice3A_1583 = vector.extract_strided_slice %add3A_1581 {offsets = [0, 128], sizes = [32, 128], strides = [1, 1]} : vector<32x256xf32> to vector<32x128xf32>
      %add3A_1584 = arith.addf %slice3A_1582, %slice3A_1583 : vector<32x128xf32>
      %add3A_1585 = arith.addf %add3A_1568, %add3A_1584 : vector<32x128xf32>
      %get3A_1586 = arith.constant 0 : index
      %get3A_1587 = arith.constant 9728 : index
      %get3A_1588 = vector.load %arg1[%get3A_1586, %get3A_1587] : memref<32x16384xf32, #tpu.memory_space<vmem>>, vector<32x512xf32>
      %ge3A_1589 = vector.broadcast %add3A_1260 : vector<32x1xf32> to vector<32x512xf32>
      %ge3A_1590 = arith.cmpf oge, %get3A_1588, %ge3A_1589 : vector<32x512xf32>
      %jit3A_1591 = arith.constant 1.000000e+00 : f32
      %jit3A_1592 = arith.constant 0.000000e+00 : f32
      %broadcast_in_dim3A_1593 = vector.broadcast %jit3A_1591 : f32 to vector<32x512xf32>
      %broadcast_in_dim3A_1594 = vector.broadcast %jit3A_1592 : f32 to vector<32x512xf32>
      %select_n3A_1595 = arith.select %ge3A_1590, %broadcast_in_dim3A_1593, %broadcast_in_dim3A_1594 : vector<32x512xi1>, vector<32x512xf32>
      %slice3A_1596 = vector.extract_strided_slice %select_n3A_1595 {offsets = [0, 0], sizes = [32, 256], strides = [1, 1]} : vector<32x512xf32> to vector<32x256xf32>
      %slice3A_1597 = vector.extract_strided_slice %select_n3A_1595 {offsets = [0, 256], sizes = [32, 256], strides = [1, 1]} : vector<32x512xf32> to vector<32x256xf32>
      %add3A_1598 = arith.addf %slice3A_1596, %slice3A_1597 : vector<32x256xf32>
      %slice3A_1599 = vector.extract_strided_slice %add3A_1598 {offsets = [0, 0], sizes = [32, 128], strides = [1, 1]} : vector<32x256xf32> to vector<32x128xf32>
      %slice3A_1600 = vector.extract_strided_slice %add3A_1598 {offsets = [0, 128], sizes = [32, 128], strides = [1, 1]} : vector<32x256xf32> to vector<32x128xf32>
      %add3A_1601 = arith.addf %slice3A_1599, %slice3A_1600 : vector<32x128xf32>
      %add3A_1602 = arith.addf %add3A_1585, %add3A_1601 : vector<32x128xf32>
      %get3A_1603 = arith.constant 0 : index
      %get3A_1604 = arith.constant 10240 : index
      %get3A_1605 = vector.load %arg1[%get3A_1603, %get3A_1604] : memref<32x16384xf32, #tpu.memory_space<vmem>>, vector<32x512xf32>
      %ge3A_1606 = vector.broadcast %add3A_1260 : vector<32x1xf32> to vector<32x512xf32>
      %ge3A_1607 = arith.cmpf oge, %get3A_1605, %ge3A_1606 : vector<32x512xf32>
      %jit3A_1608 = arith.constant 1.000000e+00 : f32
      %jit3A_1609 = arith.constant 0.000000e+00 : f32
      %broadcast_in_dim3A_1610 = vector.broadcast %jit3A_1608 : f32 to vector<32x512xf32>
      %broadcast_in_dim3A_1611 = vector.broadcast %jit3A_1609 : f32 to vector<32x512xf32>
      %select_n3A_1612 = arith.select %ge3A_1607, %broadcast_in_dim3A_1610, %broadcast_in_dim3A_1611 : vector<32x512xi1>, vector<32x512xf32>
      %slice3A_1613 = vector.extract_strided_slice %select_n3A_1612 {offsets = [0, 0], sizes = [32, 256], strides = [1, 1]} : vector<32x512xf32> to vector<32x256xf32>
      %slice3A_1614 = vector.extract_strided_slice %select_n3A_1612 {offsets = [0, 256], sizes = [32, 256], strides = [1, 1]} : vector<32x512xf32> to vector<32x256xf32>
      %add3A_1615 = arith.addf %slice3A_1613, %slice3A_1614 : vector<32x256xf32>
      %slice3A_1616 = vector.extract_strided_slice %add3A_1615 {offsets = [0, 0], sizes = [32, 128], strides = [1, 1]} : vector<32x256xf32> to vector<32x128xf32>
      %slice3A_1617 = vector.extract_strided_slice %add3A_1615 {offsets = [0, 128], sizes = [32, 128], strides = [1, 1]} : vector<32x256xf32> to vector<32x128xf32>
      %add3A_1618 = arith.addf %slice3A_1616, %slice3A_1617 : vector<32x128xf32>
      %add3A_1619 = arith.addf %add3A_1602, %add3A_1618 : vector<32x128xf32>
      %get3A_1620 = arith.constant 0 : index
      %get3A_1621 = arith.constant 10752 : index
      %get3A_1622 = vector.load %arg1[%get3A_1620, %get3A_1621] : memref<32x16384xf32, #tpu.memory_space<vmem>>, vector<32x512xf32>
      %ge3A_1623 = vector.broadcast %add3A_1260 : vector<32x1xf32> to vector<32x512xf32>
      %ge3A_1624 = arith.cmpf oge, %get3A_1622, %ge3A_1623 : vector<32x512xf32>
      %jit3A_1625 = arith.constant 1.000000e+00 : f32
      %jit3A_1626 = arith.constant 0.000000e+00 : f32
      %broadcast_in_dim3A_1627 = vector.broadcast %jit3A_1625 : f32 to vector<32x512xf32>
      %broadcast_in_dim3A_1628 = vector.broadcast %jit3A_1626 : f32 to vector<32x512xf32>
      %select_n3A_1629 = arith.select %ge3A_1624, %broadcast_in_dim3A_1627, %broadcast_in_dim3A_1628 : vector<32x512xi1>, vector<32x512xf32>
      %slice3A_1630 = vector.extract_strided_slice %select_n3A_1629 {offsets = [0, 0], sizes = [32, 256], strides = [1, 1]} : vector<32x512xf32> to vector<32x256xf32>
      %slice3A_1631 = vector.extract_strided_slice %select_n3A_1629 {offsets = [0, 256], sizes = [32, 256], strides = [1, 1]} : vector<32x512xf32> to vector<32x256xf32>
      %add3A_1632 = arith.addf %slice3A_1630, %slice3A_1631 : vector<32x256xf32>
      %slice3A_1633 = vector.extract_strided_slice %add3A_1632 {offsets = [0, 0], sizes = [32, 128], strides = [1, 1]} : vector<32x256xf32> to vector<32x128xf32>
      %slice3A_1634 = vector.extract_strided_slice %add3A_1632 {offsets = [0, 128], sizes = [32, 128], strides = [1, 1]} : vector<32x256xf32> to vector<32x128xf32>
      %add3A_1635 = arith.addf %slice3A_1633, %slice3A_1634 : vector<32x128xf32>
      %add3A_1636 = arith.addf %add3A_1619, %add3A_1635 : vector<32x128xf32>
      %get3A_1637 = arith.constant 0 : index
      %get3A_1638 = arith.constant 11264 : index
      %get3A_1639 = vector.load %arg1[%get3A_1637, %get3A_1638] : memref<32x16384xf32, #tpu.memory_space<vmem>>, vector<32x512xf32>
      %ge3A_1640 = vector.broadcast %add3A_1260 : vector<32x1xf32> to vector<32x512xf32>
      %ge3A_1641 = arith.cmpf oge, %get3A_1639, %ge3A_1640 : vector<32x512xf32>
      %jit3A_1642 = arith.constant 1.000000e+00 : f32
      %jit3A_1643 = arith.constant 0.000000e+00 : f32
      %broadcast_in_dim3A_1644 = vector.broadcast %jit3A_1642 : f32 to vector<32x512xf32>
      %broadcast_in_dim3A_1645 = vector.broadcast %jit3A_1643 : f32 to vector<32x512xf32>
      %select_n3A_1646 = arith.select %ge3A_1641, %broadcast_in_dim3A_1644, %broadcast_in_dim3A_1645 : vector<32x512xi1>, vector<32x512xf32>
      %slice3A_1647 = vector.extract_strided_slice %select_n3A_1646 {offsets = [0, 0], sizes = [32, 256], strides = [1, 1]} : vector<32x512xf32> to vector<32x256xf32>
      %slice3A_1648 = vector.extract_strided_slice %select_n3A_1646 {offsets = [0, 256], sizes = [32, 256], strides = [1, 1]} : vector<32x512xf32> to vector<32x256xf32>
      %add3A_1649 = arith.addf %slice3A_1647, %slice3A_1648 : vector<32x256xf32>
      %slice3A_1650 = vector.extract_strided_slice %add3A_1649 {offsets = [0, 0], sizes = [32, 128], strides = [1, 1]} : vector<32x256xf32> to vector<32x128xf32>
      %slice3A_1651 = vector.extract_strided_slice %add3A_1649 {offsets = [0, 128], sizes = [32, 128], strides = [1, 1]} : vector<32x256xf32> to vector<32x128xf32>
      %add3A_1652 = arith.addf %slice3A_1650, %slice3A_1651 : vector<32x128xf32>
      %add3A_1653 = arith.addf %add3A_1636, %add3A_1652 : vector<32x128xf32>
      %get3A_1654 = arith.constant 0 : index
      %get3A_1655 = arith.constant 11776 : index
      %get3A_1656 = vector.load %arg1[%get3A_1654, %get3A_1655] : memref<32x16384xf32, #tpu.memory_space<vmem>>, vector<32x512xf32>
      %ge3A_1657 = vector.broadcast %add3A_1260 : vector<32x1xf32> to vector<32x512xf32>
      %ge3A_1658 = arith.cmpf oge, %get3A_1656, %ge3A_1657 : vector<32x512xf32>
      %jit3A_1659 = arith.constant 1.000000e+00 : f32
      %jit3A_1660 = arith.constant 0.000000e+00 : f32
      %broadcast_in_dim3A_1661 = vector.broadcast %jit3A_1659 : f32 to vector<32x512xf32>
      %broadcast_in_dim3A_1662 = vector.broadcast %jit3A_1660 : f32 to vector<32x512xf32>
      %select_n3A_1663 = arith.select %ge3A_1658, %broadcast_in_dim3A_1661, %broadcast_in_dim3A_1662 : vector<32x512xi1>, vector<32x512xf32>
      %slice3A_1664 = vector.extract_strided_slice %select_n3A_1663 {offsets = [0, 0], sizes = [32, 256], strides = [1, 1]} : vector<32x512xf32> to vector<32x256xf32>
      %slice3A_1665 = vector.extract_strided_slice %select_n3A_1663 {offsets = [0, 256], sizes = [32, 256], strides = [1, 1]} : vector<32x512xf32> to vector<32x256xf32>
      %add3A_1666 = arith.addf %slice3A_1664, %slice3A_1665 : vector<32x256xf32>
      %slice3A_1667 = vector.extract_strided_slice %add3A_1666 {offsets = [0, 0], sizes = [32, 128], strides = [1, 1]} : vector<32x256xf32> to vector<32x128xf32>
      %slice3A_1668 = vector.extract_strided_slice %add3A_1666 {offsets = [0, 128], sizes = [32, 128], strides = [1, 1]} : vector<32x256xf32> to vector<32x128xf32>
      %add3A_1669 = arith.addf %slice3A_1667, %slice3A_1668 : vector<32x128xf32>
      %add3A_1670 = arith.addf %add3A_1653, %add3A_1669 : vector<32x128xf32>
      %get3A_1671 = arith.constant 0 : index
      %get3A_1672 = arith.constant 12288 : index
      %get3A_1673 = vector.load %arg1[%get3A_1671, %get3A_1672] : memref<32x16384xf32, #tpu.memory_space<vmem>>, vector<32x512xf32>
      %ge3A_1674 = vector.broadcast %add3A_1260 : vector<32x1xf32> to vector<32x512xf32>
      %ge3A_1675 = arith.cmpf oge, %get3A_1673, %ge3A_1674 : vector<32x512xf32>
      %jit3A_1676 = arith.constant 1.000000e+00 : f32
      %jit3A_1677 = arith.constant 0.000000e+00 : f32
      %broadcast_in_dim3A_1678 = vector.broadcast %jit3A_1676 : f32 to vector<32x512xf32>
      %broadcast_in_dim3A_1679 = vector.broadcast %jit3A_1677 : f32 to vector<32x512xf32>
      %select_n3A_1680 = arith.select %ge3A_1675, %broadcast_in_dim3A_1678, %broadcast_in_dim3A_1679 : vector<32x512xi1>, vector<32x512xf32>
      %slice3A_1681 = vector.extract_strided_slice %select_n3A_1680 {offsets = [0, 0], sizes = [32, 256], strides = [1, 1]} : vector<32x512xf32> to vector<32x256xf32>
      %slice3A_1682 = vector.extract_strided_slice %select_n3A_1680 {offsets = [0, 256], sizes = [32, 256], strides = [1, 1]} : vector<32x512xf32> to vector<32x256xf32>
      %add3A_1683 = arith.addf %slice3A_1681, %slice3A_1682 : vector<32x256xf32>
      %slice3A_1684 = vector.extract_strided_slice %add3A_1683 {offsets = [0, 0], sizes = [32, 128], strides = [1, 1]} : vector<32x256xf32> to vector<32x128xf32>
      %slice3A_1685 = vector.extract_strided_slice %add3A_1683 {offsets = [0, 128], sizes = [32, 128], strides = [1, 1]} : vector<32x256xf32> to vector<32x128xf32>
      %add3A_1686 = arith.addf %slice3A_1684, %slice3A_1685 : vector<32x128xf32>
      %add3A_1687 = arith.addf %add3A_1670, %add3A_1686 : vector<32x128xf32>
      %get3A_1688 = arith.constant 0 : index
      %get3A_1689 = arith.constant 12800 : index
      %get3A_1690 = vector.load %arg1[%get3A_1688, %get3A_1689] : memref<32x16384xf32, #tpu.memory_space<vmem>>, vector<32x512xf32>
      %ge3A_1691 = vector.broadcast %add3A_1260 : vector<32x1xf32> to vector<32x512xf32>
      %ge3A_1692 = arith.cmpf oge, %get3A_1690, %ge3A_1691 : vector<32x512xf32>
      %jit3A_1693 = arith.constant 1.000000e+00 : f32
      %jit3A_1694 = arith.constant 0.000000e+00 : f32
      %broadcast_in_dim3A_1695 = vector.broadcast %jit3A_1693 : f32 to vector<32x512xf32>
      %broadcast_in_dim3A_1696 = vector.broadcast %jit3A_1694 : f32 to vector<32x512xf32>
      %select_n3A_1697 = arith.select %ge3A_1692, %broadcast_in_dim3A_1695, %broadcast_in_dim3A_1696 : vector<32x512xi1>, vector<32x512xf32>
      %slice3A_1698 = vector.extract_strided_slice %select_n3A_1697 {offsets = [0, 0], sizes = [32, 256], strides = [1, 1]} : vector<32x512xf32> to vector<32x256xf32>
      %slice3A_1699 = vector.extract_strided_slice %select_n3A_1697 {offsets = [0, 256], sizes = [32, 256], strides = [1, 1]} : vector<32x512xf32> to vector<32x256xf32>
      %add3A_1700 = arith.addf %slice3A_1698, %slice3A_1699 : vector<32x256xf32>
      %slice3A_1701 = vector.extract_strided_slice %add3A_1700 {offsets = [0, 0], sizes = [32, 128], strides = [1, 1]} : vector<32x256xf32> to vector<32x128xf32>
      %slice3A_1702 = vector.extract_strided_slice %add3A_1700 {offsets = [0, 128], sizes = [32, 128], strides = [1, 1]} : vector<32x256xf32> to vector<32x128xf32>
      %add3A_1703 = arith.addf %slice3A_1701, %slice3A_1702 : vector<32x128xf32>
      %add3A_1704 = arith.addf %add3A_1687, %add3A_1703 : vector<32x128xf32>
      %get3A_1705 = arith.constant 0 : index
      %get3A_1706 = arith.constant 13312 : index
      %get3A_1707 = vector.load %arg1[%get3A_1705, %get3A_1706] : memref<32x16384xf32, #tpu.memory_space<vmem>>, vector<32x512xf32>
      %ge3A_1708 = vector.broadcast %add3A_1260 : vector<32x1xf32> to vector<32x512xf32>
      %ge3A_1709 = arith.cmpf oge, %get3A_1707, %ge3A_1708 : vector<32x512xf32>
      %jit3A_1710 = arith.constant 1.000000e+00 : f32
      %jit3A_1711 = arith.constant 0.000000e+00 : f32
      %broadcast_in_dim3A_1712 = vector.broadcast %jit3A_1710 : f32 to vector<32x512xf32>
      %broadcast_in_dim3A_1713 = vector.broadcast %jit3A_1711 : f32 to vector<32x512xf32>
      %select_n3A_1714 = arith.select %ge3A_1709, %broadcast_in_dim3A_1712, %broadcast_in_dim3A_1713 : vector<32x512xi1>, vector<32x512xf32>
      %slice3A_1715 = vector.extract_strided_slice %select_n3A_1714 {offsets = [0, 0], sizes = [32, 256], strides = [1, 1]} : vector<32x512xf32> to vector<32x256xf32>
      %slice3A_1716 = vector.extract_strided_slice %select_n3A_1714 {offsets = [0, 256], sizes = [32, 256], strides = [1, 1]} : vector<32x512xf32> to vector<32x256xf32>
      %add3A_1717 = arith.addf %slice3A_1715, %slice3A_1716 : vector<32x256xf32>
      %slice3A_1718 = vector.extract_strided_slice %add3A_1717 {offsets = [0, 0], sizes = [32, 128], strides = [1, 1]} : vector<32x256xf32> to vector<32x128xf32>
      %slice3A_1719 = vector.extract_strided_slice %add3A_1717 {offsets = [0, 128], sizes = [32, 128], strides = [1, 1]} : vector<32x256xf32> to vector<32x128xf32>
      %add3A_1720 = arith.addf %slice3A_1718, %slice3A_1719 : vector<32x128xf32>
      %add3A_1721 = arith.addf %add3A_1704, %add3A_1720 : vector<32x128xf32>
      %get3A_1722 = arith.constant 0 : index
      %get3A_1723 = arith.constant 13824 : index
      %get3A_1724 = vector.load %arg1[%get3A_1722, %get3A_1723] : memref<32x16384xf32, #tpu.memory_space<vmem>>, vector<32x512xf32>
      %ge3A_1725 = vector.broadcast %add3A_1260 : vector<32x1xf32> to vector<32x512xf32>
      %ge3A_1726 = arith.cmpf oge, %get3A_1724, %ge3A_1725 : vector<32x512xf32>
      %jit3A_1727 = arith.constant 1.000000e+00 : f32
      %jit3A_1728 = arith.constant 0.000000e+00 : f32
      %broadcast_in_dim3A_1729 = vector.broadcast %jit3A_1727 : f32 to vector<32x512xf32>
      %broadcast_in_dim3A_1730 = vector.broadcast %jit3A_1728 : f32 to vector<32x512xf32>
      %select_n3A_1731 = arith.select %ge3A_1726, %broadcast_in_dim3A_1729, %broadcast_in_dim3A_1730 : vector<32x512xi1>, vector<32x512xf32>
      %slice3A_1732 = vector.extract_strided_slice %select_n3A_1731 {offsets = [0, 0], sizes = [32, 256], strides = [1, 1]} : vector<32x512xf32> to vector<32x256xf32>
      %slice3A_1733 = vector.extract_strided_slice %select_n3A_1731 {offsets = [0, 256], sizes = [32, 256], strides = [1, 1]} : vector<32x512xf32> to vector<32x256xf32>
      %add3A_1734 = arith.addf %slice3A_1732, %slice3A_1733 : vector<32x256xf32>
      %slice3A_1735 = vector.extract_strided_slice %add3A_1734 {offsets = [0, 0], sizes = [32, 128], strides = [1, 1]} : vector<32x256xf32> to vector<32x128xf32>
      %slice3A_1736 = vector.extract_strided_slice %add3A_1734 {offsets = [0, 128], sizes = [32, 128], strides = [1, 1]} : vector<32x256xf32> to vector<32x128xf32>
      %add3A_1737 = arith.addf %slice3A_1735, %slice3A_1736 : vector<32x128xf32>
      %add3A_1738 = arith.addf %add3A_1721, %add3A_1737 : vector<32x128xf32>
      %get3A_1739 = arith.constant 0 : index
      %get3A_1740 = arith.constant 14336 : index
      %get3A_1741 = vector.load %arg1[%get3A_1739, %get3A_1740] : memref<32x16384xf32, #tpu.memory_space<vmem>>, vector<32x512xf32>
      %ge3A_1742 = vector.broadcast %add3A_1260 : vector<32x1xf32> to vector<32x512xf32>
      %ge3A_1743 = arith.cmpf oge, %get3A_1741, %ge3A_1742 : vector<32x512xf32>
      %jit3A_1744 = arith.constant 1.000000e+00 : f32
      %jit3A_1745 = arith.constant 0.000000e+00 : f32
      %broadcast_in_dim3A_1746 = vector.broadcast %jit3A_1744 : f32 to vector<32x512xf32>
      %broadcast_in_dim3A_1747 = vector.broadcast %jit3A_1745 : f32 to vector<32x512xf32>
      %select_n3A_1748 = arith.select %ge3A_1743, %broadcast_in_dim3A_1746, %broadcast_in_dim3A_1747 : vector<32x512xi1>, vector<32x512xf32>
      %slice3A_1749 = vector.extract_strided_slice %select_n3A_1748 {offsets = [0, 0], sizes = [32, 256], strides = [1, 1]} : vector<32x512xf32> to vector<32x256xf32>
      %slice3A_1750 = vector.extract_strided_slice %select_n3A_1748 {offsets = [0, 256], sizes = [32, 256], strides = [1, 1]} : vector<32x512xf32> to vector<32x256xf32>
      %add3A_1751 = arith.addf %slice3A_1749, %slice3A_1750 : vector<32x256xf32>
      %slice3A_1752 = vector.extract_strided_slice %add3A_1751 {offsets = [0, 0], sizes = [32, 128], strides = [1, 1]} : vector<32x256xf32> to vector<32x128xf32>
      %slice3A_1753 = vector.extract_strided_slice %add3A_1751 {offsets = [0, 128], sizes = [32, 128], strides = [1, 1]} : vector<32x256xf32> to vector<32x128xf32>
      %add3A_1754 = arith.addf %slice3A_1752, %slice3A_1753 : vector<32x128xf32>
      %add3A_1755 = arith.addf %add3A_1738, %add3A_1754 : vector<32x128xf32>
      %get3A_1756 = arith.constant 0 : index
      %get3A_1757 = arith.constant 14848 : index
      %get3A_1758 = vector.load %arg1[%get3A_1756, %get3A_1757] : memref<32x16384xf32, #tpu.memory_space<vmem>>, vector<32x512xf32>
      %ge3A_1759 = vector.broadcast %add3A_1260 : vector<32x1xf32> to vector<32x512xf32>
      %ge3A_1760 = arith.cmpf oge, %get3A_1758, %ge3A_1759 : vector<32x512xf32>
      %jit3A_1761 = arith.constant 1.000000e+00 : f32
      %jit3A_1762 = arith.constant 0.000000e+00 : f32
      %broadcast_in_dim3A_1763 = vector.broadcast %jit3A_1761 : f32 to vector<32x512xf32>
      %broadcast_in_dim3A_1764 = vector.broadcast %jit3A_1762 : f32 to vector<32x512xf32>
      %select_n3A_1765 = arith.select %ge3A_1760, %broadcast_in_dim3A_1763, %broadcast_in_dim3A_1764 : vector<32x512xi1>, vector<32x512xf32>
      %slice3A_1766 = vector.extract_strided_slice %select_n3A_1765 {offsets = [0, 0], sizes = [32, 256], strides = [1, 1]} : vector<32x512xf32> to vector<32x256xf32>
      %slice3A_1767 = vector.extract_strided_slice %select_n3A_1765 {offsets = [0, 256], sizes = [32, 256], strides = [1, 1]} : vector<32x512xf32> to vector<32x256xf32>
      %add3A_1768 = arith.addf %slice3A_1766, %slice3A_1767 : vector<32x256xf32>
      %slice3A_1769 = vector.extract_strided_slice %add3A_1768 {offsets = [0, 0], sizes = [32, 128], strides = [1, 1]} : vector<32x256xf32> to vector<32x128xf32>
      %slice3A_1770 = vector.extract_strided_slice %add3A_1768 {offsets = [0, 128], sizes = [32, 128], strides = [1, 1]} : vector<32x256xf32> to vector<32x128xf32>
      %add3A_1771 = arith.addf %slice3A_1769, %slice3A_1770 : vector<32x128xf32>
      %add3A_1772 = arith.addf %add3A_1755, %add3A_1771 : vector<32x128xf32>
      %get3A_1773 = arith.constant 0 : index
      %get3A_1774 = arith.constant 15360 : index
      %get3A_1775 = vector.load %arg1[%get3A_1773, %get3A_1774] : memref<32x16384xf32, #tpu.memory_space<vmem>>, vector<32x512xf32>
      %ge3A_1776 = vector.broadcast %add3A_1260 : vector<32x1xf32> to vector<32x512xf32>
      %ge3A_1777 = arith.cmpf oge, %get3A_1775, %ge3A_1776 : vector<32x512xf32>
      %jit3A_1778 = arith.constant 1.000000e+00 : f32
      %jit3A_1779 = arith.constant 0.000000e+00 : f32
      %broadcast_in_dim3A_1780 = vector.broadcast %jit3A_1778 : f32 to vector<32x512xf32>
      %broadcast_in_dim3A_1781 = vector.broadcast %jit3A_1779 : f32 to vector<32x512xf32>
      %select_n3A_1782 = arith.select %ge3A_1777, %broadcast_in_dim3A_1780, %broadcast_in_dim3A_1781 : vector<32x512xi1>, vector<32x512xf32>
      %slice3A_1783 = vector.extract_strided_slice %select_n3A_1782 {offsets = [0, 0], sizes = [32, 256], strides = [1, 1]} : vector<32x512xf32> to vector<32x256xf32>
      %slice3A_1784 = vector.extract_strided_slice %select_n3A_1782 {offsets = [0, 256], sizes = [32, 256], strides = [1, 1]} : vector<32x512xf32> to vector<32x256xf32>
      %add3A_1785 = arith.addf %slice3A_1783, %slice3A_1784 : vector<32x256xf32>
      %slice3A_1786 = vector.extract_strided_slice %add3A_1785 {offsets = [0, 0], sizes = [32, 128], strides = [1, 1]} : vector<32x256xf32> to vector<32x128xf32>
      %slice3A_1787 = vector.extract_strided_slice %add3A_1785 {offsets = [0, 128], sizes = [32, 128], strides = [1, 1]} : vector<32x256xf32> to vector<32x128xf32>
      %add3A_1788 = arith.addf %slice3A_1786, %slice3A_1787 : vector<32x128xf32>
      %add3A_1789 = arith.addf %add3A_1772, %add3A_1788 : vector<32x128xf32>
      %get3A_1790 = arith.constant 0 : index
      %get3A_1791 = arith.constant 15872 : index
      %get3A_1792 = vector.load %arg1[%get3A_1790, %get3A_1791] : memref<32x16384xf32, #tpu.memory_space<vmem>>, vector<32x512xf32>
      %ge3A_1793 = vector.broadcast %add3A_1260 : vector<32x1xf32> to vector<32x512xf32>
      %ge3A_1794 = arith.cmpf oge, %get3A_1792, %ge3A_1793 : vector<32x512xf32>
      %jit3A_1795 = arith.constant 1.000000e+00 : f32
      %jit3A_1796 = arith.constant 0.000000e+00 : f32
      %broadcast_in_dim3A_1797 = vector.broadcast %jit3A_1795 : f32 to vector<32x512xf32>
      %broadcast_in_dim3A_1798 = vector.broadcast %jit3A_1796 : f32 to vector<32x512xf32>
      %select_n3A_1799 = arith.select %ge3A_1794, %broadcast_in_dim3A_1797, %broadcast_in_dim3A_1798 : vector<32x512xi1>, vector<32x512xf32>
      %slice3A_1800 = vector.extract_strided_slice %select_n3A_1799 {offsets = [0, 0], sizes = [32, 256], strides = [1, 1]} : vector<32x512xf32> to vector<32x256xf32>
      %slice3A_1801 = vector.extract_strided_slice %select_n3A_1799 {offsets = [0, 256], sizes = [32, 256], strides = [1, 1]} : vector<32x512xf32> to vector<32x256xf32>
      %add3A_1802 = arith.addf %slice3A_1800, %slice3A_1801 : vector<32x256xf32>
      %slice3A_1803 = vector.extract_strided_slice %add3A_1802 {offsets = [0, 0], sizes = [32, 128], strides = [1, 1]} : vector<32x256xf32> to vector<32x128xf32>
      %slice3A_1804 = vector.extract_strided_slice %add3A_1802 {offsets = [0, 128], sizes = [32, 128], strides = [1, 1]} : vector<32x256xf32> to vector<32x128xf32>
      %add3A_1805 = arith.addf %slice3A_1803, %slice3A_1804 : vector<32x128xf32>
      %add3A_1806 = arith.addf %add3A_1789, %add3A_1805 : vector<32x128xf32>
      %reduce_sum3A_1807 = arith.constant dense<0.000000e+00> : vector<32xf32>
      %reduce_sum3A_1808 = vector.multi_reduction <add>, %add3A_1806, %reduce_sum3A_1807 [1] : vector<32x128xf32> to vector<32xf32>
      %broadcast_in_dim3A_1809 = vector.shape_cast %reduce_sum3A_1808 : vector<32xf32> to vector<32x1xf32>
      %ge3A_1810 = vector.broadcast %scan3A : f32 to vector<32x1xf32>
      %ge3A_1811 = arith.cmpf oge, %broadcast_in_dim3A_1809, %ge3A_1810 : vector<32x1xf32>
      %select_n3A_1812 = arith.select %ge3A_1811, %add3A_1260, %scan3A_1252 : vector<32x1xi1>, vector<32x1xf32>
      %select_n3A_1813 = arith.select %ge3A_1811, %scan3A_1253, %add3A_1260 : vector<32x1xi1>, vector<32x1xf32>
      scf.yield %select_n3A_1812, %select_n3A_1813 : vector<32x1xf32>, vector<32x1xf32>
    }
    %mul3A = arith.constant 5.000000e-01 : f32
    %mul3A_552 = vector.broadcast %mul3A : f32 to vector<32x1xf32>
    %mul3A_553 = arith.mulf %mul3A_552, %scan3A_551#0 : vector<32x1xf32>
    %mul3A_554 = arith.constant 5.000000e-01 : f32
    %mul3A_555 = vector.broadcast %mul3A_554 : f32 to vector<32x1xf32>
    %mul3A_556 = arith.mulf %mul3A_555, %scan3A_551#1 : vector<32x1xf32>
    %add3A = arith.addf %mul3A_553, %mul3A_556 : vector<32x1xf32>
    %add3A_557 = arith.constant 1.000000e+00 : f32
    %add3A_558 = vector.broadcast %add3A_557 : f32 to vector<32x1xf32>
    %add3A_559 = arith.addf %add3A_558, %add3A : vector<32x1xf32>
    %mul3A_560 = arith.mulf %add3A_559, %add3A_559 : vector<32x1xf32>
    %broadcast_in_dim3A_561 = arith.constant 0.000000e+00 : f32
    %broadcast_in_dim3A_562 = vector.broadcast %broadcast_in_dim3A_561 : f32 to vector<32x128xf32>
    %get3A_563 = arith.constant 0 : index
    %get3A_564 = arith.constant 0 : index
    %get3A_565 = vector.load %arg1[%get3A_563, %get3A_564] : memref<32x16384xf32, #tpu.memory_space<vmem>>, vector<32x512xf32>
    %add3A_566 = arith.constant 1.000000e+00 : f32
    %add3A_567 = vector.broadcast %add3A_566 : f32 to vector<32x512xf32>
    %add3A_568 = arith.addf %add3A_567, %get3A_565 : vector<32x512xf32>
    %ge3A = vector.broadcast %add3A : vector<32x1xf32> to vector<32x512xf32>
    %ge3A_569 = arith.cmpf oge, %get3A_565, %ge3A : vector<32x512xf32>
    %mul3A_570 = arith.mulf %add3A_568, %add3A_568 : vector<32x512xf32>
    %sub3A = vector.broadcast %mul3A_560 : vector<32x1xf32> to vector<32x512xf32>
    %sub3A_571 = arith.subf %mul3A_570, %sub3A : vector<32x512xf32>
    %jit3A = arith.constant 0.000000e+00 : f32
    %broadcast_in_dim3A_572 = vector.broadcast %jit3A : f32 to vector<32x512xf32>
    %select_n3A = arith.select %ge3A_569, %sub3A_571, %broadcast_in_dim3A_572 : vector<32x512xi1>, vector<32x512xf32>
    %slice3A_573 = vector.extract_strided_slice %select_n3A {offsets = [0, 0], sizes = [32, 256], strides = [1, 1]} : vector<32x512xf32> to vector<32x256xf32>
    %slice3A_574 = vector.extract_strided_slice %select_n3A {offsets = [0, 256], sizes = [32, 256], strides = [1, 1]} : vector<32x512xf32> to vector<32x256xf32>
    %add3A_575 = arith.addf %slice3A_573, %slice3A_574 : vector<32x256xf32>
    %slice3A_576 = vector.extract_strided_slice %add3A_575 {offsets = [0, 0], sizes = [32, 128], strides = [1, 1]} : vector<32x256xf32> to vector<32x128xf32>
    %slice3A_577 = vector.extract_strided_slice %add3A_575 {offsets = [0, 128], sizes = [32, 128], strides = [1, 1]} : vector<32x256xf32> to vector<32x128xf32>
    %add3A_578 = arith.addf %slice3A_576, %slice3A_577 : vector<32x128xf32>
    %add3A_579 = arith.addf %broadcast_in_dim3A_562, %add3A_578 : vector<32x128xf32>
    %get3A_580 = arith.constant 0 : index
    %get3A_581 = arith.constant 512 : index
    %get3A_582 = vector.load %arg1[%get3A_580, %get3A_581] : memref<32x16384xf32, #tpu.memory_space<vmem>>, vector<32x512xf32>
    %add3A_583 = arith.constant 1.000000e+00 : f32
    %add3A_584 = vector.broadcast %add3A_583 : f32 to vector<32x512xf32>
    %add3A_585 = arith.addf %add3A_584, %get3A_582 : vector<32x512xf32>
    %ge3A_586 = vector.broadcast %add3A : vector<32x1xf32> to vector<32x512xf32>
    %ge3A_587 = arith.cmpf oge, %get3A_582, %ge3A_586 : vector<32x512xf32>
    %mul3A_588 = arith.mulf %add3A_585, %add3A_585 : vector<32x512xf32>
    %sub3A_589 = vector.broadcast %mul3A_560 : vector<32x1xf32> to vector<32x512xf32>
    %sub3A_590 = arith.subf %mul3A_588, %sub3A_589 : vector<32x512xf32>
    %jit3A_591 = arith.constant 0.000000e+00 : f32
    %broadcast_in_dim3A_592 = vector.broadcast %jit3A_591 : f32 to vector<32x512xf32>
    %select_n3A_593 = arith.select %ge3A_587, %sub3A_590, %broadcast_in_dim3A_592 : vector<32x512xi1>, vector<32x512xf32>
    %slice3A_594 = vector.extract_strided_slice %select_n3A_593 {offsets = [0, 0], sizes = [32, 256], strides = [1, 1]} : vector<32x512xf32> to vector<32x256xf32>
    %slice3A_595 = vector.extract_strided_slice %select_n3A_593 {offsets = [0, 256], sizes = [32, 256], strides = [1, 1]} : vector<32x512xf32> to vector<32x256xf32>
    %add3A_596 = arith.addf %slice3A_594, %slice3A_595 : vector<32x256xf32>
    %slice3A_597 = vector.extract_strided_slice %add3A_596 {offsets = [0, 0], sizes = [32, 128], strides = [1, 1]} : vector<32x256xf32> to vector<32x128xf32>
    %slice3A_598 = vector.extract_strided_slice %add3A_596 {offsets = [0, 128], sizes = [32, 128], strides = [1, 1]} : vector<32x256xf32> to vector<32x128xf32>
    %add3A_599 = arith.addf %slice3A_597, %slice3A_598 : vector<32x128xf32>
    %add3A_600 = arith.addf %add3A_579, %add3A_599 : vector<32x128xf32>
    %get3A_601 = arith.constant 0 : index
    %get3A_602 = arith.constant 1024 : index
    %get3A_603 = vector.load %arg1[%get3A_601, %get3A_602] : memref<32x16384xf32, #tpu.memory_space<vmem>>, vector<32x512xf32>
    %add3A_604 = arith.constant 1.000000e+00 : f32
    %add3A_605 = vector.broadcast %add3A_604 : f32 to vector<32x512xf32>
    %add3A_606 = arith.addf %add3A_605, %get3A_603 : vector<32x512xf32>
    %ge3A_607 = vector.broadcast %add3A : vector<32x1xf32> to vector<32x512xf32>
    %ge3A_608 = arith.cmpf oge, %get3A_603, %ge3A_607 : vector<32x512xf32>
    %mul3A_609 = arith.mulf %add3A_606, %add3A_606 : vector<32x512xf32>
    %sub3A_610 = vector.broadcast %mul3A_560 : vector<32x1xf32> to vector<32x512xf32>
    %sub3A_611 = arith.subf %mul3A_609, %sub3A_610 : vector<32x512xf32>
    %jit3A_612 = arith.constant 0.000000e+00 : f32
    %broadcast_in_dim3A_613 = vector.broadcast %jit3A_612 : f32 to vector<32x512xf32>
    %select_n3A_614 = arith.select %ge3A_608, %sub3A_611, %broadcast_in_dim3A_613 : vector<32x512xi1>, vector<32x512xf32>
    %slice3A_615 = vector.extract_strided_slice %select_n3A_614 {offsets = [0, 0], sizes = [32, 256], strides = [1, 1]} : vector<32x512xf32> to vector<32x256xf32>
    %slice3A_616 = vector.extract_strided_slice %select_n3A_614 {offsets = [0, 256], sizes = [32, 256], strides = [1, 1]} : vector<32x512xf32> to vector<32x256xf32>
    %add3A_617 = arith.addf %slice3A_615, %slice3A_616 : vector<32x256xf32>
    %slice3A_618 = vector.extract_strided_slice %add3A_617 {offsets = [0, 0], sizes = [32, 128], strides = [1, 1]} : vector<32x256xf32> to vector<32x128xf32>
    %slice3A_619 = vector.extract_strided_slice %add3A_617 {offsets = [0, 128], sizes = [32, 128], strides = [1, 1]} : vector<32x256xf32> to vector<32x128xf32>
    %add3A_620 = arith.addf %slice3A_618, %slice3A_619 : vector<32x128xf32>
    %add3A_621 = arith.addf %add3A_600, %add3A_620 : vector<32x128xf32>
    %get3A_622 = arith.constant 0 : index
    %get3A_623 = arith.constant 1536 : index
    %get3A_624 = vector.load %arg1[%get3A_622, %get3A_623] : memref<32x16384xf32, #tpu.memory_space<vmem>>, vector<32x512xf32>
    %add3A_625 = arith.constant 1.000000e+00 : f32
    %add3A_626 = vector.broadcast %add3A_625 : f32 to vector<32x512xf32>
    %add3A_627 = arith.addf %add3A_626, %get3A_624 : vector<32x512xf32>
    %ge3A_628 = vector.broadcast %add3A : vector<32x1xf32> to vector<32x512xf32>
    %ge3A_629 = arith.cmpf oge, %get3A_624, %ge3A_628 : vector<32x512xf32>
    %mul3A_630 = arith.mulf %add3A_627, %add3A_627 : vector<32x512xf32>
    %sub3A_631 = vector.broadcast %mul3A_560 : vector<32x1xf32> to vector<32x512xf32>
    %sub3A_632 = arith.subf %mul3A_630, %sub3A_631 : vector<32x512xf32>
    %jit3A_633 = arith.constant 0.000000e+00 : f32
    %broadcast_in_dim3A_634 = vector.broadcast %jit3A_633 : f32 to vector<32x512xf32>
    %select_n3A_635 = arith.select %ge3A_629, %sub3A_632, %broadcast_in_dim3A_634 : vector<32x512xi1>, vector<32x512xf32>
    %slice3A_636 = vector.extract_strided_slice %select_n3A_635 {offsets = [0, 0], sizes = [32, 256], strides = [1, 1]} : vector<32x512xf32> to vector<32x256xf32>
    %slice3A_637 = vector.extract_strided_slice %select_n3A_635 {offsets = [0, 256], sizes = [32, 256], strides = [1, 1]} : vector<32x512xf32> to vector<32x256xf32>
    %add3A_638 = arith.addf %slice3A_636, %slice3A_637 : vector<32x256xf32>
    %slice3A_639 = vector.extract_strided_slice %add3A_638 {offsets = [0, 0], sizes = [32, 128], strides = [1, 1]} : vector<32x256xf32> to vector<32x128xf32>
    %slice3A_640 = vector.extract_strided_slice %add3A_638 {offsets = [0, 128], sizes = [32, 128], strides = [1, 1]} : vector<32x256xf32> to vector<32x128xf32>
    %add3A_641 = arith.addf %slice3A_639, %slice3A_640 : vector<32x128xf32>
    %add3A_642 = arith.addf %add3A_621, %add3A_641 : vector<32x128xf32>
    %get3A_643 = arith.constant 0 : index
    %get3A_644 = arith.constant 2048 : index
    %get3A_645 = vector.load %arg1[%get3A_643, %get3A_644] : memref<32x16384xf32, #tpu.memory_space<vmem>>, vector<32x512xf32>
    %add3A_646 = arith.constant 1.000000e+00 : f32
    %add3A_647 = vector.broadcast %add3A_646 : f32 to vector<32x512xf32>
    %add3A_648 = arith.addf %add3A_647, %get3A_645 : vector<32x512xf32>
    %ge3A_649 = vector.broadcast %add3A : vector<32x1xf32> to vector<32x512xf32>
    %ge3A_650 = arith.cmpf oge, %get3A_645, %ge3A_649 : vector<32x512xf32>
    %mul3A_651 = arith.mulf %add3A_648, %add3A_648 : vector<32x512xf32>
    %sub3A_652 = vector.broadcast %mul3A_560 : vector<32x1xf32> to vector<32x512xf32>
    %sub3A_653 = arith.subf %mul3A_651, %sub3A_652 : vector<32x512xf32>
    %jit3A_654 = arith.constant 0.000000e+00 : f32
    %broadcast_in_dim3A_655 = vector.broadcast %jit3A_654 : f32 to vector<32x512xf32>
    %select_n3A_656 = arith.select %ge3A_650, %sub3A_653, %broadcast_in_dim3A_655 : vector<32x512xi1>, vector<32x512xf32>
    %slice3A_657 = vector.extract_strided_slice %select_n3A_656 {offsets = [0, 0], sizes = [32, 256], strides = [1, 1]} : vector<32x512xf32> to vector<32x256xf32>
    %slice3A_658 = vector.extract_strided_slice %select_n3A_656 {offsets = [0, 256], sizes = [32, 256], strides = [1, 1]} : vector<32x512xf32> to vector<32x256xf32>
    %add3A_659 = arith.addf %slice3A_657, %slice3A_658 : vector<32x256xf32>
    %slice3A_660 = vector.extract_strided_slice %add3A_659 {offsets = [0, 0], sizes = [32, 128], strides = [1, 1]} : vector<32x256xf32> to vector<32x128xf32>
    %slice3A_661 = vector.extract_strided_slice %add3A_659 {offsets = [0, 128], sizes = [32, 128], strides = [1, 1]} : vector<32x256xf32> to vector<32x128xf32>
    %add3A_662 = arith.addf %slice3A_660, %slice3A_661 : vector<32x128xf32>
    %add3A_663 = arith.addf %add3A_642, %add3A_662 : vector<32x128xf32>
    %get3A_664 = arith.constant 0 : index
    %get3A_665 = arith.constant 2560 : index
    %get3A_666 = vector.load %arg1[%get3A_664, %get3A_665] : memref<32x16384xf32, #tpu.memory_space<vmem>>, vector<32x512xf32>
    %add3A_667 = arith.constant 1.000000e+00 : f32
    %add3A_668 = vector.broadcast %add3A_667 : f32 to vector<32x512xf32>
    %add3A_669 = arith.addf %add3A_668, %get3A_666 : vector<32x512xf32>
    %ge3A_670 = vector.broadcast %add3A : vector<32x1xf32> to vector<32x512xf32>
    %ge3A_671 = arith.cmpf oge, %get3A_666, %ge3A_670 : vector<32x512xf32>
    %mul3A_672 = arith.mulf %add3A_669, %add3A_669 : vector<32x512xf32>
    %sub3A_673 = vector.broadcast %mul3A_560 : vector<32x1xf32> to vector<32x512xf32>
    %sub3A_674 = arith.subf %mul3A_672, %sub3A_673 : vector<32x512xf32>
    %jit3A_675 = arith.constant 0.000000e+00 : f32
    %broadcast_in_dim3A_676 = vector.broadcast %jit3A_675 : f32 to vector<32x512xf32>
    %select_n3A_677 = arith.select %ge3A_671, %sub3A_674, %broadcast_in_dim3A_676 : vector<32x512xi1>, vector<32x512xf32>
    %slice3A_678 = vector.extract_strided_slice %select_n3A_677 {offsets = [0, 0], sizes = [32, 256], strides = [1, 1]} : vector<32x512xf32> to vector<32x256xf32>
    %slice3A_679 = vector.extract_strided_slice %select_n3A_677 {offsets = [0, 256], sizes = [32, 256], strides = [1, 1]} : vector<32x512xf32> to vector<32x256xf32>
    %add3A_680 = arith.addf %slice3A_678, %slice3A_679 : vector<32x256xf32>
    %slice3A_681 = vector.extract_strided_slice %add3A_680 {offsets = [0, 0], sizes = [32, 128], strides = [1, 1]} : vector<32x256xf32> to vector<32x128xf32>
    %slice3A_682 = vector.extract_strided_slice %add3A_680 {offsets = [0, 128], sizes = [32, 128], strides = [1, 1]} : vector<32x256xf32> to vector<32x128xf32>
    %add3A_683 = arith.addf %slice3A_681, %slice3A_682 : vector<32x128xf32>
    %add3A_684 = arith.addf %add3A_663, %add3A_683 : vector<32x128xf32>
    %get3A_685 = arith.constant 0 : index
    %get3A_686 = arith.constant 3072 : index
    %get3A_687 = vector.load %arg1[%get3A_685, %get3A_686] : memref<32x16384xf32, #tpu.memory_space<vmem>>, vector<32x512xf32>
    %add3A_688 = arith.constant 1.000000e+00 : f32
    %add3A_689 = vector.broadcast %add3A_688 : f32 to vector<32x512xf32>
    %add3A_690 = arith.addf %add3A_689, %get3A_687 : vector<32x512xf32>
    %ge3A_691 = vector.broadcast %add3A : vector<32x1xf32> to vector<32x512xf32>
    %ge3A_692 = arith.cmpf oge, %get3A_687, %ge3A_691 : vector<32x512xf32>
    %mul3A_693 = arith.mulf %add3A_690, %add3A_690 : vector<32x512xf32>
    %sub3A_694 = vector.broadcast %mul3A_560 : vector<32x1xf32> to vector<32x512xf32>
    %sub3A_695 = arith.subf %mul3A_693, %sub3A_694 : vector<32x512xf32>
    %jit3A_696 = arith.constant 0.000000e+00 : f32
    %broadcast_in_dim3A_697 = vector.broadcast %jit3A_696 : f32 to vector<32x512xf32>
    %select_n3A_698 = arith.select %ge3A_692, %sub3A_695, %broadcast_in_dim3A_697 : vector<32x512xi1>, vector<32x512xf32>
    %slice3A_699 = vector.extract_strided_slice %select_n3A_698 {offsets = [0, 0], sizes = [32, 256], strides = [1, 1]} : vector<32x512xf32> to vector<32x256xf32>
    %slice3A_700 = vector.extract_strided_slice %select_n3A_698 {offsets = [0, 256], sizes = [32, 256], strides = [1, 1]} : vector<32x512xf32> to vector<32x256xf32>
    %add3A_701 = arith.addf %slice3A_699, %slice3A_700 : vector<32x256xf32>
    %slice3A_702 = vector.extract_strided_slice %add3A_701 {offsets = [0, 0], sizes = [32, 128], strides = [1, 1]} : vector<32x256xf32> to vector<32x128xf32>
    %slice3A_703 = vector.extract_strided_slice %add3A_701 {offsets = [0, 128], sizes = [32, 128], strides = [1, 1]} : vector<32x256xf32> to vector<32x128xf32>
    %add3A_704 = arith.addf %slice3A_702, %slice3A_703 : vector<32x128xf32>
    %add3A_705 = arith.addf %add3A_684, %add3A_704 : vector<32x128xf32>
    %get3A_706 = arith.constant 0 : index
    %get3A_707 = arith.constant 3584 : index
    %get3A_708 = vector.load %arg1[%get3A_706, %get3A_707] : memref<32x16384xf32, #tpu.memory_space<vmem>>, vector<32x512xf32>
    %add3A_709 = arith.constant 1.000000e+00 : f32
    %add3A_710 = vector.broadcast %add3A_709 : f32 to vector<32x512xf32>
    %add3A_711 = arith.addf %add3A_710, %get3A_708 : vector<32x512xf32>
    %ge3A_712 = vector.broadcast %add3A : vector<32x1xf32> to vector<32x512xf32>
    %ge3A_713 = arith.cmpf oge, %get3A_708, %ge3A_712 : vector<32x512xf32>
    %mul3A_714 = arith.mulf %add3A_711, %add3A_711 : vector<32x512xf32>
    %sub3A_715 = vector.broadcast %mul3A_560 : vector<32x1xf32> to vector<32x512xf32>
    %sub3A_716 = arith.subf %mul3A_714, %sub3A_715 : vector<32x512xf32>
    %jit3A_717 = arith.constant 0.000000e+00 : f32
    %broadcast_in_dim3A_718 = vector.broadcast %jit3A_717 : f32 to vector<32x512xf32>
    %select_n3A_719 = arith.select %ge3A_713, %sub3A_716, %broadcast_in_dim3A_718 : vector<32x512xi1>, vector<32x512xf32>
    %slice3A_720 = vector.extract_strided_slice %select_n3A_719 {offsets = [0, 0], sizes = [32, 256], strides = [1, 1]} : vector<32x512xf32> to vector<32x256xf32>
    %slice3A_721 = vector.extract_strided_slice %select_n3A_719 {offsets = [0, 256], sizes = [32, 256], strides = [1, 1]} : vector<32x512xf32> to vector<32x256xf32>
    %add3A_722 = arith.addf %slice3A_720, %slice3A_721 : vector<32x256xf32>
    %slice3A_723 = vector.extract_strided_slice %add3A_722 {offsets = [0, 0], sizes = [32, 128], strides = [1, 1]} : vector<32x256xf32> to vector<32x128xf32>
    %slice3A_724 = vector.extract_strided_slice %add3A_722 {offsets = [0, 128], sizes = [32, 128], strides = [1, 1]} : vector<32x256xf32> to vector<32x128xf32>
    %add3A_725 = arith.addf %slice3A_723, %slice3A_724 : vector<32x128xf32>
    %add3A_726 = arith.addf %add3A_705, %add3A_725 : vector<32x128xf32>
    %get3A_727 = arith.constant 0 : index
    %get3A_728 = arith.constant 4096 : index
    %get3A_729 = vector.load %arg1[%get3A_727, %get3A_728] : memref<32x16384xf32, #tpu.memory_space<vmem>>, vector<32x512xf32>
    %add3A_730 = arith.constant 1.000000e+00 : f32
    %add3A_731 = vector.broadcast %add3A_730 : f32 to vector<32x512xf32>
    %add3A_732 = arith.addf %add3A_731, %get3A_729 : vector<32x512xf32>
    %ge3A_733 = vector.broadcast %add3A : vector<32x1xf32> to vector<32x512xf32>
    %ge3A_734 = arith.cmpf oge, %get3A_729, %ge3A_733 : vector<32x512xf32>
    %mul3A_735 = arith.mulf %add3A_732, %add3A_732 : vector<32x512xf32>
    %sub3A_736 = vector.broadcast %mul3A_560 : vector<32x1xf32> to vector<32x512xf32>
    %sub3A_737 = arith.subf %mul3A_735, %sub3A_736 : vector<32x512xf32>
    %jit3A_738 = arith.constant 0.000000e+00 : f32
    %broadcast_in_dim3A_739 = vector.broadcast %jit3A_738 : f32 to vector<32x512xf32>
    %select_n3A_740 = arith.select %ge3A_734, %sub3A_737, %broadcast_in_dim3A_739 : vector<32x512xi1>, vector<32x512xf32>
    %slice3A_741 = vector.extract_strided_slice %select_n3A_740 {offsets = [0, 0], sizes = [32, 256], strides = [1, 1]} : vector<32x512xf32> to vector<32x256xf32>
    %slice3A_742 = vector.extract_strided_slice %select_n3A_740 {offsets = [0, 256], sizes = [32, 256], strides = [1, 1]} : vector<32x512xf32> to vector<32x256xf32>
    %add3A_743 = arith.addf %slice3A_741, %slice3A_742 : vector<32x256xf32>
    %slice3A_744 = vector.extract_strided_slice %add3A_743 {offsets = [0, 0], sizes = [32, 128], strides = [1, 1]} : vector<32x256xf32> to vector<32x128xf32>
    %slice3A_745 = vector.extract_strided_slice %add3A_743 {offsets = [0, 128], sizes = [32, 128], strides = [1, 1]} : vector<32x256xf32> to vector<32x128xf32>
    %add3A_746 = arith.addf %slice3A_744, %slice3A_745 : vector<32x128xf32>
    %add3A_747 = arith.addf %add3A_726, %add3A_746 : vector<32x128xf32>
    %get3A_748 = arith.constant 0 : index
    %get3A_749 = arith.constant 4608 : index
    %get3A_750 = vector.load %arg1[%get3A_748, %get3A_749] : memref<32x16384xf32, #tpu.memory_space<vmem>>, vector<32x512xf32>
    %add3A_751 = arith.constant 1.000000e+00 : f32
    %add3A_752 = vector.broadcast %add3A_751 : f32 to vector<32x512xf32>
    %add3A_753 = arith.addf %add3A_752, %get3A_750 : vector<32x512xf32>
    %ge3A_754 = vector.broadcast %add3A : vector<32x1xf32> to vector<32x512xf32>
    %ge3A_755 = arith.cmpf oge, %get3A_750, %ge3A_754 : vector<32x512xf32>
    %mul3A_756 = arith.mulf %add3A_753, %add3A_753 : vector<32x512xf32>
    %sub3A_757 = vector.broadcast %mul3A_560 : vector<32x1xf32> to vector<32x512xf32>
    %sub3A_758 = arith.subf %mul3A_756, %sub3A_757 : vector<32x512xf32>
    %jit3A_759 = arith.constant 0.000000e+00 : f32
    %broadcast_in_dim3A_760 = vector.broadcast %jit3A_759 : f32 to vector<32x512xf32>
    %select_n3A_761 = arith.select %ge3A_755, %sub3A_758, %broadcast_in_dim3A_760 : vector<32x512xi1>, vector<32x512xf32>
    %slice3A_762 = vector.extract_strided_slice %select_n3A_761 {offsets = [0, 0], sizes = [32, 256], strides = [1, 1]} : vector<32x512xf32> to vector<32x256xf32>
    %slice3A_763 = vector.extract_strided_slice %select_n3A_761 {offsets = [0, 256], sizes = [32, 256], strides = [1, 1]} : vector<32x512xf32> to vector<32x256xf32>
    %add3A_764 = arith.addf %slice3A_762, %slice3A_763 : vector<32x256xf32>
    %slice3A_765 = vector.extract_strided_slice %add3A_764 {offsets = [0, 0], sizes = [32, 128], strides = [1, 1]} : vector<32x256xf32> to vector<32x128xf32>
    %slice3A_766 = vector.extract_strided_slice %add3A_764 {offsets = [0, 128], sizes = [32, 128], strides = [1, 1]} : vector<32x256xf32> to vector<32x128xf32>
    %add3A_767 = arith.addf %slice3A_765, %slice3A_766 : vector<32x128xf32>
    %add3A_768 = arith.addf %add3A_747, %add3A_767 : vector<32x128xf32>
    %get3A_769 = arith.constant 0 : index
    %get3A_770 = arith.constant 5120 : index
    %get3A_771 = vector.load %arg1[%get3A_769, %get3A_770] : memref<32x16384xf32, #tpu.memory_space<vmem>>, vector<32x512xf32>
    %add3A_772 = arith.constant 1.000000e+00 : f32
    %add3A_773 = vector.broadcast %add3A_772 : f32 to vector<32x512xf32>
    %add3A_774 = arith.addf %add3A_773, %get3A_771 : vector<32x512xf32>
    %ge3A_775 = vector.broadcast %add3A : vector<32x1xf32> to vector<32x512xf32>
    %ge3A_776 = arith.cmpf oge, %get3A_771, %ge3A_775 : vector<32x512xf32>
    %mul3A_777 = arith.mulf %add3A_774, %add3A_774 : vector<32x512xf32>
    %sub3A_778 = vector.broadcast %mul3A_560 : vector<32x1xf32> to vector<32x512xf32>
    %sub3A_779 = arith.subf %mul3A_777, %sub3A_778 : vector<32x512xf32>
    %jit3A_780 = arith.constant 0.000000e+00 : f32
    %broadcast_in_dim3A_781 = vector.broadcast %jit3A_780 : f32 to vector<32x512xf32>
    %select_n3A_782 = arith.select %ge3A_776, %sub3A_779, %broadcast_in_dim3A_781 : vector<32x512xi1>, vector<32x512xf32>
    %slice3A_783 = vector.extract_strided_slice %select_n3A_782 {offsets = [0, 0], sizes = [32, 256], strides = [1, 1]} : vector<32x512xf32> to vector<32x256xf32>
    %slice3A_784 = vector.extract_strided_slice %select_n3A_782 {offsets = [0, 256], sizes = [32, 256], strides = [1, 1]} : vector<32x512xf32> to vector<32x256xf32>
    %add3A_785 = arith.addf %slice3A_783, %slice3A_784 : vector<32x256xf32>
    %slice3A_786 = vector.extract_strided_slice %add3A_785 {offsets = [0, 0], sizes = [32, 128], strides = [1, 1]} : vector<32x256xf32> to vector<32x128xf32>
    %slice3A_787 = vector.extract_strided_slice %add3A_785 {offsets = [0, 128], sizes = [32, 128], strides = [1, 1]} : vector<32x256xf32> to vector<32x128xf32>
    %add3A_788 = arith.addf %slice3A_786, %slice3A_787 : vector<32x128xf32>
    %add3A_789 = arith.addf %add3A_768, %add3A_788 : vector<32x128xf32>
    %get3A_790 = arith.constant 0 : index
    %get3A_791 = arith.constant 5632 : index
    %get3A_792 = vector.load %arg1[%get3A_790, %get3A_791] : memref<32x16384xf32, #tpu.memory_space<vmem>>, vector<32x512xf32>
    %add3A_793 = arith.constant 1.000000e+00 : f32
    %add3A_794 = vector.broadcast %add3A_793 : f32 to vector<32x512xf32>
    %add3A_795 = arith.addf %add3A_794, %get3A_792 : vector<32x512xf32>
    %ge3A_796 = vector.broadcast %add3A : vector<32x1xf32> to vector<32x512xf32>
    %ge3A_797 = arith.cmpf oge, %get3A_792, %ge3A_796 : vector<32x512xf32>
    %mul3A_798 = arith.mulf %add3A_795, %add3A_795 : vector<32x512xf32>
    %sub3A_799 = vector.broadcast %mul3A_560 : vector<32x1xf32> to vector<32x512xf32>
    %sub3A_800 = arith.subf %mul3A_798, %sub3A_799 : vector<32x512xf32>
    %jit3A_801 = arith.constant 0.000000e+00 : f32
    %broadcast_in_dim3A_802 = vector.broadcast %jit3A_801 : f32 to vector<32x512xf32>
    %select_n3A_803 = arith.select %ge3A_797, %sub3A_800, %broadcast_in_dim3A_802 : vector<32x512xi1>, vector<32x512xf32>
    %slice3A_804 = vector.extract_strided_slice %select_n3A_803 {offsets = [0, 0], sizes = [32, 256], strides = [1, 1]} : vector<32x512xf32> to vector<32x256xf32>
    %slice3A_805 = vector.extract_strided_slice %select_n3A_803 {offsets = [0, 256], sizes = [32, 256], strides = [1, 1]} : vector<32x512xf32> to vector<32x256xf32>
    %add3A_806 = arith.addf %slice3A_804, %slice3A_805 : vector<32x256xf32>
    %slice3A_807 = vector.extract_strided_slice %add3A_806 {offsets = [0, 0], sizes = [32, 128], strides = [1, 1]} : vector<32x256xf32> to vector<32x128xf32>
    %slice3A_808 = vector.extract_strided_slice %add3A_806 {offsets = [0, 128], sizes = [32, 128], strides = [1, 1]} : vector<32x256xf32> to vector<32x128xf32>
    %add3A_809 = arith.addf %slice3A_807, %slice3A_808 : vector<32x128xf32>
    %add3A_810 = arith.addf %add3A_789, %add3A_809 : vector<32x128xf32>
    %get3A_811 = arith.constant 0 : index
    %get3A_812 = arith.constant 6144 : index
    %get3A_813 = vector.load %arg1[%get3A_811, %get3A_812] : memref<32x16384xf32, #tpu.memory_space<vmem>>, vector<32x512xf32>
    %add3A_814 = arith.constant 1.000000e+00 : f32
    %add3A_815 = vector.broadcast %add3A_814 : f32 to vector<32x512xf32>
    %add3A_816 = arith.addf %add3A_815, %get3A_813 : vector<32x512xf32>
    %ge3A_817 = vector.broadcast %add3A : vector<32x1xf32> to vector<32x512xf32>
    %ge3A_818 = arith.cmpf oge, %get3A_813, %ge3A_817 : vector<32x512xf32>
    %mul3A_819 = arith.mulf %add3A_816, %add3A_816 : vector<32x512xf32>
    %sub3A_820 = vector.broadcast %mul3A_560 : vector<32x1xf32> to vector<32x512xf32>
    %sub3A_821 = arith.subf %mul3A_819, %sub3A_820 : vector<32x512xf32>
    %jit3A_822 = arith.constant 0.000000e+00 : f32
    %broadcast_in_dim3A_823 = vector.broadcast %jit3A_822 : f32 to vector<32x512xf32>
    %select_n3A_824 = arith.select %ge3A_818, %sub3A_821, %broadcast_in_dim3A_823 : vector<32x512xi1>, vector<32x512xf32>
    %slice3A_825 = vector.extract_strided_slice %select_n3A_824 {offsets = [0, 0], sizes = [32, 256], strides = [1, 1]} : vector<32x512xf32> to vector<32x256xf32>
    %slice3A_826 = vector.extract_strided_slice %select_n3A_824 {offsets = [0, 256], sizes = [32, 256], strides = [1, 1]} : vector<32x512xf32> to vector<32x256xf32>
    %add3A_827 = arith.addf %slice3A_825, %slice3A_826 : vector<32x256xf32>
    %slice3A_828 = vector.extract_strided_slice %add3A_827 {offsets = [0, 0], sizes = [32, 128], strides = [1, 1]} : vector<32x256xf32> to vector<32x128xf32>
    %slice3A_829 = vector.extract_strided_slice %add3A_827 {offsets = [0, 128], sizes = [32, 128], strides = [1, 1]} : vector<32x256xf32> to vector<32x128xf32>
    %add3A_830 = arith.addf %slice3A_828, %slice3A_829 : vector<32x128xf32>
    %add3A_831 = arith.addf %add3A_810, %add3A_830 : vector<32x128xf32>
    %get3A_832 = arith.constant 0 : index
    %get3A_833 = arith.constant 6656 : index
    %get3A_834 = vector.load %arg1[%get3A_832, %get3A_833] : memref<32x16384xf32, #tpu.memory_space<vmem>>, vector<32x512xf32>
    %add3A_835 = arith.constant 1.000000e+00 : f32
    %add3A_836 = vector.broadcast %add3A_835 : f32 to vector<32x512xf32>
    %add3A_837 = arith.addf %add3A_836, %get3A_834 : vector<32x512xf32>
    %ge3A_838 = vector.broadcast %add3A : vector<32x1xf32> to vector<32x512xf32>
    %ge3A_839 = arith.cmpf oge, %get3A_834, %ge3A_838 : vector<32x512xf32>
    %mul3A_840 = arith.mulf %add3A_837, %add3A_837 : vector<32x512xf32>
    %sub3A_841 = vector.broadcast %mul3A_560 : vector<32x1xf32> to vector<32x512xf32>
    %sub3A_842 = arith.subf %mul3A_840, %sub3A_841 : vector<32x512xf32>
    %jit3A_843 = arith.constant 0.000000e+00 : f32
    %broadcast_in_dim3A_844 = vector.broadcast %jit3A_843 : f32 to vector<32x512xf32>
    %select_n3A_845 = arith.select %ge3A_839, %sub3A_842, %broadcast_in_dim3A_844 : vector<32x512xi1>, vector<32x512xf32>
    %slice3A_846 = vector.extract_strided_slice %select_n3A_845 {offsets = [0, 0], sizes = [32, 256], strides = [1, 1]} : vector<32x512xf32> to vector<32x256xf32>
    %slice3A_847 = vector.extract_strided_slice %select_n3A_845 {offsets = [0, 256], sizes = [32, 256], strides = [1, 1]} : vector<32x512xf32> to vector<32x256xf32>
    %add3A_848 = arith.addf %slice3A_846, %slice3A_847 : vector<32x256xf32>
    %slice3A_849 = vector.extract_strided_slice %add3A_848 {offsets = [0, 0], sizes = [32, 128], strides = [1, 1]} : vector<32x256xf32> to vector<32x128xf32>
    %slice3A_850 = vector.extract_strided_slice %add3A_848 {offsets = [0, 128], sizes = [32, 128], strides = [1, 1]} : vector<32x256xf32> to vector<32x128xf32>
    %add3A_851 = arith.addf %slice3A_849, %slice3A_850 : vector<32x128xf32>
    %add3A_852 = arith.addf %add3A_831, %add3A_851 : vector<32x128xf32>
    %get3A_853 = arith.constant 0 : index
    %get3A_854 = arith.constant 7168 : index
    %get3A_855 = vector.load %arg1[%get3A_853, %get3A_854] : memref<32x16384xf32, #tpu.memory_space<vmem>>, vector<32x512xf32>
    %add3A_856 = arith.constant 1.000000e+00 : f32
    %add3A_857 = vector.broadcast %add3A_856 : f32 to vector<32x512xf32>
    %add3A_858 = arith.addf %add3A_857, %get3A_855 : vector<32x512xf32>
    %ge3A_859 = vector.broadcast %add3A : vector<32x1xf32> to vector<32x512xf32>
    %ge3A_860 = arith.cmpf oge, %get3A_855, %ge3A_859 : vector<32x512xf32>
    %mul3A_861 = arith.mulf %add3A_858, %add3A_858 : vector<32x512xf32>
    %sub3A_862 = vector.broadcast %mul3A_560 : vector<32x1xf32> to vector<32x512xf32>
    %sub3A_863 = arith.subf %mul3A_861, %sub3A_862 : vector<32x512xf32>
    %jit3A_864 = arith.constant 0.000000e+00 : f32
    %broadcast_in_dim3A_865 = vector.broadcast %jit3A_864 : f32 to vector<32x512xf32>
    %select_n3A_866 = arith.select %ge3A_860, %sub3A_863, %broadcast_in_dim3A_865 : vector<32x512xi1>, vector<32x512xf32>
    %slice3A_867 = vector.extract_strided_slice %select_n3A_866 {offsets = [0, 0], sizes = [32, 256], strides = [1, 1]} : vector<32x512xf32> to vector<32x256xf32>
    %slice3A_868 = vector.extract_strided_slice %select_n3A_866 {offsets = [0, 256], sizes = [32, 256], strides = [1, 1]} : vector<32x512xf32> to vector<32x256xf32>
    %add3A_869 = arith.addf %slice3A_867, %slice3A_868 : vector<32x256xf32>
    %slice3A_870 = vector.extract_strided_slice %add3A_869 {offsets = [0, 0], sizes = [32, 128], strides = [1, 1]} : vector<32x256xf32> to vector<32x128xf32>
    %slice3A_871 = vector.extract_strided_slice %add3A_869 {offsets = [0, 128], sizes = [32, 128], strides = [1, 1]} : vector<32x256xf32> to vector<32x128xf32>
    %add3A_872 = arith.addf %slice3A_870, %slice3A_871 : vector<32x128xf32>
    %add3A_873 = arith.addf %add3A_852, %add3A_872 : vector<32x128xf32>
    %get3A_874 = arith.constant 0 : index
    %get3A_875 = arith.constant 7680 : index
    %get3A_876 = vector.load %arg1[%get3A_874, %get3A_875] : memref<32x16384xf32, #tpu.memory_space<vmem>>, vector<32x512xf32>
    %add3A_877 = arith.constant 1.000000e+00 : f32
    %add3A_878 = vector.broadcast %add3A_877 : f32 to vector<32x512xf32>
    %add3A_879 = arith.addf %add3A_878, %get3A_876 : vector<32x512xf32>
    %ge3A_880 = vector.broadcast %add3A : vector<32x1xf32> to vector<32x512xf32>
    %ge3A_881 = arith.cmpf oge, %get3A_876, %ge3A_880 : vector<32x512xf32>
    %mul3A_882 = arith.mulf %add3A_879, %add3A_879 : vector<32x512xf32>
    %sub3A_883 = vector.broadcast %mul3A_560 : vector<32x1xf32> to vector<32x512xf32>
    %sub3A_884 = arith.subf %mul3A_882, %sub3A_883 : vector<32x512xf32>
    %jit3A_885 = arith.constant 0.000000e+00 : f32
    %broadcast_in_dim3A_886 = vector.broadcast %jit3A_885 : f32 to vector<32x512xf32>
    %select_n3A_887 = arith.select %ge3A_881, %sub3A_884, %broadcast_in_dim3A_886 : vector<32x512xi1>, vector<32x512xf32>
    %slice3A_888 = vector.extract_strided_slice %select_n3A_887 {offsets = [0, 0], sizes = [32, 256], strides = [1, 1]} : vector<32x512xf32> to vector<32x256xf32>
    %slice3A_889 = vector.extract_strided_slice %select_n3A_887 {offsets = [0, 256], sizes = [32, 256], strides = [1, 1]} : vector<32x512xf32> to vector<32x256xf32>
    %add3A_890 = arith.addf %slice3A_888, %slice3A_889 : vector<32x256xf32>
    %slice3A_891 = vector.extract_strided_slice %add3A_890 {offsets = [0, 0], sizes = [32, 128], strides = [1, 1]} : vector<32x256xf32> to vector<32x128xf32>
    %slice3A_892 = vector.extract_strided_slice %add3A_890 {offsets = [0, 128], sizes = [32, 128], strides = [1, 1]} : vector<32x256xf32> to vector<32x128xf32>
    %add3A_893 = arith.addf %slice3A_891, %slice3A_892 : vector<32x128xf32>
    %add3A_894 = arith.addf %add3A_873, %add3A_893 : vector<32x128xf32>
    %get3A_895 = arith.constant 0 : index
    %get3A_896 = arith.constant 8192 : index
    %get3A_897 = vector.load %arg1[%get3A_895, %get3A_896] : memref<32x16384xf32, #tpu.memory_space<vmem>>, vector<32x512xf32>
    %add3A_898 = arith.constant 1.000000e+00 : f32
    %add3A_899 = vector.broadcast %add3A_898 : f32 to vector<32x512xf32>
    %add3A_900 = arith.addf %add3A_899, %get3A_897 : vector<32x512xf32>
    %ge3A_901 = vector.broadcast %add3A : vector<32x1xf32> to vector<32x512xf32>
    %ge3A_902 = arith.cmpf oge, %get3A_897, %ge3A_901 : vector<32x512xf32>
    %mul3A_903 = arith.mulf %add3A_900, %add3A_900 : vector<32x512xf32>
    %sub3A_904 = vector.broadcast %mul3A_560 : vector<32x1xf32> to vector<32x512xf32>
    %sub3A_905 = arith.subf %mul3A_903, %sub3A_904 : vector<32x512xf32>
    %jit3A_906 = arith.constant 0.000000e+00 : f32
    %broadcast_in_dim3A_907 = vector.broadcast %jit3A_906 : f32 to vector<32x512xf32>
    %select_n3A_908 = arith.select %ge3A_902, %sub3A_905, %broadcast_in_dim3A_907 : vector<32x512xi1>, vector<32x512xf32>
    %slice3A_909 = vector.extract_strided_slice %select_n3A_908 {offsets = [0, 0], sizes = [32, 256], strides = [1, 1]} : vector<32x512xf32> to vector<32x256xf32>
    %slice3A_910 = vector.extract_strided_slice %select_n3A_908 {offsets = [0, 256], sizes = [32, 256], strides = [1, 1]} : vector<32x512xf32> to vector<32x256xf32>
    %add3A_911 = arith.addf %slice3A_909, %slice3A_910 : vector<32x256xf32>
    %slice3A_912 = vector.extract_strided_slice %add3A_911 {offsets = [0, 0], sizes = [32, 128], strides = [1, 1]} : vector<32x256xf32> to vector<32x128xf32>
    %slice3A_913 = vector.extract_strided_slice %add3A_911 {offsets = [0, 128], sizes = [32, 128], strides = [1, 1]} : vector<32x256xf32> to vector<32x128xf32>
    %add3A_914 = arith.addf %slice3A_912, %slice3A_913 : vector<32x128xf32>
    %add3A_915 = arith.addf %add3A_894, %add3A_914 : vector<32x128xf32>
    %get3A_916 = arith.constant 0 : index
    %get3A_917 = arith.constant 8704 : index
    %get3A_918 = vector.load %arg1[%get3A_916, %get3A_917] : memref<32x16384xf32, #tpu.memory_space<vmem>>, vector<32x512xf32>
    %add3A_919 = arith.constant 1.000000e+00 : f32
    %add3A_920 = vector.broadcast %add3A_919 : f32 to vector<32x512xf32>
    %add3A_921 = arith.addf %add3A_920, %get3A_918 : vector<32x512xf32>
    %ge3A_922 = vector.broadcast %add3A : vector<32x1xf32> to vector<32x512xf32>
    %ge3A_923 = arith.cmpf oge, %get3A_918, %ge3A_922 : vector<32x512xf32>
    %mul3A_924 = arith.mulf %add3A_921, %add3A_921 : vector<32x512xf32>
    %sub3A_925 = vector.broadcast %mul3A_560 : vector<32x1xf32> to vector<32x512xf32>
    %sub3A_926 = arith.subf %mul3A_924, %sub3A_925 : vector<32x512xf32>
    %jit3A_927 = arith.constant 0.000000e+00 : f32
    %broadcast_in_dim3A_928 = vector.broadcast %jit3A_927 : f32 to vector<32x512xf32>
    %select_n3A_929 = arith.select %ge3A_923, %sub3A_926, %broadcast_in_dim3A_928 : vector<32x512xi1>, vector<32x512xf32>
    %slice3A_930 = vector.extract_strided_slice %select_n3A_929 {offsets = [0, 0], sizes = [32, 256], strides = [1, 1]} : vector<32x512xf32> to vector<32x256xf32>
    %slice3A_931 = vector.extract_strided_slice %select_n3A_929 {offsets = [0, 256], sizes = [32, 256], strides = [1, 1]} : vector<32x512xf32> to vector<32x256xf32>
    %add3A_932 = arith.addf %slice3A_930, %slice3A_931 : vector<32x256xf32>
    %slice3A_933 = vector.extract_strided_slice %add3A_932 {offsets = [0, 0], sizes = [32, 128], strides = [1, 1]} : vector<32x256xf32> to vector<32x128xf32>
    %slice3A_934 = vector.extract_strided_slice %add3A_932 {offsets = [0, 128], sizes = [32, 128], strides = [1, 1]} : vector<32x256xf32> to vector<32x128xf32>
    %add3A_935 = arith.addf %slice3A_933, %slice3A_934 : vector<32x128xf32>
    %add3A_936 = arith.addf %add3A_915, %add3A_935 : vector<32x128xf32>
    %get3A_937 = arith.constant 0 : index
    %get3A_938 = arith.constant 9216 : index
    %get3A_939 = vector.load %arg1[%get3A_937, %get3A_938] : memref<32x16384xf32, #tpu.memory_space<vmem>>, vector<32x512xf32>
    %add3A_940 = arith.constant 1.000000e+00 : f32
    %add3A_941 = vector.broadcast %add3A_940 : f32 to vector<32x512xf32>
    %add3A_942 = arith.addf %add3A_941, %get3A_939 : vector<32x512xf32>
    %ge3A_943 = vector.broadcast %add3A : vector<32x1xf32> to vector<32x512xf32>
    %ge3A_944 = arith.cmpf oge, %get3A_939, %ge3A_943 : vector<32x512xf32>
    %mul3A_945 = arith.mulf %add3A_942, %add3A_942 : vector<32x512xf32>
    %sub3A_946 = vector.broadcast %mul3A_560 : vector<32x1xf32> to vector<32x512xf32>
    %sub3A_947 = arith.subf %mul3A_945, %sub3A_946 : vector<32x512xf32>
    %jit3A_948 = arith.constant 0.000000e+00 : f32
    %broadcast_in_dim3A_949 = vector.broadcast %jit3A_948 : f32 to vector<32x512xf32>
    %select_n3A_950 = arith.select %ge3A_944, %sub3A_947, %broadcast_in_dim3A_949 : vector<32x512xi1>, vector<32x512xf32>
    %slice3A_951 = vector.extract_strided_slice %select_n3A_950 {offsets = [0, 0], sizes = [32, 256], strides = [1, 1]} : vector<32x512xf32> to vector<32x256xf32>
    %slice3A_952 = vector.extract_strided_slice %select_n3A_950 {offsets = [0, 256], sizes = [32, 256], strides = [1, 1]} : vector<32x512xf32> to vector<32x256xf32>
    %add3A_953 = arith.addf %slice3A_951, %slice3A_952 : vector<32x256xf32>
    %slice3A_954 = vector.extract_strided_slice %add3A_953 {offsets = [0, 0], sizes = [32, 128], strides = [1, 1]} : vector<32x256xf32> to vector<32x128xf32>
    %slice3A_955 = vector.extract_strided_slice %add3A_953 {offsets = [0, 128], sizes = [32, 128], strides = [1, 1]} : vector<32x256xf32> to vector<32x128xf32>
    %add3A_956 = arith.addf %slice3A_954, %slice3A_955 : vector<32x128xf32>
    %add3A_957 = arith.addf %add3A_936, %add3A_956 : vector<32x128xf32>
    %get3A_958 = arith.constant 0 : index
    %get3A_959 = arith.constant 9728 : index
    %get3A_960 = vector.load %arg1[%get3A_958, %get3A_959] : memref<32x16384xf32, #tpu.memory_space<vmem>>, vector<32x512xf32>
    %add3A_961 = arith.constant 1.000000e+00 : f32
    %add3A_962 = vector.broadcast %add3A_961 : f32 to vector<32x512xf32>
    %add3A_963 = arith.addf %add3A_962, %get3A_960 : vector<32x512xf32>
    %ge3A_964 = vector.broadcast %add3A : vector<32x1xf32> to vector<32x512xf32>
    %ge3A_965 = arith.cmpf oge, %get3A_960, %ge3A_964 : vector<32x512xf32>
    %mul3A_966 = arith.mulf %add3A_963, %add3A_963 : vector<32x512xf32>
    %sub3A_967 = vector.broadcast %mul3A_560 : vector<32x1xf32> to vector<32x512xf32>
    %sub3A_968 = arith.subf %mul3A_966, %sub3A_967 : vector<32x512xf32>
    %jit3A_969 = arith.constant 0.000000e+00 : f32
    %broadcast_in_dim3A_970 = vector.broadcast %jit3A_969 : f32 to vector<32x512xf32>
    %select_n3A_971 = arith.select %ge3A_965, %sub3A_968, %broadcast_in_dim3A_970 : vector<32x512xi1>, vector<32x512xf32>
    %slice3A_972 = vector.extract_strided_slice %select_n3A_971 {offsets = [0, 0], sizes = [32, 256], strides = [1, 1]} : vector<32x512xf32> to vector<32x256xf32>
    %slice3A_973 = vector.extract_strided_slice %select_n3A_971 {offsets = [0, 256], sizes = [32, 256], strides = [1, 1]} : vector<32x512xf32> to vector<32x256xf32>
    %add3A_974 = arith.addf %slice3A_972, %slice3A_973 : vector<32x256xf32>
    %slice3A_975 = vector.extract_strided_slice %add3A_974 {offsets = [0, 0], sizes = [32, 128], strides = [1, 1]} : vector<32x256xf32> to vector<32x128xf32>
    %slice3A_976 = vector.extract_strided_slice %add3A_974 {offsets = [0, 128], sizes = [32, 128], strides = [1, 1]} : vector<32x256xf32> to vector<32x128xf32>
    %add3A_977 = arith.addf %slice3A_975, %slice3A_976 : vector<32x128xf32>
    %add3A_978 = arith.addf %add3A_957, %add3A_977 : vector<32x128xf32>
    %get3A_979 = arith.constant 0 : index
    %get3A_980 = arith.constant 10240 : index
    %get3A_981 = vector.load %arg1[%get3A_979, %get3A_980] : memref<32x16384xf32, #tpu.memory_space<vmem>>, vector<32x512xf32>
    %add3A_982 = arith.constant 1.000000e+00 : f32
    %add3A_983 = vector.broadcast %add3A_982 : f32 to vector<32x512xf32>
    %add3A_984 = arith.addf %add3A_983, %get3A_981 : vector<32x512xf32>
    %ge3A_985 = vector.broadcast %add3A : vector<32x1xf32> to vector<32x512xf32>
    %ge3A_986 = arith.cmpf oge, %get3A_981, %ge3A_985 : vector<32x512xf32>
    %mul3A_987 = arith.mulf %add3A_984, %add3A_984 : vector<32x512xf32>
    %sub3A_988 = vector.broadcast %mul3A_560 : vector<32x1xf32> to vector<32x512xf32>
    %sub3A_989 = arith.subf %mul3A_987, %sub3A_988 : vector<32x512xf32>
    %jit3A_990 = arith.constant 0.000000e+00 : f32
    %broadcast_in_dim3A_991 = vector.broadcast %jit3A_990 : f32 to vector<32x512xf32>
    %select_n3A_992 = arith.select %ge3A_986, %sub3A_989, %broadcast_in_dim3A_991 : vector<32x512xi1>, vector<32x512xf32>
    %slice3A_993 = vector.extract_strided_slice %select_n3A_992 {offsets = [0, 0], sizes = [32, 256], strides = [1, 1]} : vector<32x512xf32> to vector<32x256xf32>
    %slice3A_994 = vector.extract_strided_slice %select_n3A_992 {offsets = [0, 256], sizes = [32, 256], strides = [1, 1]} : vector<32x512xf32> to vector<32x256xf32>
    %add3A_995 = arith.addf %slice3A_993, %slice3A_994 : vector<32x256xf32>
    %slice3A_996 = vector.extract_strided_slice %add3A_995 {offsets = [0, 0], sizes = [32, 128], strides = [1, 1]} : vector<32x256xf32> to vector<32x128xf32>
    %slice3A_997 = vector.extract_strided_slice %add3A_995 {offsets = [0, 128], sizes = [32, 128], strides = [1, 1]} : vector<32x256xf32> to vector<32x128xf32>
    %add3A_998 = arith.addf %slice3A_996, %slice3A_997 : vector<32x128xf32>
    %add3A_999 = arith.addf %add3A_978, %add3A_998 : vector<32x128xf32>
    %get3A_1000 = arith.constant 0 : index
    %get3A_1001 = arith.constant 10752 : index
    %get3A_1002 = vector.load %arg1[%get3A_1000, %get3A_1001] : memref<32x16384xf32, #tpu.memory_space<vmem>>, vector<32x512xf32>
    %add3A_1003 = arith.constant 1.000000e+00 : f32
    %add3A_1004 = vector.broadcast %add3A_1003 : f32 to vector<32x512xf32>
    %add3A_1005 = arith.addf %add3A_1004, %get3A_1002 : vector<32x512xf32>
    %ge3A_1006 = vector.broadcast %add3A : vector<32x1xf32> to vector<32x512xf32>
    %ge3A_1007 = arith.cmpf oge, %get3A_1002, %ge3A_1006 : vector<32x512xf32>
    %mul3A_1008 = arith.mulf %add3A_1005, %add3A_1005 : vector<32x512xf32>
    %sub3A_1009 = vector.broadcast %mul3A_560 : vector<32x1xf32> to vector<32x512xf32>
    %sub3A_1010 = arith.subf %mul3A_1008, %sub3A_1009 : vector<32x512xf32>
    %jit3A_1011 = arith.constant 0.000000e+00 : f32
    %broadcast_in_dim3A_1012 = vector.broadcast %jit3A_1011 : f32 to vector<32x512xf32>
    %select_n3A_1013 = arith.select %ge3A_1007, %sub3A_1010, %broadcast_in_dim3A_1012 : vector<32x512xi1>, vector<32x512xf32>
    %slice3A_1014 = vector.extract_strided_slice %select_n3A_1013 {offsets = [0, 0], sizes = [32, 256], strides = [1, 1]} : vector<32x512xf32> to vector<32x256xf32>
    %slice3A_1015 = vector.extract_strided_slice %select_n3A_1013 {offsets = [0, 256], sizes = [32, 256], strides = [1, 1]} : vector<32x512xf32> to vector<32x256xf32>
    %add3A_1016 = arith.addf %slice3A_1014, %slice3A_1015 : vector<32x256xf32>
    %slice3A_1017 = vector.extract_strided_slice %add3A_1016 {offsets = [0, 0], sizes = [32, 128], strides = [1, 1]} : vector<32x256xf32> to vector<32x128xf32>
    %slice3A_1018 = vector.extract_strided_slice %add3A_1016 {offsets = [0, 128], sizes = [32, 128], strides = [1, 1]} : vector<32x256xf32> to vector<32x128xf32>
    %add3A_1019 = arith.addf %slice3A_1017, %slice3A_1018 : vector<32x128xf32>
    %add3A_1020 = arith.addf %add3A_999, %add3A_1019 : vector<32x128xf32>
    %get3A_1021 = arith.constant 0 : index
    %get3A_1022 = arith.constant 11264 : index
    %get3A_1023 = vector.load %arg1[%get3A_1021, %get3A_1022] : memref<32x16384xf32, #tpu.memory_space<vmem>>, vector<32x512xf32>
    %add3A_1024 = arith.constant 1.000000e+00 : f32
    %add3A_1025 = vector.broadcast %add3A_1024 : f32 to vector<32x512xf32>
    %add3A_1026 = arith.addf %add3A_1025, %get3A_1023 : vector<32x512xf32>
    %ge3A_1027 = vector.broadcast %add3A : vector<32x1xf32> to vector<32x512xf32>
    %ge3A_1028 = arith.cmpf oge, %get3A_1023, %ge3A_1027 : vector<32x512xf32>
    %mul3A_1029 = arith.mulf %add3A_1026, %add3A_1026 : vector<32x512xf32>
    %sub3A_1030 = vector.broadcast %mul3A_560 : vector<32x1xf32> to vector<32x512xf32>
    %sub3A_1031 = arith.subf %mul3A_1029, %sub3A_1030 : vector<32x512xf32>
    %jit3A_1032 = arith.constant 0.000000e+00 : f32
    %broadcast_in_dim3A_1033 = vector.broadcast %jit3A_1032 : f32 to vector<32x512xf32>
    %select_n3A_1034 = arith.select %ge3A_1028, %sub3A_1031, %broadcast_in_dim3A_1033 : vector<32x512xi1>, vector<32x512xf32>
    %slice3A_1035 = vector.extract_strided_slice %select_n3A_1034 {offsets = [0, 0], sizes = [32, 256], strides = [1, 1]} : vector<32x512xf32> to vector<32x256xf32>
    %slice3A_1036 = vector.extract_strided_slice %select_n3A_1034 {offsets = [0, 256], sizes = [32, 256], strides = [1, 1]} : vector<32x512xf32> to vector<32x256xf32>
    %add3A_1037 = arith.addf %slice3A_1035, %slice3A_1036 : vector<32x256xf32>
    %slice3A_1038 = vector.extract_strided_slice %add3A_1037 {offsets = [0, 0], sizes = [32, 128], strides = [1, 1]} : vector<32x256xf32> to vector<32x128xf32>
    %slice3A_1039 = vector.extract_strided_slice %add3A_1037 {offsets = [0, 128], sizes = [32, 128], strides = [1, 1]} : vector<32x256xf32> to vector<32x128xf32>
    %add3A_1040 = arith.addf %slice3A_1038, %slice3A_1039 : vector<32x128xf32>
    %add3A_1041 = arith.addf %add3A_1020, %add3A_1040 : vector<32x128xf32>
    %get3A_1042 = arith.constant 0 : index
    %get3A_1043 = arith.constant 11776 : index
    %get3A_1044 = vector.load %arg1[%get3A_1042, %get3A_1043] : memref<32x16384xf32, #tpu.memory_space<vmem>>, vector<32x512xf32>
    %add3A_1045 = arith.constant 1.000000e+00 : f32
    %add3A_1046 = vector.broadcast %add3A_1045 : f32 to vector<32x512xf32>
    %add3A_1047 = arith.addf %add3A_1046, %get3A_1044 : vector<32x512xf32>
    %ge3A_1048 = vector.broadcast %add3A : vector<32x1xf32> to vector<32x512xf32>
    %ge3A_1049 = arith.cmpf oge, %get3A_1044, %ge3A_1048 : vector<32x512xf32>
    %mul3A_1050 = arith.mulf %add3A_1047, %add3A_1047 : vector<32x512xf32>
    %sub3A_1051 = vector.broadcast %mul3A_560 : vector<32x1xf32> to vector<32x512xf32>
    %sub3A_1052 = arith.subf %mul3A_1050, %sub3A_1051 : vector<32x512xf32>
    %jit3A_1053 = arith.constant 0.000000e+00 : f32
    %broadcast_in_dim3A_1054 = vector.broadcast %jit3A_1053 : f32 to vector<32x512xf32>
    %select_n3A_1055 = arith.select %ge3A_1049, %sub3A_1052, %broadcast_in_dim3A_1054 : vector<32x512xi1>, vector<32x512xf32>
    %slice3A_1056 = vector.extract_strided_slice %select_n3A_1055 {offsets = [0, 0], sizes = [32, 256], strides = [1, 1]} : vector<32x512xf32> to vector<32x256xf32>
    %slice3A_1057 = vector.extract_strided_slice %select_n3A_1055 {offsets = [0, 256], sizes = [32, 256], strides = [1, 1]} : vector<32x512xf32> to vector<32x256xf32>
    %add3A_1058 = arith.addf %slice3A_1056, %slice3A_1057 : vector<32x256xf32>
    %slice3A_1059 = vector.extract_strided_slice %add3A_1058 {offsets = [0, 0], sizes = [32, 128], strides = [1, 1]} : vector<32x256xf32> to vector<32x128xf32>
    %slice3A_1060 = vector.extract_strided_slice %add3A_1058 {offsets = [0, 128], sizes = [32, 128], strides = [1, 1]} : vector<32x256xf32> to vector<32x128xf32>
    %add3A_1061 = arith.addf %slice3A_1059, %slice3A_1060 : vector<32x128xf32>
    %add3A_1062 = arith.addf %add3A_1041, %add3A_1061 : vector<32x128xf32>
    %get3A_1063 = arith.constant 0 : index
    %get3A_1064 = arith.constant 12288 : index
    %get3A_1065 = vector.load %arg1[%get3A_1063, %get3A_1064] : memref<32x16384xf32, #tpu.memory_space<vmem>>, vector<32x512xf32>
    %add3A_1066 = arith.constant 1.000000e+00 : f32
    %add3A_1067 = vector.broadcast %add3A_1066 : f32 to vector<32x512xf32>
    %add3A_1068 = arith.addf %add3A_1067, %get3A_1065 : vector<32x512xf32>
    %ge3A_1069 = vector.broadcast %add3A : vector<32x1xf32> to vector<32x512xf32>
    %ge3A_1070 = arith.cmpf oge, %get3A_1065, %ge3A_1069 : vector<32x512xf32>
    %mul3A_1071 = arith.mulf %add3A_1068, %add3A_1068 : vector<32x512xf32>
    %sub3A_1072 = vector.broadcast %mul3A_560 : vector<32x1xf32> to vector<32x512xf32>
    %sub3A_1073 = arith.subf %mul3A_1071, %sub3A_1072 : vector<32x512xf32>
    %jit3A_1074 = arith.constant 0.000000e+00 : f32
    %broadcast_in_dim3A_1075 = vector.broadcast %jit3A_1074 : f32 to vector<32x512xf32>
    %select_n3A_1076 = arith.select %ge3A_1070, %sub3A_1073, %broadcast_in_dim3A_1075 : vector<32x512xi1>, vector<32x512xf32>
    %slice3A_1077 = vector.extract_strided_slice %select_n3A_1076 {offsets = [0, 0], sizes = [32, 256], strides = [1, 1]} : vector<32x512xf32> to vector<32x256xf32>
    %slice3A_1078 = vector.extract_strided_slice %select_n3A_1076 {offsets = [0, 256], sizes = [32, 256], strides = [1, 1]} : vector<32x512xf32> to vector<32x256xf32>
    %add3A_1079 = arith.addf %slice3A_1077, %slice3A_1078 : vector<32x256xf32>
    %slice3A_1080 = vector.extract_strided_slice %add3A_1079 {offsets = [0, 0], sizes = [32, 128], strides = [1, 1]} : vector<32x256xf32> to vector<32x128xf32>
    %slice3A_1081 = vector.extract_strided_slice %add3A_1079 {offsets = [0, 128], sizes = [32, 128], strides = [1, 1]} : vector<32x256xf32> to vector<32x128xf32>
    %add3A_1082 = arith.addf %slice3A_1080, %slice3A_1081 : vector<32x128xf32>
    %add3A_1083 = arith.addf %add3A_1062, %add3A_1082 : vector<32x128xf32>
    %get3A_1084 = arith.constant 0 : index
    %get3A_1085 = arith.constant 12800 : index
    %get3A_1086 = vector.load %arg1[%get3A_1084, %get3A_1085] : memref<32x16384xf32, #tpu.memory_space<vmem>>, vector<32x512xf32>
    %add3A_1087 = arith.constant 1.000000e+00 : f32
    %add3A_1088 = vector.broadcast %add3A_1087 : f32 to vector<32x512xf32>
    %add3A_1089 = arith.addf %add3A_1088, %get3A_1086 : vector<32x512xf32>
    %ge3A_1090 = vector.broadcast %add3A : vector<32x1xf32> to vector<32x512xf32>
    %ge3A_1091 = arith.cmpf oge, %get3A_1086, %ge3A_1090 : vector<32x512xf32>
    %mul3A_1092 = arith.mulf %add3A_1089, %add3A_1089 : vector<32x512xf32>
    %sub3A_1093 = vector.broadcast %mul3A_560 : vector<32x1xf32> to vector<32x512xf32>
    %sub3A_1094 = arith.subf %mul3A_1092, %sub3A_1093 : vector<32x512xf32>
    %jit3A_1095 = arith.constant 0.000000e+00 : f32
    %broadcast_in_dim3A_1096 = vector.broadcast %jit3A_1095 : f32 to vector<32x512xf32>
    %select_n3A_1097 = arith.select %ge3A_1091, %sub3A_1094, %broadcast_in_dim3A_1096 : vector<32x512xi1>, vector<32x512xf32>
    %slice3A_1098 = vector.extract_strided_slice %select_n3A_1097 {offsets = [0, 0], sizes = [32, 256], strides = [1, 1]} : vector<32x512xf32> to vector<32x256xf32>
    %slice3A_1099 = vector.extract_strided_slice %select_n3A_1097 {offsets = [0, 256], sizes = [32, 256], strides = [1, 1]} : vector<32x512xf32> to vector<32x256xf32>
    %add3A_1100 = arith.addf %slice3A_1098, %slice3A_1099 : vector<32x256xf32>
    %slice3A_1101 = vector.extract_strided_slice %add3A_1100 {offsets = [0, 0], sizes = [32, 128], strides = [1, 1]} : vector<32x256xf32> to vector<32x128xf32>
    %slice3A_1102 = vector.extract_strided_slice %add3A_1100 {offsets = [0, 128], sizes = [32, 128], strides = [1, 1]} : vector<32x256xf32> to vector<32x128xf32>
    %add3A_1103 = arith.addf %slice3A_1101, %slice3A_1102 : vector<32x128xf32>
    %add3A_1104 = arith.addf %add3A_1083, %add3A_1103 : vector<32x128xf32>
    %get3A_1105 = arith.constant 0 : index
    %get3A_1106 = arith.constant 13312 : index
    %get3A_1107 = vector.load %arg1[%get3A_1105, %get3A_1106] : memref<32x16384xf32, #tpu.memory_space<vmem>>, vector<32x512xf32>
    %add3A_1108 = arith.constant 1.000000e+00 : f32
    %add3A_1109 = vector.broadcast %add3A_1108 : f32 to vector<32x512xf32>
    %add3A_1110 = arith.addf %add3A_1109, %get3A_1107 : vector<32x512xf32>
    %ge3A_1111 = vector.broadcast %add3A : vector<32x1xf32> to vector<32x512xf32>
    %ge3A_1112 = arith.cmpf oge, %get3A_1107, %ge3A_1111 : vector<32x512xf32>
    %mul3A_1113 = arith.mulf %add3A_1110, %add3A_1110 : vector<32x512xf32>
    %sub3A_1114 = vector.broadcast %mul3A_560 : vector<32x1xf32> to vector<32x512xf32>
    %sub3A_1115 = arith.subf %mul3A_1113, %sub3A_1114 : vector<32x512xf32>
    %jit3A_1116 = arith.constant 0.000000e+00 : f32
    %broadcast_in_dim3A_1117 = vector.broadcast %jit3A_1116 : f32 to vector<32x512xf32>
    %select_n3A_1118 = arith.select %ge3A_1112, %sub3A_1115, %broadcast_in_dim3A_1117 : vector<32x512xi1>, vector<32x512xf32>
    %slice3A_1119 = vector.extract_strided_slice %select_n3A_1118 {offsets = [0, 0], sizes = [32, 256], strides = [1, 1]} : vector<32x512xf32> to vector<32x256xf32>
    %slice3A_1120 = vector.extract_strided_slice %select_n3A_1118 {offsets = [0, 256], sizes = [32, 256], strides = [1, 1]} : vector<32x512xf32> to vector<32x256xf32>
    %add3A_1121 = arith.addf %slice3A_1119, %slice3A_1120 : vector<32x256xf32>
    %slice3A_1122 = vector.extract_strided_slice %add3A_1121 {offsets = [0, 0], sizes = [32, 128], strides = [1, 1]} : vector<32x256xf32> to vector<32x128xf32>
    %slice3A_1123 = vector.extract_strided_slice %add3A_1121 {offsets = [0, 128], sizes = [32, 128], strides = [1, 1]} : vector<32x256xf32> to vector<32x128xf32>
    %add3A_1124 = arith.addf %slice3A_1122, %slice3A_1123 : vector<32x128xf32>
    %add3A_1125 = arith.addf %add3A_1104, %add3A_1124 : vector<32x128xf32>
    %get3A_1126 = arith.constant 0 : index
    %get3A_1127 = arith.constant 13824 : index
    %get3A_1128 = vector.load %arg1[%get3A_1126, %get3A_1127] : memref<32x16384xf32, #tpu.memory_space<vmem>>, vector<32x512xf32>
    %add3A_1129 = arith.constant 1.000000e+00 : f32
    %add3A_1130 = vector.broadcast %add3A_1129 : f32 to vector<32x512xf32>
    %add3A_1131 = arith.addf %add3A_1130, %get3A_1128 : vector<32x512xf32>
    %ge3A_1132 = vector.broadcast %add3A : vector<32x1xf32> to vector<32x512xf32>
    %ge3A_1133 = arith.cmpf oge, %get3A_1128, %ge3A_1132 : vector<32x512xf32>
    %mul3A_1134 = arith.mulf %add3A_1131, %add3A_1131 : vector<32x512xf32>
    %sub3A_1135 = vector.broadcast %mul3A_560 : vector<32x1xf32> to vector<32x512xf32>
    %sub3A_1136 = arith.subf %mul3A_1134, %sub3A_1135 : vector<32x512xf32>
    %jit3A_1137 = arith.constant 0.000000e+00 : f32
    %broadcast_in_dim3A_1138 = vector.broadcast %jit3A_1137 : f32 to vector<32x512xf32>
    %select_n3A_1139 = arith.select %ge3A_1133, %sub3A_1136, %broadcast_in_dim3A_1138 : vector<32x512xi1>, vector<32x512xf32>
    %slice3A_1140 = vector.extract_strided_slice %select_n3A_1139 {offsets = [0, 0], sizes = [32, 256], strides = [1, 1]} : vector<32x512xf32> to vector<32x256xf32>
    %slice3A_1141 = vector.extract_strided_slice %select_n3A_1139 {offsets = [0, 256], sizes = [32, 256], strides = [1, 1]} : vector<32x512xf32> to vector<32x256xf32>
    %add3A_1142 = arith.addf %slice3A_1140, %slice3A_1141 : vector<32x256xf32>
    %slice3A_1143 = vector.extract_strided_slice %add3A_1142 {offsets = [0, 0], sizes = [32, 128], strides = [1, 1]} : vector<32x256xf32> to vector<32x128xf32>
    %slice3A_1144 = vector.extract_strided_slice %add3A_1142 {offsets = [0, 128], sizes = [32, 128], strides = [1, 1]} : vector<32x256xf32> to vector<32x128xf32>
    %add3A_1145 = arith.addf %slice3A_1143, %slice3A_1144 : vector<32x128xf32>
    %add3A_1146 = arith.addf %add3A_1125, %add3A_1145 : vector<32x128xf32>
    %get3A_1147 = arith.constant 0 : index
    %get3A_1148 = arith.constant 14336 : index
    %get3A_1149 = vector.load %arg1[%get3A_1147, %get3A_1148] : memref<32x16384xf32, #tpu.memory_space<vmem>>, vector<32x512xf32>
    %add3A_1150 = arith.constant 1.000000e+00 : f32
    %add3A_1151 = vector.broadcast %add3A_1150 : f32 to vector<32x512xf32>
    %add3A_1152 = arith.addf %add3A_1151, %get3A_1149 : vector<32x512xf32>
    %ge3A_1153 = vector.broadcast %add3A : vector<32x1xf32> to vector<32x512xf32>
    %ge3A_1154 = arith.cmpf oge, %get3A_1149, %ge3A_1153 : vector<32x512xf32>
    %mul3A_1155 = arith.mulf %add3A_1152, %add3A_1152 : vector<32x512xf32>
    %sub3A_1156 = vector.broadcast %mul3A_560 : vector<32x1xf32> to vector<32x512xf32>
    %sub3A_1157 = arith.subf %mul3A_1155, %sub3A_1156 : vector<32x512xf32>
    %jit3A_1158 = arith.constant 0.000000e+00 : f32
    %broadcast_in_dim3A_1159 = vector.broadcast %jit3A_1158 : f32 to vector<32x512xf32>
    %select_n3A_1160 = arith.select %ge3A_1154, %sub3A_1157, %broadcast_in_dim3A_1159 : vector<32x512xi1>, vector<32x512xf32>
    %slice3A_1161 = vector.extract_strided_slice %select_n3A_1160 {offsets = [0, 0], sizes = [32, 256], strides = [1, 1]} : vector<32x512xf32> to vector<32x256xf32>
    %slice3A_1162 = vector.extract_strided_slice %select_n3A_1160 {offsets = [0, 256], sizes = [32, 256], strides = [1, 1]} : vector<32x512xf32> to vector<32x256xf32>
    %add3A_1163 = arith.addf %slice3A_1161, %slice3A_1162 : vector<32x256xf32>
    %slice3A_1164 = vector.extract_strided_slice %add3A_1163 {offsets = [0, 0], sizes = [32, 128], strides = [1, 1]} : vector<32x256xf32> to vector<32x128xf32>
    %slice3A_1165 = vector.extract_strided_slice %add3A_1163 {offsets = [0, 128], sizes = [32, 128], strides = [1, 1]} : vector<32x256xf32> to vector<32x128xf32>
    %add3A_1166 = arith.addf %slice3A_1164, %slice3A_1165 : vector<32x128xf32>
    %add3A_1167 = arith.addf %add3A_1146, %add3A_1166 : vector<32x128xf32>
    %get3A_1168 = arith.constant 0 : index
    %get3A_1169 = arith.constant 14848 : index
    %get3A_1170 = vector.load %arg1[%get3A_1168, %get3A_1169] : memref<32x16384xf32, #tpu.memory_space<vmem>>, vector<32x512xf32>
    %add3A_1171 = arith.constant 1.000000e+00 : f32
    %add3A_1172 = vector.broadcast %add3A_1171 : f32 to vector<32x512xf32>
    %add3A_1173 = arith.addf %add3A_1172, %get3A_1170 : vector<32x512xf32>
    %ge3A_1174 = vector.broadcast %add3A : vector<32x1xf32> to vector<32x512xf32>
    %ge3A_1175 = arith.cmpf oge, %get3A_1170, %ge3A_1174 : vector<32x512xf32>
    %mul3A_1176 = arith.mulf %add3A_1173, %add3A_1173 : vector<32x512xf32>
    %sub3A_1177 = vector.broadcast %mul3A_560 : vector<32x1xf32> to vector<32x512xf32>
    %sub3A_1178 = arith.subf %mul3A_1176, %sub3A_1177 : vector<32x512xf32>
    %jit3A_1179 = arith.constant 0.000000e+00 : f32
    %broadcast_in_dim3A_1180 = vector.broadcast %jit3A_1179 : f32 to vector<32x512xf32>
    %select_n3A_1181 = arith.select %ge3A_1175, %sub3A_1178, %broadcast_in_dim3A_1180 : vector<32x512xi1>, vector<32x512xf32>
    %slice3A_1182 = vector.extract_strided_slice %select_n3A_1181 {offsets = [0, 0], sizes = [32, 256], strides = [1, 1]} : vector<32x512xf32> to vector<32x256xf32>
    %slice3A_1183 = vector.extract_strided_slice %select_n3A_1181 {offsets = [0, 256], sizes = [32, 256], strides = [1, 1]} : vector<32x512xf32> to vector<32x256xf32>
    %add3A_1184 = arith.addf %slice3A_1182, %slice3A_1183 : vector<32x256xf32>
    %slice3A_1185 = vector.extract_strided_slice %add3A_1184 {offsets = [0, 0], sizes = [32, 128], strides = [1, 1]} : vector<32x256xf32> to vector<32x128xf32>
    %slice3A_1186 = vector.extract_strided_slice %add3A_1184 {offsets = [0, 128], sizes = [32, 128], strides = [1, 1]} : vector<32x256xf32> to vector<32x128xf32>
    %add3A_1187 = arith.addf %slice3A_1185, %slice3A_1186 : vector<32x128xf32>
    %add3A_1188 = arith.addf %add3A_1167, %add3A_1187 : vector<32x128xf32>
    %get3A_1189 = arith.constant 0 : index
    %get3A_1190 = arith.constant 15360 : index
    %get3A_1191 = vector.load %arg1[%get3A_1189, %get3A_1190] : memref<32x16384xf32, #tpu.memory_space<vmem>>, vector<32x512xf32>
    %add3A_1192 = arith.constant 1.000000e+00 : f32
    %add3A_1193 = vector.broadcast %add3A_1192 : f32 to vector<32x512xf32>
    %add3A_1194 = arith.addf %add3A_1193, %get3A_1191 : vector<32x512xf32>
    %ge3A_1195 = vector.broadcast %add3A : vector<32x1xf32> to vector<32x512xf32>
    %ge3A_1196 = arith.cmpf oge, %get3A_1191, %ge3A_1195 : vector<32x512xf32>
    %mul3A_1197 = arith.mulf %add3A_1194, %add3A_1194 : vector<32x512xf32>
    %sub3A_1198 = vector.broadcast %mul3A_560 : vector<32x1xf32> to vector<32x512xf32>
    %sub3A_1199 = arith.subf %mul3A_1197, %sub3A_1198 : vector<32x512xf32>
    %jit3A_1200 = arith.constant 0.000000e+00 : f32
    %broadcast_in_dim3A_1201 = vector.broadcast %jit3A_1200 : f32 to vector<32x512xf32>
    %select_n3A_1202 = arith.select %ge3A_1196, %sub3A_1199, %broadcast_in_dim3A_1201 : vector<32x512xi1>, vector<32x512xf32>
    %slice3A_1203 = vector.extract_strided_slice %select_n3A_1202 {offsets = [0, 0], sizes = [32, 256], strides = [1, 1]} : vector<32x512xf32> to vector<32x256xf32>
    %slice3A_1204 = vector.extract_strided_slice %select_n3A_1202 {offsets = [0, 256], sizes = [32, 256], strides = [1, 1]} : vector<32x512xf32> to vector<32x256xf32>
    %add3A_1205 = arith.addf %slice3A_1203, %slice3A_1204 : vector<32x256xf32>
    %slice3A_1206 = vector.extract_strided_slice %add3A_1205 {offsets = [0, 0], sizes = [32, 128], strides = [1, 1]} : vector<32x256xf32> to vector<32x128xf32>
    %slice3A_1207 = vector.extract_strided_slice %add3A_1205 {offsets = [0, 128], sizes = [32, 128], strides = [1, 1]} : vector<32x256xf32> to vector<32x128xf32>
    %add3A_1208 = arith.addf %slice3A_1206, %slice3A_1207 : vector<32x128xf32>
    %add3A_1209 = arith.addf %add3A_1188, %add3A_1208 : vector<32x128xf32>
    %get3A_1210 = arith.constant 0 : index
    %get3A_1211 = arith.constant 15872 : index
    %get3A_1212 = vector.load %arg1[%get3A_1210, %get3A_1211] : memref<32x16384xf32, #tpu.memory_space<vmem>>, vector<32x512xf32>
    %add3A_1213 = arith.constant 1.000000e+00 : f32
    %add3A_1214 = vector.broadcast %add3A_1213 : f32 to vector<32x512xf32>
    %add3A_1215 = arith.addf %add3A_1214, %get3A_1212 : vector<32x512xf32>
    %ge3A_1216 = vector.broadcast %add3A : vector<32x1xf32> to vector<32x512xf32>
    %ge3A_1217 = arith.cmpf oge, %get3A_1212, %ge3A_1216 : vector<32x512xf32>
    %mul3A_1218 = arith.mulf %add3A_1215, %add3A_1215 : vector<32x512xf32>
    %sub3A_1219 = vector.broadcast %mul3A_560 : vector<32x1xf32> to vector<32x512xf32>
    %sub3A_1220 = arith.subf %mul3A_1218, %sub3A_1219 : vector<32x512xf32>
    %jit3A_1221 = arith.constant 0.000000e+00 : f32
    %broadcast_in_dim3A_1222 = vector.broadcast %jit3A_1221 : f32 to vector<32x512xf32>
    %select_n3A_1223 = arith.select %ge3A_1217, %sub3A_1220, %broadcast_in_dim3A_1222 : vector<32x512xi1>, vector<32x512xf32>
    %slice3A_1224 = vector.extract_strided_slice %select_n3A_1223 {offsets = [0, 0], sizes = [32, 256], strides = [1, 1]} : vector<32x512xf32> to vector<32x256xf32>
    %slice3A_1225 = vector.extract_strided_slice %select_n3A_1223 {offsets = [0, 256], sizes = [32, 256], strides = [1, 1]} : vector<32x512xf32> to vector<32x256xf32>
    %add3A_1226 = arith.addf %slice3A_1224, %slice3A_1225 : vector<32x256xf32>
    %slice3A_1227 = vector.extract_strided_slice %add3A_1226 {offsets = [0, 0], sizes = [32, 128], strides = [1, 1]} : vector<32x256xf32> to vector<32x128xf32>
    %slice3A_1228 = vector.extract_strided_slice %add3A_1226 {offsets = [0, 128], sizes = [32, 128], strides = [1, 1]} : vector<32x256xf32> to vector<32x128xf32>
    %add3A_1229 = arith.addf %slice3A_1227, %slice3A_1228 : vector<32x128xf32>
    %add3A_1230 = arith.addf %add3A_1209, %add3A_1229 : vector<32x128xf32>
    %reduce_sum3A = arith.constant dense<0.000000e+00> : vector<32xf32>
    %reduce_sum3A_1231 = vector.multi_reduction <add>, %add3A_1230, %reduce_sum3A [1] : vector<32x128xf32> to vector<32xf32>
    %broadcast_in_dim3A_1232 = vector.shape_cast %reduce_sum3A_1231 : vector<32xf32> to vector<32x1xf32>
    %iota3A = tpu.iota {dimensions = array<i32: 1>} : vector<32x128xi32>
    %eq3A = arith.constant 0 : i32
    %eq3A_1233 = vector.broadcast %eq3A : i32 to vector<32x128xi32>
    %eq3A_1234 = arith.cmpi eq, %iota3A, %eq3A_1233 : vector<32x128xi32>
    %jit3A_1235 = arith.constant 0.000000e+00 : f32
    %broadcast_in_dim3A_1236 = vector.shape_cast %add3A : vector<32x1xf32> to vector<32x1xf32>
    %broadcast_in_dim3A_1237 = vector.broadcast %broadcast_in_dim3A_1236 : vector<32x1xf32> to vector<32x128xf32>
    %broadcast_in_dim3A_1238 = vector.broadcast %jit3A_1235 : f32 to vector<32x128xf32>
    %select_n3A_1239 = arith.select %eq3A_1234, %broadcast_in_dim3A_1237, %broadcast_in_dim3A_1238 : vector<32x128xi1>, vector<32x128xf32>
    %eq3A_1240 = arith.constant 1 : i32
    %eq3A_1241 = vector.broadcast %eq3A_1240 : i32 to vector<32x128xi32>
    %eq3A_1242 = arith.cmpi eq, %iota3A, %eq3A_1241 : vector<32x128xi32>
    %jit3A_1243 = arith.constant 0.000000e+00 : f32
    %broadcast_in_dim3A_1244 = vector.shape_cast %broadcast_in_dim3A_1232 : vector<32x1xf32> to vector<32x1xf32>
    %broadcast_in_dim3A_1245 = vector.broadcast %broadcast_in_dim3A_1244 : vector<32x1xf32> to vector<32x128xf32>
    %broadcast_in_dim3A_1246 = vector.broadcast %jit3A_1243 : f32 to vector<32x128xf32>
    %select_n3A_1247 = arith.select %eq3A_1242, %broadcast_in_dim3A_1245, %broadcast_in_dim3A_1246 : vector<32x128xi1>, vector<32x128xf32>
    %add3A_1248 = arith.addf %select_n3A_1239, %select_n3A_1247 : vector<32x128xf32>
    %swap3A = arith.constant 0 : index
    %swap3A_1249 = arith.constant 0 : index
    %swap3A_1250 = vector.load %arg2[%swap3A, %swap3A_1249] : memref<32x128xf32, #tpu.memory_space<vmem>>, vector<32x128xf32>
    tpu.vector_store %arg2[%swap3A, %swap3A_1249], %add3A_1248 {strides = array<i32>} : memref<32x128xf32, #tpu.memory_space<vmem>>, vector<32x128xf32>,
    return
  }
  func.func @transform_0(%arg0: i32) -> (i32, i32) {
    %c0_i32 = arith.constant 0 : i32
    %c0_i32_0 = arith.constant 0 : i32
    return %arg0, %c0_i32 : i32, i32
  }
  func.func @transform_1(%arg0: i32) -> (i32, i32) {
    %c0_i32 = arith.constant 0 : i32
    %c0_i32_0 = arith.constant 0 : i32
    return %arg0, %c0_i32 : i32, i32
  }
}

</mosaic_0001>

<sc_bundles>
// kernel: kernel.5.cloned.1.call-start
scs
__scs_entry_jumppad:
0x0: {  	(pc) =	sbr.rel $0x88, $3  }
0x1: {  	(tag) =	ssettag $0x0;
	lr =	simm.s32 $0x1  }
0x2: {  	[smem:$0x3F9F] =	sst lr;
	_ =	strace $0xD0000000  }
0x3: {  	_ = 	snop  }
0x4: {  	_ = 	snop  }
0x5: {  	_ = 	snop  }
0x6: {  	_ = 	snop  }
0x7: {  	_ = 	snop  }
__scs_overlays_trampoline_lowered:
0x8: {  	[smem:$0x3FAE] =	sst s0  }
0x9: {  	[smem:$0x3FAF] =	sst s1  }
0xa: {  	[smem:$0x3FB0] =	sst s2  }
0xb: {  	[smem:$0x3FB1] =	sst s3  }
0xc: {  	[smem:$0x3FB2] =	sst s4  }
0xd: {  	[smem:$0x3FB3] =	sst s5  }
0xe: {  	[smem:$0x3FB4] =	sst s6  }
0xf: {  	[smem:$0x3FB5] =	sst s7  }
0x10: {  	[smem:$0x3FB6] =	sst s8  }
0x11: {  	[smem:$0x3FB7] =	sst s9;
	s0 =	simm.s32 @!p0 $0x0  }
0x12: {  	s1 =	sld [smem:$0x3F9D];
	s0 =	simm.s32 @p0 $0x1  }
0x13: {  	[smem:$0x3FB8] =	sst s0;
	s0 =	simm.s32 @!p1 $0x0  }
0x14: {  	s2 =	sld [smem:$0x3F9C];
	s0 =	simm.s32 @p1 $0x1  }
0x15: {  	[smem:$0x3FB9] =	sst s0;
	s0 =	simm.s32 @!p2 $0x0  }
0x16: {  	s3 =	sld [smem:$0x3FDB];
	s0 =	simm.s32 @p2 $0x1  }
0x17: {  	s4 =	simm.s32 $0x1BF5;
	[smem:$0x3FBB] =	sst s0  }
0x18: {  	s0 =	sld [smem:$0x3F9E];
	_ =	swait.ge [sflag:s4], $0x0  }
0x19: {  	s7 =	sld [smem:$0x3F9F]  }
0x1a: {  	s8 =	sadd.s32 $0xFFFFE003, lr  }
0x1b: {  	s9 =	sadd.s32 $0xFFFFFEF7, lr;
	s5 =	simm.s32 $0xFFFFFFFF;
	p2 =	slt.u32 s8, $0xFFFFF086  }
0x1c: {  	p1 =	slt.u32 s9, $0xF7A;
	s5 =	simm.s32 @!p2 $0x0  }
0x1d: {  	s5 =	simm.s32 @p1 $0x1;
	p0 =	seq.s32 s7, s2  }
0x1e: {  	s7 =	smul.u32 @!p0 $0xF7A, s2;
	p2 =	seq.s32 @!p0 s5, $0x0  }
0x1f: {  	s9 =	smul.u32 $0xF7A, s1;
	s8 =	simm.s32 @!p0 $0x1BF5;
	p2 =	por !p2, p0  }
0x20: {  	[sflag:s8] =	ssyncset.s32 @!p0 $0xFFFFF086;
	s6 =	sadd.s32 @!p0 s3, s7;
	s7 =	simm.s32 @!p0 $0x108  }
0x21: {  	s3 =	sadd.s32 s3, s9;
	s6 =	sadd.s32 @!p0 $0x88, s6;
	s7 =	simm.s32 @p2 $0x1082  }
0x22: {  	[simem:s7], [sflag:s8] =	dma.local @!p0 [hbm:s6], $0xF7A  }
0x23: {  	s9 =	sor.u32 $0xD0000000, s2;
	s6 =	simm.s32 $0x108;
	_ =	swait.ge @!p0 [sflag:s8], $0x0  }
0x24: {  	s3 =	sadd.s32 $0x88, s3;
	s6 =	simm.s32 @!p1 $0x1082;
	[sflag:s4] =	ssyncset.s32 $0xFFFFF086  }
0x25: {  	[simem:s6], [sflag:s4] =	dma.local [hbm:s3], $0xF7A  }
0x26: {  	[smem:$0x3F9F] =	sst s1;
	(tag) =	ssettag s2;
	_ =	strace s9  }
0x27: {  	s1 =	sld [smem:$0x3FAF]  }
0x28: {  	s2 =	sld [smem:$0x3FB0]  }
0x29: {  	s4 =	sld [smem:$0x3FB2]  }
0x2a: {  	p0 =	seq.s32 s5, $0x0;
	s5 =	sld [smem:$0x3FB3]  }
0x2b: {  	s6 =	sld [smem:$0x3FB4]  }
0x2c: {  	s7 =	sld [smem:$0x3FB5]  }
0x2d: {  	s3 =	simm.s32 $0x108;
	s8 =	sld [smem:$0x3FB6]  }
0x2e: {  	s3 =	simm.s32 @!p0 $0x1082;
	s9 =	sld [smem:$0x3FB7]  }
0x2f: {  	lr =	sadd.s32 s0, s3;
	s0 =	sld [smem:$0x3FAE]  }
0x30: {  	s3 =	sld [smem:$0x3FB1]  }
0x31: {  	[smem:$0x3FBA] =	sst s10  }
0x32: {  	s10 =	sld [smem:$0x3FB8];
	_ =	sdelay $0x3  }
0x33: {  	p0 =	seq.s32 s10, $0x1;
	s10 =	sld [smem:$0x3FBA];
	_ =	sdelay $0x3  }
0x34: {  	[smem:$0x3FBA] =	sst s10  }
0x35: {  	s10 =	sld [smem:$0x3FB9];
	_ =	sdelay $0x3  }
0x36: {  	p1 =	seq.s32 s10, $0x1;
	s10 =	sld [smem:$0x3FBA];
	_ =	sdelay $0x3  }
0x37: {  	[smem:$0x3FBA] =	sst s10  }
0x38: {  	s10 =	sld [smem:$0x3FBB]  }
0x39: {  	_ = 	snop;
	(pc) =	sbr.ind lr, $3  }
0x3a: {  	_ = 	snop  }
0x3b: {  	_ = 	snop  }
0x3c: {  	p2 =	seq.s32 s10, $0x1;
	s10 =	sld [smem:$0x3FBA]  }
0x3d: {  	_ =	shalt  }
0x3e: {  	_ =	shalt  }
0x3f: {  	_ =	shalt  }
0x40: {  	_ =	shalt  }
0x41: {  	_ =	shalt  }
0x42: {  	_ =	shalt  }
0x43: {  	_ =	shalt  }
0x44: {  	_ =	shalt  }
0x45: {  	_ =	shalt  }
0x46: {  	_ =	shalt  }
0x47: {  	_ =	shalt  }
0x48: {  	_ =	shalt  }
0x49: {  	_ =	shalt  }
0x4a: {  	_ =	shalt  }
0x4b: {  	_ =	shalt  }
0x4c: {  	_ =	shalt  }
0x4d: {  	_ =	shalt  }
0x4e: {  	_ =	shalt  }
0x4f: {  	_ =	shalt  }
0x50: {  	_ =	shalt  }
0x51: {  	_ =	shalt  }
0x52: {  	_ =	shalt  }
0x53: {  	_ =	shalt  }
0x54: {  	_ =	shalt  }
0x55: {  	_ =	shalt  }
0x56: {  	_ =	shalt  }
0x57: {  	_ =	shalt  }
0x58: {  	_ =	shalt  }
0x59: {  	_ =	shalt  }
0x5a: {  	_ =	shalt  }
0x5b: {  	_ =	shalt  }
0x5c: {  	_ =	shalt  }
0x5d: {  	_ =	shalt  }
0x5e: {  	_ =	shalt  }
0x5f: {  	_ =	shalt  }
0x60: {  	_ =	shalt  }
0x61: {  	_ =	shalt  }
0x62: {  	_ =	shalt  }
0x63: {  	_ =	shalt  }
0x64: {  	_ =	shalt  }
0x65: {  	_ =	shalt  }
0x66: {  	_ =	shalt  }
0x67: {  	_ =	shalt  }
0x68: {  	_ =	shalt  }
0x69: {  	_ =	shalt  }
0x6a: {  	_ =	shalt  }
0x6b: {  	_ =	shalt  }
0x6c: {  	_ =	shalt  }
0x6d: {  	_ =	shalt  }
0x6e: {  	_ =	shalt  }
0x6f: {  	_ =	shalt  }
0x70: {  	_ =	shalt  }
0x71: {  	_ =	shalt  }
0x72: {  	_ =	shalt  }
0x73: {  	_ =	shalt  }
0x74: {  	_ =	shalt  }
0x75: {  	_ =	shalt  }
0x76: {  	_ =	shalt  }
0x77: {  	_ =	shalt  }
0x78: {  	_ =	shalt  }
0x79: {  	_ =	shalt  }
0x7a: {  	_ =	shalt  }
0x7b: {  	_ =	shalt  }
0x7c: {  	_ =	shalt  }
0x7d: {  	_ =	shalt  }
0x7e: {  	_ =	shalt  }
0x7f: {  	_ =	shalt  }
0x80: {  	_ =	shalt  }
0x81: {  	_ =	shalt  }
0x82: {  	_ =	shalt  }
0x83: {  	_ =	shalt  }
0x84: {  	_ =	shalt  }
0x85: {  	_ =	shalt  }
0x86: {  	_ =	shalt  }
0x87: {  	_ =	shalt  }
.Lfunc_end0:
.L_simem_size_0:
called_computation_lowered:
.L_overlay_start_0:
0x88: {  	s2 =	sld [smem:$0x3FD9]  }
0x89: {  	s3 =	sld [smem:$0x3FFE];
	_ =	sdelay $0x1  }
0x8a: {  	s1 =	srdreg.scid  }
0x8b: {  	s0 =	sand.u32 $0x1, s1  }
0x8c: {  	s17 =	sshll.u32 s0, $0xA;
	s2 =	sadd.s32 s3, s2  }
0x8d: {  	s2 =	sadd.s32 s2, s17  }
0x8e: {  	[smem:$0x3FC6] =	sst s2  }
0x8f: {  	_ = 	snop  }
0x90: {  	s2 =	sld [smem:$0x3FC8];
	(tm) =	ssettm $0x1  }
0x91: {  	s18 =	sld [smem:$0x3FFB];
	_ =	sdelay $0x3  }
0x92: {  	_ =	strace s18  }
0x93: {  	s3 =	sld [smem:$0x3FFC];
	_ =	sdelay $0x3  }
0x94: {  	_ =	strace s3  }
0x95: {  	s3 =	sld [smem:$0x3FFD];
	_ =	sdelay $0x3  }
0x96: {  	_ =	strace s3  }
0x97: {  	_ =	strace $0x8FFFFFFF  }
0x98: {  	s19 =	sld [smem:$0x3FDB];
	_ =	sdelay $0x1  }
0x99: {  	s4 =	simm.s32 $_scs_section_size  }
0x9a: {  	s5 =	simm.s32 $_size__tile_overlayer_lowered;
	s6 =	simm.s32 $_tile_overlayer_lowered  }
0x9b: {  	s22 =	simm.s32 $0x1BFF;
	s21 =	sshll.u32 s6, $0x1;
	s3 =	sadd.s32 s4, s19  }
0x9c: {  	s7 =	simm.s32 $0x0;
	s20 =	sshll.u32 s5, $0x1;
	s5 =	sadd.s32 s21, s3  }
0x9d: {  	[timem:s7], [sflag:s22] =	dma.local [hbm:s5], s20  }
0x9e: {  	_ =	swait.ge [sflag:s22], s20  }
0x9f: {  	s4 =	ssub.s32 $0x0, s20;
	[sflag:s22] =	ssyncset.done $0x0  }
0xa0: {  	[sflag:s22] =	ssyncadd.s32 s4;
	_ =	sdelay $0x1  }
0xa1: {  	s23 =	simm.s32 $0x1B8B  }
0xa2: {  	_ =	swait.ge [sflag:s23], $0x1  }
0xa3: {  	[sflag:s23] =	ssyncset.done $0x0  }
0xa4: {  	s25 =	simm.s32 $0x1B8E;
	s24 =	sld [smem:$0x3FFE];
	[sflag:s23] =	ssyncadd.s32 $0xFFFFFFFF  }
0xa5: {  	s26 =	simm.s32 $execute0_lowered;
	[smem:$0x3FD2] =	sst s25  }
0xa6: {  	s5 =	sshll.u32 s26, $0x1;
	_ =	strace $0x80000046;
	[dreg:$0x1] =	wrdreg $0xFFFFFFFF  }
0xa7: {  	s28 =	simm.s32 $_size_execute0_lowered;
	s3 =	sadd.s32 s3, s5;
	[dreg:$0x0] =	wrdreg $0x0  }
0xa8: {  	s5 =	sshll.u32 s28, $0x1;
	[dreg:$0x2] =	wrdreg s3  }
0xa9: {  	[dreg:$0x3] =	wrdreg s5  }
0xaa: {  	[dreg:$0x4] =	wrdreg $0xC0  }
0xab: {  	_ =	task [dreg:s7], $0x5FFFF  }
0xac: {  	[dreg:$0x1] =	wrdreg $0xFFFFFFFF  }
0xad: {  	[dreg:$0x0] =	wrdreg $0x60  }
0xae: {  	[dreg:$0x2] =	wrdreg s24  }
0xaf: {  	[dreg:$0x3] =	wrdreg s2  }
0xb0: {  	[dreg:$0x4] =	wrdreg $0x9  }
0xb1: {  	_ =	task.clear_ibuf [dreg:s7], $0x5FFFF;
	_ =	strace $0x90000046  }
0xb2: {  	s29 =	simm.s32 $0x9;
	_ =	strace $0x80000048  }
0xb3: {  	_ =	swait.ge [sflag:s29], $0x1  }
0xb4: {  	[sflag:s29] =	ssyncadd.s32 $0xFFFFFFFF  }
0xb5: {  	_ =	strace $0x90000048  }
0xb6: {  	_ =	sfence  }
0xb7: {  	s30 =	sld [smem:$0x0];
	_ =	sdelay $0x2  }
0xb8: {  	s31 =	sshll.u32 s1, $0xD;
	s1 =	sshrl.u32 s1, $0x2  }
0xb9: {  	s3 =	sand.u32 $0x4000, s31;
	s1 =	sadd.s32 s1, s30  }
0xba: {  	s0 =	sor.u32 s3, s0;
	s1 =	sshll.u32 s1, $0x11  }
0xbb: {  	s0 =	sor.u32 s1, s0  }
0xbc: {  	s0 =	sadd.s32 $0x8F2B, s0  }
0xbd: {  	[sflag:s0] =	ssyncadd.remote.s32 $0x1  }
0xbe: {  	_ =	sfence.sel $0xFFFF  }
0xbf: {  	[dreg:$0x0] =	wrdreg $0xFFFFFFFF;
	(pc) =	sbr.abs _section_cstart, $3  }
0xc0: {  	[dreg:$0x1] =	wrdreg $0xFFFFFFFF  }
0xc1: {  	_ =	task.clear_ibuf [dreg:s7], $0x2FFFF;
	_ =	strace $0x9FFFFFFF  }
0xc2: {  	(tm) =	ssettm $0x7FFFFFFF  }
0xc3: {  	_ =	shalt  }
tec
execute0_lowered:
.L_overlay_start_1:
0x0: {  	(tag) =	ssettag $0x1  }
0x1: {  	s1 =	srdreg.scid  }
0x2: {  	s6 =	rddreg [dreg:$0x0];
	s0 =	stileid.u32;
	s5 =	sand.u32 $0x1, s1  }
0x3: {  	s3 =	rddreg [dreg:$0x1];
	s4 =	sshll.u32 s0, $0x8;
	s7 =	sshll.u32 s5, $0x7  }
0x4: {  	s2 =	simm.s32 $0x0;
	s1 =	rddreg [dreg:$0x2];
	s7 =	sor.u32 s7, s4  }
0x5: {  	[smem:$0x7FF] =	sst s2;
	s4 =	sshrl.u32 s7, $0x3  }
0x6: {  	_ =	strace $0x80000047;
	s4 =	sadd.s32 s3, s4;
	s3 =	simm.s32 $0x2  }
0x7: {  	[tilespmem:s2], [sflag:$0x2] =	stream.linear.gather [hbm4b:s4+s2], $0x80, $0x38;
	[tilespmem:$0x4100] =	vst v63  }
0x8: {  	_ =	swait.ge [sflag:s3], $0x80  }
0x9: {  	[sflag:s3] =	ssyncset.done $0x0  }
0xa: {  	[sflag:s3] =	ssyncadd.s32 $0xFFFFFF80  }
0xb: {  	v0 =	vlaneseq.u32;
	v1 =	vmov s7;
	s8 =	sor.u32 $0x10, s7;
	v5 =	vld [tilespmem:$0x50]  }
0xc: {  	v7 =	vmul.u32 $0x80, v0;
	s25 =	sor.u32 $0x20, s7;
	s26 =	sor.u32 $0x30, s7;
	s28 =	sor.u32 $0x50, s7;
	v0 =	vshll.u32 v1, $0x7;
	v1 =	vmov s8;
	v6 =	vld [tilespmem:$0x30]  }
0xd: {  	s9 =	sor.u32 $0x40, s7;
	s29 =	sor.u32 $0x60, s7;
	v2 =	vmov s25;
	v3 =	vmov s26;
	v4 =	vmov s28;
	v8 =	vld [tilespmem:$0x20]  }
0xe: {  	v10 =	vmov s9;
	v14 =	vmov s29;
	v0 =	vor.u32 v7, v0;
	v9 =	vld [tilespmem:$0x10]  }
0xf: {  	s5 =	ssub.s32 $0x2, s5;
	v1 =	vshll.u32 v1, $0x7;
	v2 =	vshll.u32 v2, $0x7;
	v3 =	vshll.u32 v3, $0x7;
	v11 =	vld [tilespmem:$0x40]  }
0x10: {  	s30 =	sshrl.u32 s5, $0x1;
	v4 =	vshll.u32 v4, $0x7;
	v10 =	vshll.u32 v10, $0x7;
	v14 =	vshll.u32 v14, $0x7;
	v12 =	vld [tilespmem:$0x0]  }
0x11: {  	s8 =	ssub.s32 s5, s30;
	v3 =	vor.u32 v7, v3;
	v4 =	vor.u32 v7, v4;
	v13 =	vshra.s32 v5, $0x7  }
0x12: {  	s10 =	smax.u32 s8, $0x1;
	v63 =	vld [tilespmem:$0x60];
	v5 =	vor.u32 v7, v10;
	v6 =	vshra.s32 v6, $0x7;
	v10 =	vadd.s32 v4, v13  }
0x13: {  	v2 =	vor.u32 v7, v2;
	p0 =	sne.s32 s10, $0x1;
	v8 =	vshra.s32 v8, $0x7;
	v6 =	vadd.s32 v3, v6;
	[tilespmem:$0xD0] =	vst v10;
	v10 =	vld [tilespmem:$0x70]  }
.Ltmp0:
0x14: {  	v1 =	vor.u32 v7, v1;
	v9 =	vshra.s32 v9, $0x7;
	v8 =	vadd.s32 v2, v8;
	[tilespmem:$0xB0] =	vst v6;
	(pc) =	sbr.rel @!p0 .LBB2_2-.Ltmp0, $4  }
0x15: {  	s31 =	sshll.u32 s7, $0x4;
	s7 =	sor.u32 $0x70, s7;
	v12 =	vshra.s32 v12, $0x7;
	v9 =	vadd.s32 v1, v9;
	[tilespmem:$0xA0] =	vst v8;
	v8 =	vshra.s32 v11, $0x7  }
0x16: {  	s5 =	sadd.s32 $0x800, s6;
	s6 =	sadd.s32 s31, s6;
	v6 =	vor.u32 v7, v14;
	v11 =	vmov s7;
	[tilespmem:$0x90] =	vst v9;
	v8 =	vadd.s32 v5, v8  }
0x17: {  	s9 =	simm.s32 $0x1;
	s6 =	sadd.s32 $0x800800, s6;
	v9 =	vshll.u32 v11, $0x7;
	v11 =	vadd.s32 v0, v12;
	[tilespmem:$0xC0] =	vst v8;
	v8 =	vshra.s32 v63, $0x7  }
0x18: {  	s8 =	simm.s32 $0x100;
	s10 =	sadd.s32 $0xFFFFFFFF, s10;
	s7 =	simm.s32 $0x80;
	v7 =	vor.u32 v7, v9;
	[tilespmem:$0x80] =	vst v11;
	v8 =	vadd.s32 v6, v8;
	v9 =	vshra.s32 v10, $0x7  }
.LBB2_1:
0x19: {  	p0 =	sne.s32 s10, $0x1;
	s10 =	sadd.s32 $0xFFFFFFFF, s10;
	[tilespmem:$0xE0] =	vst v8;
	v8 =	vadd.s32 v7, v9  }
0x1a: {  	[tilespmem:$0xF0] =	vst v8  }
0x1b: {  	[tilespmem:s8], [sflag:$0x1] =	stream.indirect.gather [hbm4b:s5+s7], $0x80, s7, s7, $0xb8;
	[tilespmem:$0x4100] =	vst v63  }
0x1c: {  	_ =	swait.ge [sflag:s9], $0x4000  }
0x1d: {  	[sflag:s9] =	ssyncset.done $0x0  }
0x1e: {  	[sflag:s9] =	ssyncadd.s32 $0xFFFFC000  }
0x1f: {  	[hbm4b:s6+s2] =	stream.linear.scatter [tilespmem:s8], [sflag:$0x2], $0x4000, $0x38;
	[tilespmem:$0x4100] =	vst v63  }
0x20: {  	_ =	swait.ge [sflag:s3], $0x4000  }
0x21: {  	[sflag:s3] =	ssyncset.done $0x0  }
0x22: {  	[sflag:s3] =	ssyncadd.s32 $0xFFFFC000  }
0x23: {  	[tilespmem:s2], [sflag:$0x2] =	stream.linear.gather [hbm4b:s4+s2], $0x80, $0x38;
	[tilespmem:$0x4100] =	vst v63  }
0x24: {  	_ =	swait.ge [sflag:s3], $0x80  }
0x25: {  	[sflag:s3] =	ssyncset.done $0x0  }
0x26: {  	[sflag:s3] =	ssyncadd.s32 $0xFFFFFF80  }
0x27: {  	v8 =	vld [tilespmem:$0x50]  }
0x28: {  	v9 =	vld [tilespmem:$0x30]  }
0x29: {  	v10 =	vld [tilespmem:$0x20]  }
0x2a: {  	v11 =	vld [tilespmem:$0x10]  }
0x2b: {  	v12 =	vld [tilespmem:$0x40]  }
0x2c: {  	v13 =	vld [tilespmem:$0x0];
	v8 =	vshra.s32 v8, $0x7  }
0x2d: {  	v9 =	vshra.s32 v9, $0x7;
	v8 =	vadd.s32 v4, v8;
	v14 =	vld [tilespmem:$0x60]  }
0x2e: {  	v10 =	vshra.s32 v10, $0x7;
	v9 =	vadd.s32 v3, v9;
	[tilespmem:$0xD0] =	vst v8;
	v15 =	vld [tilespmem:$0x70]  }
.Ltmp1:
0x2f: {  	v8 =	vshra.s32 v11, $0x7;
	v10 =	vadd.s32 v2, v10;
	[tilespmem:$0xB0] =	vst v9;
	(pc) =	sbr.rel @p0 .LBB2_1-.Ltmp1, $4  }
0x30: {  	v8 =	vadd.s32 v1, v8;
	[tilespmem:$0xA0] =	vst v10;
	v9 =	vshra.s32 v12, $0x7  }
0x31: {  	v10 =	vshra.s32 v13, $0x7;
	[tilespmem:$0x90] =	vst v8;
	v8 =	vadd.s32 v5, v9  }
0x32: {  	v9 =	vadd.s32 v0, v10;
	[tilespmem:$0xC0] =	vst v8;
	v8 =	vshra.s32 v14, $0x7  }
0x33: {  	[tilespmem:$0x80] =	vst v9;
	v8 =	vadd.s32 v6, v8;
	v9 =	vshra.s32 v15, $0x7  }
.LBB2_2:
0x34: {  	[tilespmem:$0xE0] =	vst v8;
	v0 =	vadd.s32 v7, v9  }
0x35: {  	[tilespmem:$0xF0] =	vst v0  }
0x36: {  	[tilespmem:s8], [sflag:$0x1] =	stream.indirect.gather [hbm4b:s5+s7], $0x80, s7, s7, $0xb8;
	[tilespmem:$0x4100] =	vst v63  }
0x37: {  	_ =	swait.ge [sflag:s9], $0x4000  }
0x38: {  	[sflag:s9] =	ssyncset.done $0x0  }
0x39: {  	[sflag:s9] =	ssyncadd.s32 $0xFFFFC000  }
0x3a: {  	[hbm4b:s6+s2] =	stream.linear.scatter [tilespmem:s8], [sflag:$0x2], $0x4000, $0x38;
	[tilespmem:$0x4100] =	vst v63  }
0x3b: {  	_ =	swait.ge [sflag:s3], $0x4000  }
0x3c: {  	[sflag:s3] =	ssyncset.done $0x0  }
0x3d: {  	[sflag:s3] =	ssyncadd.s32 $0xFFFFC000  }
0x3e: {  	_ =	sfence.sel $0x180000  }
0x3f: {  	[bflag:$0x0] =	sbarrier.arrive $0xFFFF  }
0x40: {  	p0 =	sne.s32 s0, $0x0;
	_ =	strace $0x90000047  }
0x41: {  	s0 =	sadd.s32 @!p0 $0x100000, s1;
	[bflag:$0x2] =	sbarrier.arrive $0xFFFF  }
0x42: {  	[sflag:s0] =	ssyncadd.tile.s32 @!p0 $0x1;
	_ =	shalt  }
.Lfunc_end2:
_tile_overlayer_lowered:
.L_overlay_start_2:
0x43: {  	(tag) =	ssettag $0x2  }
0x44: {  	s0 =	rddreg [dreg:$0x0];
	s2 =	stileid.u32  }
0x45: {  	s1 =	rddreg [dreg:$0x1];
	p0 =	sne.s32 s2, $0x0  }
0x46: {  	s3 =	rddreg [dreg:$0x2];
	[bflag:$0x3] =	sbarrier.arrive $0xFFFF;
	s2 =	simm.s32 @!p0 $0x1C02  }
0x47: {  	[timem:s3], [sflag:s2] =	dma.local @!p0 [hbm:s0], s1  }
0x48: {  	s0 =	simm.s32 @!p0 $0x2  }
0x49: {  	_ =	swait.ge @!p0 [sflag:s0], s1  }
0x4a: {  	s1 =	ssub.s32 @!p0 $0x0, s1;
	[sflag:s0] =	ssyncset.done @!p0 $0x0  }
0x4b: {  	[sflag:s0] =	ssyncadd.s32 @!p0 s1  }
0x4c: {  	[bflag:$0x3] =	sbarrier.arrive $0xFFFF  }
0x4d: {  	_ =	shalt  }

</sc_bundles>
